<compile_context>
chip_gen: v7x
topology: tpu7x:2x2x1
jax: 0.10.2.dev20260603
libtpu: 0.0.44.dev20260713+nightly
codegen_flags: <defaults>
</compile_context>

<pallas_src>
import functools
import jax
import jax.numpy as jnp
from jax import lax
from jax.experimental import pallas as pl
from jax.experimental.pallas import tpu as pltpu
from jax.experimental.pallas import tpu_sc as plsc

N = 50000
E = 800000
H = 64
G = 128
EPS = 1e-5

NPAD = 51200
EP = 819200
EROWS = EP // 128
DUMMY = NPAD - 1
BN = 2048
GRID = NPAD // BN
STRIPE = NPAD // 16
TROWS = EROWS // 32
CNT_EL = float(N * H)

_mesh = plsc.VectorSubcoreMesh(core_axis_name="c", subcore_axis_name="s")
_sc_params = pltpu.CompilerParams(use_tc_tiling_on_sc=False)


@functools.partial(
    pl.kernel,
    out_type=jax.ShapeDtypeStruct((2, NPAD), jnp.float32),
    mesh=_mesh,
    compiler_params=_sc_params,
    scratch_types=[
        pltpu.VMEM((TROWS, 128), jnp.int32),
        pltpu.VMEM((128,), jnp.float32),
        pltpu.VMEM_SHARED((NPAD,), jnp.float32),
    ],
)
def _deg_kernel(dst_hbm, zeros_hbm, out_hbm, dst_v, ones_v, acc):
    c = lax.axis_index("c")
    s = lax.axis_index("s")
    w = c * 16 + s
    pltpu.sync_copy(zeros_hbm, acc.at[pl.ds(s * STRIPE, STRIPE)])
    for i in range(8):
        ones_v[pl.ds(i * 16, 16)] = jnp.ones((16,), jnp.float32)
    pltpu.sync_copy(dst_hbm.at[pl.ds(w * TROWS, TROWS)], dst_v)
    plsc.subcore_barrier()

    def body(j, carry):
        pltpu.sync_copy(ones_v, acc.at[dst_v.at[j]], add=True)
        return carry

    lax.fori_loop(0, TROWS, body, 0)
    plsc.subcore_barrier()
    pltpu.sync_copy(acc.at[pl.ds(s * STRIPE, STRIPE)],
                    out_hbm.at[c, pl.ds(s * STRIPE, STRIPE)])


@functools.partial(
    pl.kernel,
    out_type=jax.ShapeDtypeStruct((2, NPAD, 16), jnp.float32),
    mesh=_mesh,
    compiler_params=_sc_params,
    scratch_types=[
        pltpu.VMEM((TROWS, 128), jnp.int32),
        pltpu.VMEM((TROWS, 128), jnp.int32),
        pltpu.VMEM((128, 16), jnp.float32),
        pltpu.VMEM((128, 16), jnp.float32),
        pltpu.VMEM_SHARED((NPAD, 16), jnp.float32),
        pltpu.SemaphoreType.DMA,
    ],
)
def _agg16_kernel(src_hbm, dst_hbm, tab_hbm, zrow_hbm, out_hbm,
                  src_v, dst_v, rows_v, zbuf, acc, sem):
    c = lax.axis_index("c")
    s = lax.axis_index("s")
    w = c * 16 + s
    pltpu.sync_copy(zrow_hbm, zbuf)

    def zb(k, carry):
        pltpu.sync_copy(zbuf, acc.at[pl.ds(s * STRIPE + k * 128, 128)])
        return carry

    lax.fori_loop(0, STRIPE // 128, zb, 0)
    pltpu.sync_copy(src_hbm.at[pl.ds(w * TROWS, TROWS)], src_v)
    pltpu.sync_copy(dst_hbm.at[pl.ds(w * TROWS, TROWS)], dst_v)
    plsc.subcore_barrier()

    def body(j, carry):
        pltpu.async_copy(tab_hbm.at[src_v.at[j]], rows_v, sem).wait()
        pltpu.sync_copy(rows_v, acc.at[dst_v.at[j]], add=True)
        return carry

    lax.fori_loop(0, TROWS, body, 0)
    plsc.subcore_barrier()
    pltpu.sync_copy(acc.at[pl.ds(s * STRIPE, STRIPE)],
                    out_hbm.at[c, pl.ds(s * STRIPE, STRIPE)])


def _k2_body(x_ref, d0_ref, d1_ref, dinv_ref, xs_ref):
    deg = d0_ref[0, 0, :] + d1_ref[0, 0, :] + 1.0
    dv = lax.rsqrt(deg).reshape(BN, 1)
    dinv_ref[...] = dv
    xs_ref[...] = x_ref[...] * dv


def _stats_vec(i, blk):
    rows = i * BN + lax.broadcasted_iota(jnp.int32, (BN, 1), 0)
    m = rows < N
    bm = jnp.where(m, blk, 0.0)
    s1 = jnp.sum(bm)
    s2 = jnp.sum(bm * bm)
    col = lax.broadcasted_iota(jnp.int32, (1, 128), 1)
    return jnp.where(col == 0, s1, 0.0) + jnp.where(col == 1, s2, 0.0)


def _k4_body(a0_ref, a1_ref, xs_ref, dinv_ref, w1_ref, b1_ref,
             f1w_ref, f1b_ref, f2w_ref, f2b_ref, h2_ref, st_ref):
    i = pl.program_id(0)
    pre = (a0_ref[0] + a1_ref[0] + xs_ref[...]) * dinv_ref[...]
    h1 = jax.nn.relu(jnp.dot(pre, w1_ref[...], preferred_element_type=jnp.float32)
                     + b1_ref[...])
    h = jax.nn.relu(jnp.dot(h1, f1w_ref[...], preferred_element_type=jnp.float32)
                    + f1b_ref[...])
    h2 = jax.nn.relu(jnp.dot(h, f2w_ref[...], preferred_element_type=jnp.float32)
                     + f2b_ref[...] + h1)
    h2_ref[...] = h2
    vec = _stats_vec(i, h2)

    @pl.when(i == 0)
    def _():
        st_ref[...] = vec

    @pl.when(i > 0)
    def _():
        st_ref[...] = st_ref[...] + vec


def _norm_consts(st_ref):
    st = st_ref[...]
    col = lax.broadcasted_iota(jnp.int32, (1, 128), 1)
    s1 = jnp.sum(jnp.where(col == 0, st, 0.0))
    s2 = jnp.sum(jnp.where(col == 1, st, 0.0))
    mean = s1 / CNT_EL
    var = s2 / CNT_EL - mean * mean
    scale = 1.0 / (jnp.sqrt(jnp.maximum(var, 0.0)) + EPS)
    return mean, scale


def _k5_body(h2_ref, st_ref, nw_ref, nb_ref, dinv_ref,
             hn_ref, g0_ref, g1_ref, g2_ref, g3_ref):
    mean, scale = _norm_consts(st_ref)
    hn = (h2_ref[...] - mean) * scale * nw_ref[...] + nb_ref[...]
    hn_ref[...] = hn
    g = hn * dinv_ref[...]
    g0_ref[...] = g[:, 0:16]
    g1_ref[...] = g[:, 16:32]
    g2_ref[...] = g[:, 32:48]
    g3_ref[...] = g[:, 48:64]


def _k7_body(a00_ref, a01_ref, a10_ref, a11_ref, a20_ref, a21_ref,
             a30_ref, a31_ref, hn_ref, dinv_ref, w2_ref, b2_ref,
             f3w_ref, f3b_ref, f4w_ref, f4b_ref, v_ref, st_ref):
    i = pl.program_id(0)
    aggfull = jnp.concatenate(
        [a00_ref[0] + a01_ref[0], a10_ref[0] + a11_ref[0],
         a20_ref[0] + a21_ref[0], a30_ref[0] + a31_ref[0]], axis=1)
    dv = dinv_ref[...]
    pre = (aggfull + hn_ref[...] * dv) * dv
    t = jnp.dot(pre, w2_ref[...], preferred_element_type=jnp.float32) + b2_ref[...]
    u = jax.nn.relu(jnp.dot(t, f3w_ref[...], preferred_element_type=jnp.float32)
                    + f3b_ref[...])
    v = (jnp.dot(u, f4w_ref[...], preferred_element_type=jnp.float32)
         + f4b_ref[...] + hn_ref[...])
    v_ref[...] = v
    vec = _stats_vec(i, v)

    @pl.when(i == 0)
    def _():
        st_ref[...] = vec

    @pl.when(i > 0)
    def _():
        st_ref[...] = st_ref[...] + vec


def _k8_body(v_ref, st_ref, nw_ref, nb_ref, fw_ref, fb_ref, b_ref,
             out_ref, acc_ref):
    i = pl.program_id(0)
    mean, scale = _norm_consts(st_ref)
    vn = (v_ref[...] - mean) * scale * nw_ref[...] + nb_ref[...]
    y = jnp.dot(vn, fw_ref[...], preferred_element_type=jnp.float32) + fb_ref[...]
    cols = lax.broadcasted_iota(jnp.int32, (BN, G), 1)
    oh = (b_ref[...] == cols).astype(jnp.float32)
    dn = (((0,), (0,)), ((), ()))
    sums_p = lax.dot_general(oh, y, dn, preferred_element_type=jnp.float32)
    cnt_p = lax.dot_general(oh, jnp.ones((BN, 1), jnp.float32), dn,
                            preferred_element_type=jnp.float32)
    part = jnp.concatenate([sums_p, cnt_p], axis=1)

    @pl.when(i == 0)
    def _():
        acc_ref[...] = part

    @pl.when(i > 0)
    def _():
        acc_ref[...] = acc_ref[...] + part

    @pl.when(i == GRID - 1)
    def _():
        out_ref[...] = acc_ref[:, :1] / jnp.maximum(acc_ref[:, 1:2], 1.0)


def _row_spec(cols):
    return pl.BlockSpec((BN, cols), lambda i: (i, 0))


def _const_spec(shape):
    nd = len(shape)
    return pl.BlockSpec(shape, lambda i: (0,) * nd)


def _part_spec(cols, core):
    return pl.BlockSpec((1, BN, cols), lambda i, c=core: (c, i, 0))


def kernel(x, edge_index, batch, W1, b1, fc1_w, fc1_b, fc2_w, fc2_b,
           norm1_w, norm1_b, W2, b2, fc3_w, fc3_b, fc4_w, fc4_b,
           norm2_w, norm2_b, fcf_w, fcf_b):
    f32 = jnp.float32
    src = edge_index[0]
    dst = edge_index[1]
    srcp = jnp.concatenate([src, jnp.zeros((EP - E,), jnp.int32)]).reshape(EROWS, 128)
    dstp = jnp.concatenate([dst, jnp.full((EP - E,), DUMMY, jnp.int32)]).reshape(EROWS, 128)
    x16 = jnp.pad(x, ((0, NPAD - N), (0, 16 - 9)))
    batchp = jnp.concatenate([batch, jnp.full((NPAD - N,), G, jnp.int32)]).reshape(NPAD, 1)

    z_stripe = jnp.zeros((STRIPE,), f32)
    z16 = jnp.zeros((128, 16), f32)

    w1p = jnp.pad(W1, ((0, 7), (0, 0)))
    b1r = b1.reshape(1, H)
    f1br = fc1_b.reshape(1, H)
    f2br = fc2_b.reshape(1, H)
    n1wr = norm1_w.reshape(1, H)
    n1br = norm1_b.reshape(1, H)
    b2r = b2.reshape(1, H)
    f3br = fc3_b.reshape(1, H)
    f4br = fc4_b.reshape(1, H)
    n2wr = norm2_w.reshape(1, H)
    n2br = norm2_b.reshape(1, H)
    fbr = fcf_b.reshape(1, 1)

    degp = _deg_kernel(dstp, z_stripe)
    d3 = degp.reshape(2 * GRID, 1, BN)

    dinv, xs = pl.pallas_call(
        _k2_body,
        grid=(GRID,),
        in_specs=[
            _row_spec(16),
            pl.BlockSpec((1, 1, BN), lambda i: (i, 0, 0)),
            pl.BlockSpec((1, 1, BN), lambda i: (GRID + i, 0, 0)),
        ],
        out_specs=[_row_spec(1), _row_spec(16)],
        out_shape=[
            jax.ShapeDtypeStruct((NPAD, 1), f32),
            jax.ShapeDtypeStruct((NPAD, 16), f32),
        ],
    )(x16, d3, d3)

    aggp = _agg16_kernel(srcp, dstp, xs, z16)

    h2, st1 = pl.pallas_call(
        _k4_body,
        grid=(GRID,),
        in_specs=[
            _part_spec(16, 0), _part_spec(16, 1),
            _row_spec(16), _row_spec(1),
            _const_spec((16, H)), _const_spec((1, H)),
            _const_spec((H, H)), _const_spec((1, H)),
            _const_spec((H, H)), _const_spec((1, H)),
        ],
        out_specs=[_row_spec(H), _const_spec((1, 128))],
        out_shape=[
            jax.ShapeDtypeStruct((NPAD, H), f32),
            jax.ShapeDtypeStruct((1, 128), f32),
        ],
    )(aggp, aggp, xs, dinv, w1p, b1r, fc1_w, f1br, fc2_w, f2br)

    hn, g0, g1, g2, g3 = pl.pallas_call(
        _k5_body,
        grid=(GRID,),
        in_specs=[
            _row_spec(H), _const_spec((1, 128)),
            _const_spec((1, H)), _const_spec((1, H)), _row_spec(1),
        ],
        out_specs=[_row_spec(H)] + [_row_spec(16)] * 4,
        out_shape=[jax.ShapeDtypeStruct((NPAD, H), f32)]
        + [jax.ShapeDtypeStruct((NPAD, 16), f32)] * 4,
    )(h2, st1, n1wr, n1br, dinv)

    a2 = [_agg16_kernel(srcp, dstp, gq, z16) for gq in (g0, g1, g2, g3)]

    v, st2 = pl.pallas_call(
        _k7_body,
        grid=(GRID,),
        in_specs=[
            _part_spec(16, 0), _part_spec(16, 1),
            _part_spec(16, 0), _part_spec(16, 1),
            _part_spec(16, 0), _part_spec(16, 1),
            _part_spec(16, 0), _part_spec(16, 1),
            _row_spec(H), _row_spec(1),
            _const_spec((H, H)), _const_spec((1, H)),
            _const_spec((H, H)), _const_spec((1, H)),
            _const_spec((H, H)), _const_spec((1, H)),
        ],
        out_specs=[_row_spec(H), _const_spec((1, 128))],
        out_shape=[
            jax.ShapeDtypeStruct((NPAD, H), f32),
            jax.ShapeDtypeStruct((1, 128), f32),
        ],
    )(a2[0], a2[0], a2[1], a2[1], a2[2], a2[2], a2[3], a2[3],
      hn, dinv, W2, b2r, fc3_w, f3br, fc4_w, f4br)

    out = pl.pallas_call(
        _k8_body,
        grid=(GRID,),
        in_specs=[
            _row_spec(H), _const_spec((1, 128)),
            _const_spec((1, H)), _const_spec((1, H)),
            _const_spec((H, 1)), _const_spec((1, 1)),
            _row_spec(1),
        ],
        out_specs=pl.BlockSpec((G, 1), lambda i: (0, 0)),
        out_shape=jax.ShapeDtypeStruct((G, 1), f32),
        scratch_shapes=[pltpu.VMEM((G, 2), f32)],
    )(v, st2, n2wr, n2br, fcf_w, fbr, batchp)

    return out

# --- scband reference (transcript-rebuilt; emitter-appended) ---
"""Pipeline reference for scband-gcn-35983236006362 (READ-ONLY COPY).

The authoritative reference and input builder live on the scoring server;
editing this copy changes nothing except your own understanding.
"""

import jax, jax.numpy as jnp
import numpy as np

N = 50000
E = 800000
H = 64
G = 128
EPS = 1e-5


def setup_inputs(seed: int = 0):
    key = jax.random.key(seed)
    ks = jax.random.split(key, 24)

    def p(i, shape, scale):
        return jax.random.normal(ks[i], shape, dtype=jnp.float32) * scale

    inp = {}
    inp['x'] = jax.random.normal(ks[0], (N, 9), dtype=jnp.float32)
    inp['edge_index'] = jax.random.randint(ks[1], (2, E), 0, N, dtype=jnp.int32)
    inp['batch'] = jnp.sort(jax.random.randint(ks[2], (N,), 0, G, dtype=jnp.int32))
    inp['W1'] = p(3, (9, H), 1.0 / np.sqrt(9.0))
    inp['b1'] = jnp.zeros((H,), jnp.float32)
    inp['fc1_w'] = p(4, (H, H), 1.0 / np.sqrt(H)); inp['fc1_b'] = p(5, (H,), 0.01)
    inp['fc2_w'] = p(6, (H, H), 1.0 / np.sqrt(H)); inp['fc2_b'] = p(7, (H,), 0.01)
    inp['norm1_w'] = jnp.ones((H,), jnp.float32); inp['norm1_b'] = jnp.zeros((H,), jnp.float32)
    inp['W2'] = p(8, (H, H), 1.0 / np.sqrt(H))
    inp['b2'] = jnp.zeros((H,), jnp.float32)
    inp['fc3_w'] = p(9, (H, H), 1.0 / np.sqrt(H)); inp['fc3_b'] = p(10, (H,), 0.01)
    inp['fc4_w'] = p(11, (H, H), 1.0 / np.sqrt(H)); inp['fc4_b'] = p(12, (H,), 0.01)
    inp['norm2_w'] = jnp.ones((H,), jnp.float32); inp['norm2_b'] = jnp.zeros((H,), jnp.float32)
    inp['fcf_w'] = p(13, (H, 1), 1.0 / np.sqrt(H)); inp['fcf_b'] = jnp.zeros((1,), jnp.float32)
    return inp


def _gcn_conv(x, src, dst, W, b):
    n = x.shape[0]
    loop = jnp.arange(n, dtype=src.dtype)
    s = jnp.concatenate([src, loop])
    d = jnp.concatenate([dst, loop])
    deg = jnp.zeros((n,), jnp.float32).at[d].add(1.0)
    dinv = jnp.where(deg > 0, jax.lax.rsqrt(jnp.maximum(deg, 1e-12)), 0.0)
    norm = dinv[s] * dinv[d]
    h = x @ W
    msg = h[s] * norm[:, None]
    agg = jnp.zeros((n, h.shape[1]), jnp.float32).at[d].add(msg)
    return agg + b


def _graph_norm(x, w, b):
    # PyG LayerNorm(mode='graph') with batch=None: normalize over all nodes+channels
    xc = x - jnp.mean(x)
    std = jnp.sqrt(jnp.mean(xc * xc))
    return xc / (std + EPS) * w + b


def reference(x, edge_index, batch, W1, b1, fc1_w, fc1_b, fc2_w, fc2_b, norm1_w, norm1_b, W2, b2, fc3_w, fc3_b, fc4_w, fc4_b, norm2_w, norm2_b, fcf_w, fcf_b):
    src = edge_index[0]
    dst = edge_index[1]
    h = jax.nn.relu(_gcn_conv(x, src, dst, W1, b1))
    hc = h
    h = jax.nn.relu(h @ fc1_w + fc1_b)
    h = jax.nn.relu(h @ fc2_w + fc2_b + hc)
    h = _graph_norm(h, norm1_w, norm1_b)
    hc = h
    # dropout is identity at inference
    h = _gcn_conv(h, src, dst, W2, b2)
    h = jax.nn.relu(h @ fc3_w + fc3_b)
    h = h @ fc4_w + fc4_b + hc
    h = _graph_norm(h, norm2_w, norm2_b)
    h = h @ fcf_w + fcf_b
    sums = jax.ops.segment_sum(h, batch, num_segments=G)
    cnt = jax.ops.segment_sum(jnp.ones((h.shape[0], 1), jnp.float32), batch, num_segments=G)
    return sums / jnp.maximum(cnt, 1.0)

if __name__ == "__main__":
    import jax
    _d = setup_inputs()
    print(jax.jit(kernel)(*tuple(_d.values())))

</pallas_src>

<mosaic_0001>
#map = affine_map<(d0, d1) -> (0, 0)>
#map1 = affine_map<(d0, d1) -> (0)>
module attributes {stable_mosaic.version = 14 : i64} {
  func.func @_deg_kernel(%arg0: i32, %arg1: i32, %arg2: memref<6400x128xi32, #tpu.memory_space<hbm>>, %arg3: memref<3200xf32, #tpu.memory_space<hbm>>, %arg4: memref<2x51200xf32, #tpu.memory_space<hbm>>, %arg5: memref<200x128xi32, #tpu.memory_space<vmem>>, %arg6: memref<128xf32, #tpu.memory_space<vmem>>, %arg7: memref<51200xf32, #tpu.memory_space<vmem_shared>>) attributes {dimension_semantics = [#tpu.dimension_semantics<core_parallel>, #tpu.dimension_semantics<subcore_parallel>], iteration_bounds = array<i64: 2, 16>, scalar_prefetch = 0 : i64, scratch_operands = 3 : i64, tpu.core_type = #tpu.core_type<sc_vector_subcore>, window_params = [{transform_indices = #map}, {transform_indices = #map1}, {transform_indices = #map}]} {
    %mul3A = arith.constant 16 : i32
    %mul3A_0 = arith.muli %arg0, %mul3A : i32
    %add3A = arith.addi %mul3A_0, %arg1 : i32
    %mul3A_1 = arith.constant 3200 : i32
    %mul3A_2 = arith.muli %arg1, %mul3A_1 : i32
    "tpu.region"() ({
      %run_scoped3A = tpu.sem_alloc : memref<!tpu.dma_semaphore, #tpu.memory_space<semaphore_mem>>
      %dma_start3A = tpu.memref_slice %arg7[%mul3A_2] : memref<51200xf32, #tpu.memory_space<vmem_shared>> -> memref<3200xf32, #tpu.memory_space<vmem_shared>>
      tpu.enqueue_dma source(%arg3 : memref<3200xf32, #tpu.memory_space<hbm>>) target(%dma_start3A : memref<3200xf32, #tpu.memory_space<vmem_shared>>) target_semaphore(%run_scoped3A : memref<!tpu.dma_semaphore, #tpu.memory_space<semaphore_mem>>)
      %dma_wait3A = tpu.memref_slice %arg7[%mul3A_2] : memref<51200xf32, #tpu.memory_space<vmem_shared>> -> memref<3200xf32, #tpu.memory_space<vmem_shared>>
      tpu.wait_dma2 semaphore(%run_scoped3A : memref<!tpu.dma_semaphore, #tpu.memory_space<semaphore_mem>>) src(%arg3 : memref<3200xf32, #tpu.memory_space<hbm>>) dst(%dma_wait3A : memref<3200xf32, #tpu.memory_space<vmem_shared>>)
      tpu.yield
    }) : () -> ()
    %broadcast_in_dim3A = arith.constant 1.000000e+00 : f32
    %broadcast_in_dim3A_3 = vector.broadcast %broadcast_in_dim3A : f32 to vector<16xf32>
    %swap3A = arith.constant 0 : index
    %swap3A_4 = tpu.vector_load %arg6[%swap3A] {strides = array<i32>} : memref<128xf32, #tpu.memory_space<vmem>>, vector<16xf32>,
    %swap3A_5 = vector.shape_cast %swap3A_4 : vector<16xf32> to vector<16xf32>
    %swap3A_6 = vector.shape_cast %broadcast_in_dim3A_3 : vector<16xf32> to vector<16xf32>
    tpu.vector_store %arg6[%swap3A], %swap3A_6 {strides = array<i32>} : memref<128xf32, #tpu.memory_space<vmem>>, vector<16xf32>,
    %broadcast_in_dim3A_7 = arith.constant 1.000000e+00 : f32
    %broadcast_in_dim3A_8 = vector.broadcast %broadcast_in_dim3A_7 : f32 to vector<16xf32>
    %swap3A_9 = arith.constant 16 : index
    %swap3A_10 = tpu.vector_load %arg6[%swap3A_9] {strides = array<i32>} : memref<128xf32, #tpu.memory_space<vmem>>, vector<16xf32>,
    %swap3A_11 = vector.shape_cast %swap3A_10 : vector<16xf32> to vector<16xf32>
    %swap3A_12 = vector.shape_cast %broadcast_in_dim3A_8 : vector<16xf32> to vector<16xf32>
    tpu.vector_store %arg6[%swap3A_9], %swap3A_12 {strides = array<i32>} : memref<128xf32, #tpu.memory_space<vmem>>, vector<16xf32>,
    %broadcast_in_dim3A_13 = arith.constant 1.000000e+00 : f32
    %broadcast_in_dim3A_14 = vector.broadcast %broadcast_in_dim3A_13 : f32 to vector<16xf32>
    %swap3A_15 = arith.constant 32 : index
    %swap3A_16 = tpu.vector_load %arg6[%swap3A_15] {strides = array<i32>} : memref<128xf32, #tpu.memory_space<vmem>>, vector<16xf32>,
    %swap3A_17 = vector.shape_cast %swap3A_16 : vector<16xf32> to vector<16xf32>
    %swap3A_18 = vector.shape_cast %broadcast_in_dim3A_14 : vector<16xf32> to vector<16xf32>
    tpu.vector_store %arg6[%swap3A_15], %swap3A_18 {strides = array<i32>} : memref<128xf32, #tpu.memory_space<vmem>>, vector<16xf32>,
    %broadcast_in_dim3A_19 = arith.constant 1.000000e+00 : f32
    %broadcast_in_dim3A_20 = vector.broadcast %broadcast_in_dim3A_19 : f32 to vector<16xf32>
    %swap3A_21 = arith.constant 48 : index
    %swap3A_22 = tpu.vector_load %arg6[%swap3A_21] {strides = array<i32>} : memref<128xf32, #tpu.memory_space<vmem>>, vector<16xf32>,
    %swap3A_23 = vector.shape_cast %swap3A_22 : vector<16xf32> to vector<16xf32>
    %swap3A_24 = vector.shape_cast %broadcast_in_dim3A_20 : vector<16xf32> to vector<16xf32>
    tpu.vector_store %arg6[%swap3A_21], %swap3A_24 {strides = array<i32>} : memref<128xf32, #tpu.memory_space<vmem>>, vector<16xf32>,
    %broadcast_in_dim3A_25 = arith.constant 1.000000e+00 : f32
    %broadcast_in_dim3A_26 = vector.broadcast %broadcast_in_dim3A_25 : f32 to vector<16xf32>
    %swap3A_27 = arith.constant 64 : index
    %swap3A_28 = tpu.vector_load %arg6[%swap3A_27] {strides = array<i32>} : memref<128xf32, #tpu.memory_space<vmem>>, vector<16xf32>,
    %swap3A_29 = vector.shape_cast %swap3A_28 : vector<16xf32> to vector<16xf32>
    %swap3A_30 = vector.shape_cast %broadcast_in_dim3A_26 : vector<16xf32> to vector<16xf32>
    tpu.vector_store %arg6[%swap3A_27], %swap3A_30 {strides = array<i32>} : memref<128xf32, #tpu.memory_space<vmem>>, vector<16xf32>,
    %broadcast_in_dim3A_31 = arith.constant 1.000000e+00 : f32
    %broadcast_in_dim3A_32 = vector.broadcast %broadcast_in_dim3A_31 : f32 to vector<16xf32>
    %swap3A_33 = arith.constant 80 : index
    %swap3A_34 = tpu.vector_load %arg6[%swap3A_33] {strides = array<i32>} : memref<128xf32, #tpu.memory_space<vmem>>, vector<16xf32>,
    %swap3A_35 = vector.shape_cast %swap3A_34 : vector<16xf32> to vector<16xf32>
    %swap3A_36 = vector.shape_cast %broadcast_in_dim3A_32 : vector<16xf32> to vector<16xf32>
    tpu.vector_store %arg6[%swap3A_33], %swap3A_36 {strides = array<i32>} : memref<128xf32, #tpu.memory_space<vmem>>, vector<16xf32>,
    %broadcast_in_dim3A_37 = arith.constant 1.000000e+00 : f32
    %broadcast_in_dim3A_38 = vector.broadcast %broadcast_in_dim3A_37 : f32 to vector<16xf32>
    %swap3A_39 = arith.constant 96 : index
    %swap3A_40 = tpu.vector_load %arg6[%swap3A_39] {strides = array<i32>} : memref<128xf32, #tpu.memory_space<vmem>>, vector<16xf32>,
    %swap3A_41 = vector.shape_cast %swap3A_40 : vector<16xf32> to vector<16xf32>
    %swap3A_42 = vector.shape_cast %broadcast_in_dim3A_38 : vector<16xf32> to vector<16xf32>
    tpu.vector_store %arg6[%swap3A_39], %swap3A_42 {strides = array<i32>} : memref<128xf32, #tpu.memory_space<vmem>>, vector<16xf32>,
    %broadcast_in_dim3A_43 = arith.constant 1.000000e+00 : f32
    %broadcast_in_dim3A_44 = vector.broadcast %broadcast_in_dim3A_43 : f32 to vector<16xf32>
    %swap3A_45 = arith.constant 112 : index
    %swap3A_46 = tpu.vector_load %arg6[%swap3A_45] {strides = array<i32>} : memref<128xf32, #tpu.memory_space<vmem>>, vector<16xf32>,
    %swap3A_47 = vector.shape_cast %swap3A_46 : vector<16xf32> to vector<16xf32>
    %swap3A_48 = vector.shape_cast %broadcast_in_dim3A_44 : vector<16xf32> to vector<16xf32>
    tpu.vector_store %arg6[%swap3A_45], %swap3A_48 {strides = array<i32>} : memref<128xf32, #tpu.memory_space<vmem>>, vector<16xf32>,
    %mul3A_49 = arith.constant 200 : i32
    %mul3A_50 = arith.muli %add3A, %mul3A_49 : i32
    "tpu.region"() ({
      %run_scoped3A = tpu.sem_alloc : memref<!tpu.dma_semaphore, #tpu.memory_space<semaphore_mem>>
      %dma_start3A = arith.constant 0 : i32
      %dma_start3A_61 = tpu.memref_slice %arg2[%mul3A_50, %dma_start3A] : memref<6400x128xi32, #tpu.memory_space<hbm>> -> memref<200x128xi32, #tpu.memory_space<hbm>>
      %dma_start3A_62 = arith.constant 0 : i32
      %dma_start3A_63 = tpu.memref_slice %arg2[%mul3A_50, %dma_start3A_62] : memref<6400x128xi32, #tpu.memory_space<hbm>> -> memref<200x128xi32, #tpu.memory_space<hbm>>
      tpu.enqueue_dma source(%dma_start3A_63 : memref<200x128xi32, #tpu.memory_space<hbm>>) target(%arg5 : memref<200x128xi32, #tpu.memory_space<vmem>>) target_semaphore(%run_scoped3A : memref<!tpu.dma_semaphore, #tpu.memory_space<semaphore_mem>>)
      %dma_wait3A = arith.constant 0 : i32
      %dma_wait3A_64 = tpu.memref_slice %arg2[%mul3A_50, %dma_wait3A] : memref<6400x128xi32, #tpu.memory_space<hbm>> -> memref<200x128xi32, #tpu.memory_space<hbm>>
      %dma_wait3A_65 = arith.constant 0 : i32
      %dma_wait3A_66 = tpu.memref_slice %arg2[%mul3A_50, %dma_wait3A_65] : memref<6400x128xi32, #tpu.memory_space<hbm>> -> memref<200x128xi32, #tpu.memory_space<hbm>>
      tpu.wait_dma2 semaphore(%run_scoped3A : memref<!tpu.dma_semaphore, #tpu.memory_space<semaphore_mem>>) src(%dma_wait3A_66 : memref<200x128xi32, #tpu.memory_space<hbm>>) dst(%arg5 : memref<200x128xi32, #tpu.memory_space<vmem>>)
      tpu.yield
    }) : () -> ()
    %barrier3A = arith.constant 0 : index
    tpu.barrier barrier_id(%barrier3A)
    %scan3A = arith.constant 0 : i32
    %scan3A_51 = arith.constant 0 : i32
    %scan3A_52 = arith.constant 200 : i32
    %scan3A_53 = arith.addi %scan3A_51, %scan3A_52 : i32
    %scan3A_54 = arith.constant 1 : i32
    scf.for %scan3A_61 = %scan3A_51 to %scan3A_53 step %scan3A_54  : i32 {
      "tpu.region"() ({
        %run_scoped3A = tpu.sem_alloc : memref<!tpu.dma_semaphore, #tpu.memory_space<semaphore_mem>>
        %dma_start3A = arith.constant 0 : i32
        %dma_start3A_62 = tpu.memref_slice %arg5[%scan3A_61, %dma_start3A] : memref<200x128xi32, #tpu.memory_space<vmem>> -> memref<1x128xi32, #tpu.memory_space<vmem>>
        %dma_start3A_63 = tpu.memref_squeeze %dma_start3A_62 : memref<1x128xi32, #tpu.memory_space<vmem>> -> memref<128xi32, #tpu.memory_space<vmem>>
        %dma_start3A_64 = arith.constant 0 : i32
        %dma_start3A_65 = tpu.memref_slice %arg7[%dma_start3A_64] : memref<51200xf32, #tpu.memory_space<vmem_shared>> -> memref<51200xf32, #tpu.memory_space<vmem_shared>>
        tpu.enqueue_indirect_dma source(%arg6 : memref<128xf32, #tpu.memory_space<vmem>>) target(%dma_start3A_65 : memref<51200xf32, #tpu.memory_space<vmem_shared>>) offsets(%dma_start3A_63 : memref<128xi32, #tpu.memory_space<vmem>>) semaphore(%run_scoped3A : memref<!tpu.dma_semaphore, #tpu.memory_space<semaphore_mem>>) {add = true}
        %dma_wait3A = arith.constant 0 : i32
        %dma_wait3A_66 = tpu.memref_slice %arg5[%scan3A_61, %dma_wait3A] : memref<200x128xi32, #tpu.memory_space<vmem>> -> memref<1x128xi32, #tpu.memory_space<vmem>>
        %dma_wait3A_67 = tpu.memref_squeeze %dma_wait3A_66 : memref<1x128xi32, #tpu.memory_space<vmem>> -> memref<128xi32, #tpu.memory_space<vmem>>
        %dma_wait3A_68 = arith.constant 0 : i32
        %dma_wait3A_69 = tpu.memref_slice %arg7[%dma_wait3A_68] : memref<51200xf32, #tpu.memory_space<vmem_shared>> -> memref<51200xf32, #tpu.memory_space<vmem_shared>>
        tpu.wait_indirect_dma semaphore(%run_scoped3A : memref<!tpu.dma_semaphore, #tpu.memory_space<semaphore_mem>>) src(%arg6 : memref<128xf32, #tpu.memory_space<vmem>>) dst(%dma_wait3A_69 : memref<51200xf32, #tpu.memory_space<vmem_shared>>)
        tpu.yield
      }) : () -> ()
    }
    %scan3A_55 = arith.constant 200 : i32
    %barrier3A_56 = arith.constant 0 : index
    tpu.barrier barrier_id(%barrier3A_56)
    %mul3A_57 = arith.constant 3200 : i32
    %mul3A_58 = arith.muli %arg1, %mul3A_57 : i32
    %mul3A_59 = arith.constant 3200 : i32
    %mul3A_60 = arith.muli %arg1, %mul3A_59 : i32
    "tpu.region"() ({
      %run_scoped3A = tpu.sem_alloc : memref<!tpu.dma_semaphore, #tpu.memory_space<semaphore_mem>>
      %dma_start3A = tpu.memref_slice %arg4[%arg0, %mul3A_60] : memref<2x51200xf32, #tpu.memory_space<hbm>> -> memref<1x3200xf32, #tpu.memory_space<hbm>>
      %dma_start3A_61 = tpu.memref_squeeze %dma_start3A : memref<1x3200xf32, #tpu.memory_space<hbm>> -> memref<3200xf32, #tpu.memory_space<hbm>>
      %dma_start3A_62 = tpu.memref_slice %arg7[%mul3A_58] : memref<51200xf32, #tpu.memory_space<vmem_shared>> -> memref<3200xf32, #tpu.memory_space<vmem_shared>>
      tpu.enqueue_dma source(%dma_start3A_62 : memref<3200xf32, #tpu.memory_space<vmem_shared>>) target(%dma_start3A_61 : memref<3200xf32, #tpu.memory_space<hbm>>) target_semaphore(%run_scoped3A : memref<!tpu.dma_semaphore, #tpu.memory_space<semaphore_mem>>)
      %dma_wait3A = tpu.memref_slice %arg4[%arg0, %mul3A_60] : memref<2x51200xf32, #tpu.memory_space<hbm>> -> memref<1x3200xf32, #tpu.memory_space<hbm>>
      %dma_wait3A_63 = tpu.memref_squeeze %dma_wait3A : memref<1x3200xf32, #tpu.memory_space<hbm>> -> memref<3200xf32, #tpu.memory_space<hbm>>
      %dma_wait3A_64 = tpu.memref_slice %arg7[%mul3A_58] : memref<51200xf32, #tpu.memory_space<vmem_shared>> -> memref<3200xf32, #tpu.memory_space<vmem_shared>>
      tpu.wait_dma2 semaphore(%run_scoped3A : memref<!tpu.dma_semaphore, #tpu.memory_space<semaphore_mem>>) src(%dma_wait3A_64 : memref<3200xf32, #tpu.memory_space<vmem_shared>>) dst(%dma_wait3A_63 : memref<3200xf32, #tpu.memory_space<hbm>>)
      tpu.yield
    }) : () -> ()
    return
  }
}

#map = affine_map<(d0, d1) -> (0, 0)>
#map1 = affine_map<(d0, d1) -> (0, 0, 0)>
module attributes {stable_mosaic.version = 14 : i64} {
  func.func @_agg16_kernel(%arg0: i32, %arg1: i32, %arg2: memref<6400x128xi32, #tpu.memory_space<hbm>>, %arg3: memref<6400x128xi32, #tpu.memory_space<hbm>>, %arg4: memref<51200x16xf32, #tpu.memory_space<hbm>>, %arg5: memref<128x16xf32, #tpu.memory_space<hbm>>, %arg6: memref<2x51200x16xf32, #tpu.memory_space<hbm>>, %arg7: memref<200x128xi32, #tpu.memory_space<vmem>>, %arg8: memref<200x128xi32, #tpu.memory_space<vmem>>, %arg9: memref<128x16xf32, #tpu.memory_space<vmem>>, %arg10: memref<128x16xf32, #tpu.memory_space<vmem>>, %arg11: memref<51200x16xf32, #tpu.memory_space<vmem_shared>>, %arg12: memref<!tpu.dma_semaphore, #tpu.memory_space<semaphore_mem>>) attributes {dimension_semantics = [#tpu.dimension_semantics<core_parallel>, #tpu.dimension_semantics<subcore_parallel>], iteration_bounds = array<i64: 2, 16>, scalar_prefetch = 0 : i64, scratch_operands = 6 : i64, tpu.core_type = #tpu.core_type<sc_vector_subcore>, window_params = [{transform_indices = #map}, {transform_indices = #map}, {transform_indices = #map}, {transform_indices = #map}, {transform_indices = #map1}]} {
    %mul3A = arith.constant 16 : i32
    %mul3A_0 = arith.muli %arg0, %mul3A : i32
    %add3A = arith.addi %mul3A_0, %arg1 : i32
    "tpu.region"() ({
      %run_scoped3A = tpu.sem_alloc : memref<!tpu.dma_semaphore, #tpu.memory_space<semaphore_mem>>
      tpu.enqueue_dma source(%arg5 : memref<128x16xf32, #tpu.memory_space<hbm>>) target(%arg10 : memref<128x16xf32, #tpu.memory_space<vmem>>) target_semaphore(%run_scoped3A : memref<!tpu.dma_semaphore, #tpu.memory_space<semaphore_mem>>)
      tpu.wait_dma2 semaphore(%run_scoped3A : memref<!tpu.dma_semaphore, #tpu.memory_space<semaphore_mem>>) src(%arg5 : memref<128x16xf32, #tpu.memory_space<hbm>>) dst(%arg10 : memref<128x16xf32, #tpu.memory_space<vmem>>)
      tpu.yield
    }) : () -> ()
    %scan3A = arith.constant 0 : i32
    %scan3A_1 = arith.constant 0 : i32
    %scan3A_2 = arith.constant 25 : i32
    %scan3A_3 = arith.addi %scan3A_1, %scan3A_2 : i32
    %scan3A_4 = arith.constant 1 : i32
    scf.for %scan3A_21 = %scan3A_1 to %scan3A_3 step %scan3A_4  : i32 {
      %mul3A_22 = arith.constant 3200 : i32
      %mul3A_23 = arith.muli %arg1, %mul3A_22 : i32
      %mul3A_24 = arith.constant 128 : i32
      %mul3A_25 = arith.muli %scan3A_21, %mul3A_24 : i32
      %add3A_26 = arith.addi %mul3A_23, %mul3A_25 : i32
      "tpu.region"() ({
        %run_scoped3A = tpu.sem_alloc : memref<!tpu.dma_semaphore, #tpu.memory_space<semaphore_mem>>
        %dma_start3A = arith.constant 0 : i32
        %dma_start3A_27 = tpu.memref_slice %arg11[%add3A_26, %dma_start3A] : memref<51200x16xf32, #tpu.memory_space<vmem_shared>> -> memref<128x16xf32, #tpu.memory_space<vmem_shared>>
        %dma_start3A_28 = arith.constant 0 : i32
        %dma_start3A_29 = tpu.memref_slice %arg11[%add3A_26, %dma_start3A_28] : memref<51200x16xf32, #tpu.memory_space<vmem_shared>> -> memref<128x16xf32, #tpu.memory_space<vmem_shared>>
        tpu.enqueue_dma source(%arg10 : memref<128x16xf32, #tpu.memory_space<vmem>>) target(%dma_start3A_29 : memref<128x16xf32, #tpu.memory_space<vmem_shared>>) target_semaphore(%run_scoped3A : memref<!tpu.dma_semaphore, #tpu.memory_space<semaphore_mem>>)
        %dma_wait3A = arith.constant 0 : i32
        %dma_wait3A_30 = tpu.memref_slice %arg11[%add3A_26, %dma_wait3A] : memref<51200x16xf32, #tpu.memory_space<vmem_shared>> -> memref<128x16xf32, #tpu.memory_space<vmem_shared>>
        %dma_wait3A_31 = arith.constant 0 : i32
        %dma_wait3A_32 = tpu.memref_slice %arg11[%add3A_26, %dma_wait3A_31] : memref<51200x16xf32, #tpu.memory_space<vmem_shared>> -> memref<128x16xf32, #tpu.memory_space<vmem_shared>>
        tpu.wait_dma2 semaphore(%run_scoped3A : memref<!tpu.dma_semaphore, #tpu.memory_space<semaphore_mem>>) src(%arg10 : memref<128x16xf32, #tpu.memory_space<vmem>>) dst(%dma_wait3A_32 : memref<128x16xf32, #tpu.memory_space<vmem_shared>>)
        tpu.yield
      }) : () -> ()
    }
    %scan3A_5 = arith.constant 25 : i32
    %mul3A_6 = arith.constant 200 : i32
    %mul3A_7 = arith.muli %add3A, %mul3A_6 : i32
    "tpu.region"() ({
      %run_scoped3A = tpu.sem_alloc : memref<!tpu.dma_semaphore, #tpu.memory_space<semaphore_mem>>
      %dma_start3A = arith.constant 0 : i32
      %dma_start3A_21 = tpu.memref_slice %arg2[%mul3A_7, %dma_start3A] : memref<6400x128xi32, #tpu.memory_space<hbm>> -> memref<200x128xi32, #tpu.memory_space<hbm>>
      %dma_start3A_22 = arith.constant 0 : i32
      %dma_start3A_23 = tpu.memref_slice %arg2[%mul3A_7, %dma_start3A_22] : memref<6400x128xi32, #tpu.memory_space<hbm>> -> memref<200x128xi32, #tpu.memory_space<hbm>>
      tpu.enqueue_dma source(%dma_start3A_23 : memref<200x128xi32, #tpu.memory_space<hbm>>) target(%arg7 : memref<200x128xi32, #tpu.memory_space<vmem>>) target_semaphore(%run_scoped3A : memref<!tpu.dma_semaphore, #tpu.memory_space<semaphore_mem>>)
      %dma_wait3A = arith.constant 0 : i32
      %dma_wait3A_24 = tpu.memref_slice %arg2[%mul3A_7, %dma_wait3A] : memref<6400x128xi32, #tpu.memory_space<hbm>> -> memref<200x128xi32, #tpu.memory_space<hbm>>
      %dma_wait3A_25 = arith.constant 0 : i32
      %dma_wait3A_26 = tpu.memref_slice %arg2[%mul3A_7, %dma_wait3A_25] : memref<6400x128xi32, #tpu.memory_space<hbm>> -> memref<200x128xi32, #tpu.memory_space<hbm>>
      tpu.wait_dma2 semaphore(%run_scoped3A : memref<!tpu.dma_semaphore, #tpu.memory_space<semaphore_mem>>) src(%dma_wait3A_26 : memref<200x128xi32, #tpu.memory_space<hbm>>) dst(%arg7 : memref<200x128xi32, #tpu.memory_space<vmem>>)
      tpu.yield
    }) : () -> ()
    %mul3A_8 = arith.constant 200 : i32
    %mul3A_9 = arith.muli %add3A, %mul3A_8 : i32
    "tpu.region"() ({
      %run_scoped3A = tpu.sem_alloc : memref<!tpu.dma_semaphore, #tpu.memory_space<semaphore_mem>>
      %dma_start3A = arith.constant 0 : i32
      %dma_start3A_21 = tpu.memref_slice %arg3[%mul3A_9, %dma_start3A] : memref<6400x128xi32, #tpu.memory_space<hbm>> -> memref<200x128xi32, #tpu.memory_space<hbm>>
      %dma_start3A_22 = arith.constant 0 : i32
      %dma_start3A_23 = tpu.memref_slice %arg3[%mul3A_9, %dma_start3A_22] : memref<6400x128xi32, #tpu.memory_space<hbm>> -> memref<200x128xi32, #tpu.memory_space<hbm>>
      tpu.enqueue_dma source(%dma_start3A_23 : memref<200x128xi32, #tpu.memory_space<hbm>>) target(%arg8 : memref<200x128xi32, #tpu.memory_space<vmem>>) target_semaphore(%run_scoped3A : memref<!tpu.dma_semaphore, #tpu.memory_space<semaphore_mem>>)
      %dma_wait3A = arith.constant 0 : i32
      %dma_wait3A_24 = tpu.memref_slice %arg3[%mul3A_9, %dma_wait3A] : memref<6400x128xi32, #tpu.memory_space<hbm>> -> memref<200x128xi32, #tpu.memory_space<hbm>>
      %dma_wait3A_25 = arith.constant 0 : i32
      %dma_wait3A_26 = tpu.memref_slice %arg3[%mul3A_9, %dma_wait3A_25] : memref<6400x128xi32, #tpu.memory_space<hbm>> -> memref<200x128xi32, #tpu.memory_space<hbm>>
      tpu.wait_dma2 semaphore(%run_scoped3A : memref<!tpu.dma_semaphore, #tpu.memory_space<semaphore_mem>>) src(%dma_wait3A_26 : memref<200x128xi32, #tpu.memory_space<hbm>>) dst(%arg8 : memref<200x128xi32, #tpu.memory_space<vmem>>)
      tpu.yield
    }) : () -> ()
    %barrier3A = arith.constant 0 : index
    tpu.barrier barrier_id(%barrier3A)
    %scan3A_10 = arith.constant 0 : i32
    %scan3A_11 = arith.constant 0 : i32
    %scan3A_12 = arith.constant 200 : i32
    %scan3A_13 = arith.addi %scan3A_11, %scan3A_12 : i32
    %scan3A_14 = arith.constant 1 : i32
    scf.for %scan3A_21 = %scan3A_11 to %scan3A_13 step %scan3A_14  : i32 {
      %dma_start3A = arith.constant 0 : i32
      %dma_start3A_22 = tpu.memref_slice %arg7[%scan3A_21, %dma_start3A] : memref<200x128xi32, #tpu.memory_space<vmem>> -> memref<1x128xi32, #tpu.memory_space<vmem>>
      %dma_start3A_23 = tpu.memref_squeeze %dma_start3A_22 : memref<1x128xi32, #tpu.memory_space<vmem>> -> memref<128xi32, #tpu.memory_space<vmem>>
      %dma_start3A_24 = arith.constant 0 : i32
      %dma_start3A_25 = arith.constant 0 : i32
      %dma_start3A_26 = tpu.memref_slice %arg4[%dma_start3A_24, %dma_start3A_25] : memref<51200x16xf32, #tpu.memory_space<hbm>> -> memref<51200x16xf32, #tpu.memory_space<hbm>>
      tpu.enqueue_indirect_dma source(%dma_start3A_26 : memref<51200x16xf32, #tpu.memory_space<hbm>>) target(%arg9 : memref<128x16xf32, #tpu.memory_space<vmem>>) offsets(%dma_start3A_23 : memref<128xi32, #tpu.memory_space<vmem>>) semaphore(%arg12 : memref<!tpu.dma_semaphore, #tpu.memory_space<semaphore_mem>>)
      %dma_wait3A = arith.constant 0 : i32
      %dma_wait3A_27 = tpu.memref_slice %arg7[%scan3A_21, %dma_wait3A] : memref<200x128xi32, #tpu.memory_space<vmem>> -> memref<1x128xi32, #tpu.memory_space<vmem>>
      %dma_wait3A_28 = tpu.memref_squeeze %dma_wait3A_27 : memref<1x128xi32, #tpu.memory_space<vmem>> -> memref<128xi32, #tpu.memory_space<vmem>>
      %dma_wait3A_29 = arith.constant 0 : i32
      %dma_wait3A_30 = arith.constant 0 : i32
      %dma_wait3A_31 = tpu.memref_slice %arg4[%dma_wait3A_29, %dma_wait3A_30] : memref<51200x16xf32, #tpu.memory_space<hbm>> -> memref<51200x16xf32, #tpu.memory_space<hbm>>
      tpu.wait_indirect_dma semaphore(%arg12 : memref<!tpu.dma_semaphore, #tpu.memory_space<semaphore_mem>>) src(%dma_wait3A_31 : memref<51200x16xf32, #tpu.memory_space<hbm>>) dst(%arg9 : memref<128x16xf32, #tpu.memory_space<vmem>>)
      "tpu.region"() ({
        %run_scoped3A = tpu.sem_alloc : memref<!tpu.dma_semaphore, #tpu.memory_space<semaphore_mem>>
        %dma_start3A_32 = arith.constant 0 : i32
        %dma_start3A_33 = tpu.memref_slice %arg8[%scan3A_21, %dma_start3A_32] : memref<200x128xi32, #tpu.memory_space<vmem>> -> memref<1x128xi32, #tpu.memory_space<vmem>>
        %dma_start3A_34 = tpu.memref_squeeze %dma_start3A_33 : memref<1x128xi32, #tpu.memory_space<vmem>> -> memref<128xi32, #tpu.memory_space<vmem>>
        %dma_start3A_35 = arith.constant 0 : i32
        %dma_start3A_36 = arith.constant 0 : i32
        %dma_start3A_37 = tpu.memref_slice %arg11[%dma_start3A_35, %dma_start3A_36] : memref<51200x16xf32, #tpu.memory_space<vmem_shared>> -> memref<51200x16xf32, #tpu.memory_space<vmem_shared>>
        tpu.enqueue_indirect_dma source(%arg9 : memref<128x16xf32, #tpu.memory_space<vmem>>) target(%dma_start3A_37 : memref<51200x16xf32, #tpu.memory_space<vmem_shared>>) offsets(%dma_start3A_34 : memref<128xi32, #tpu.memory_space<vmem>>) semaphore(%run_scoped3A : memref<!tpu.dma_semaphore, #tpu.memory_space<semaphore_mem>>) {add = true}
        %dma_wait3A_38 = arith.constant 0 : i32
        %dma_wait3A_39 = tpu.memref_slice %arg8[%scan3A_21, %dma_wait3A_38] : memref<200x128xi32, #tpu.memory_space<vmem>> -> memref<1x128xi32, #tpu.memory_space<vmem>>
        %dma_wait3A_40 = tpu.memref_squeeze %dma_wait3A_39 : memref<1x128xi32, #tpu.memory_space<vmem>> -> memref<128xi32, #tpu.memory_space<vmem>>
        %dma_wait3A_41 = arith.constant 0 : i32
        %dma_wait3A_42 = arith.constant 0 : i32
        %dma_wait3A_43 = tpu.memref_slice %arg11[%dma_wait3A_41, %dma_wait3A_42] : memref<51200x16xf32, #tpu.memory_space<vmem_shared>> -> memref<51200x16xf32, #tpu.memory_space<vmem_shared>>
        tpu.wait_indirect_dma semaphore(%run_scoped3A : memref<!tpu.dma_semaphore, #tpu.memory_space<semaphore_mem>>) src(%arg9 : memref<128x16xf32, #tpu.memory_space<vmem>>) dst(%dma_wait3A_43 : memref<51200x16xf32, #tpu.memory_space<vmem_shared>>)
        tpu.yield
      }) : () -> ()
    }
    %scan3A_15 = arith.constant 200 : i32
    %barrier3A_16 = arith.constant 0 : index
    tpu.barrier barrier_id(%barrier3A_16)
    %mul3A_17 = arith.constant 3200 : i32
    %mul3A_18 = arith.muli %arg1, %mul3A_17 : i32
    %mul3A_19 = arith.constant 3200 : i32
    %mul3A_20 = arith.muli %arg1, %mul3A_19 : i32
    "tpu.region"() ({
      %run_scoped3A = tpu.sem_alloc : memref<!tpu.dma_semaphore, #tpu.memory_space<semaphore_mem>>
      %dma_start3A = arith.constant 0 : i32
      %dma_start3A_21 = tpu.memref_slice %arg6[%arg0, %mul3A_20, %dma_start3A] : memref<2x51200x16xf32, #tpu.memory_space<hbm>> -> memref<1x3200x16xf32, #tpu.memory_space<hbm>>
      %dma_start3A_22 = tpu.memref_squeeze %dma_start3A_21 : memref<1x3200x16xf32, #tpu.memory_space<hbm>> -> memref<3200x16xf32, #tpu.memory_space<hbm>>
      %dma_start3A_23 = arith.constant 0 : i32
      %dma_start3A_24 = tpu.memref_slice %arg11[%mul3A_18, %dma_start3A_23] : memref<51200x16xf32, #tpu.memory_space<vmem_shared>> -> memref<3200x16xf32, #tpu.memory_space<vmem_shared>>
      tpu.enqueue_dma source(%dma_start3A_24 : memref<3200x16xf32, #tpu.memory_space<vmem_shared>>) target(%dma_start3A_22 : memref<3200x16xf32, #tpu.memory_space<hbm>>) target_semaphore(%run_scoped3A : memref<!tpu.dma_semaphore, #tpu.memory_space<semaphore_mem>>)
      %dma_wait3A = arith.constant 0 : i32
      %dma_wait3A_25 = tpu.memref_slice %arg6[%arg0, %mul3A_20, %dma_wait3A] : memref<2x51200x16xf32, #tpu.memory_space<hbm>> -> memref<1x3200x16xf32, #tpu.memory_space<hbm>>
      %dma_wait3A_26 = tpu.memref_squeeze %dma_wait3A_25 : memref<1x3200x16xf32, #tpu.memory_space<hbm>> -> memref<3200x16xf32, #tpu.memory_space<hbm>>
      %dma_wait3A_27 = arith.constant 0 : i32
      %dma_wait3A_28 = tpu.memref_slice %arg11[%mul3A_18, %dma_wait3A_27] : memref<51200x16xf32, #tpu.memory_space<vmem_shared>> -> memref<3200x16xf32, #tpu.memory_space<vmem_shared>>
      tpu.wait_dma2 semaphore(%run_scoped3A : memref<!tpu.dma_semaphore, #tpu.memory_space<semaphore_mem>>) src(%dma_wait3A_28 : memref<3200x16xf32, #tpu.memory_space<vmem_shared>>) dst(%dma_wait3A_26 : memref<3200x16xf32, #tpu.memory_space<hbm>>)
      tpu.yield
    }) : () -> ()
    return
  }
}

#map = affine_map<(d0, d1) -> (0, 0)>
#map1 = affine_map<(d0, d1) -> (0, 0, 0)>
module attributes {stable_mosaic.version = 14 : i64} {
  func.func @_agg16_kernel(%arg0: i32, %arg1: i32, %arg2: memref<6400x128xi32, #tpu.memory_space<hbm>>, %arg3: memref<6400x128xi32, #tpu.memory_space<hbm>>, %arg4: memref<51200x16xf32, #tpu.memory_space<hbm>>, %arg5: memref<128x16xf32, #tpu.memory_space<hbm>>, %arg6: memref<2x51200x16xf32, #tpu.memory_space<hbm>>, %arg7: memref<200x128xi32, #tpu.memory_space<vmem>>, %arg8: memref<200x128xi32, #tpu.memory_space<vmem>>, %arg9: memref<128x16xf32, #tpu.memory_space<vmem>>, %arg10: memref<128x16xf32, #tpu.memory_space<vmem>>, %arg11: memref<51200x16xf32, #tpu.memory_space<vmem_shared>>, %arg12: memref<!tpu.dma_semaphore, #tpu.memory_space<semaphore_mem>>) attributes {dimension_semantics = [#tpu.dimension_semantics<core_parallel>, #tpu.dimension_semantics<subcore_parallel>], iteration_bounds = array<i64: 2, 16>, scalar_prefetch = 0 : i64, scratch_operands = 6 : i64, tpu.core_type = #tpu.core_type<sc_vector_subcore>, window_params = [{transform_indices = #map}, {transform_indices = #map}, {transform_indices = #map}, {transform_indices = #map}, {transform_indices = #map1}]} {
    %mul3A = arith.constant 16 : i32
    %mul3A_0 = arith.muli %arg0, %mul3A : i32
    %add3A = arith.addi %mul3A_0, %arg1 : i32
    "tpu.region"() ({
      %run_scoped3A = tpu.sem_alloc : memref<!tpu.dma_semaphore, #tpu.memory_space<semaphore_mem>>
      tpu.enqueue_dma source(%arg5 : memref<128x16xf32, #tpu.memory_space<hbm>>) target(%arg10 : memref<128x16xf32, #tpu.memory_space<vmem>>) target_semaphore(%run_scoped3A : memref<!tpu.dma_semaphore, #tpu.memory_space<semaphore_mem>>)
      tpu.wait_dma2 semaphore(%run_scoped3A : memref<!tpu.dma_semaphore, #tpu.memory_space<semaphore_mem>>) src(%arg5 : memref<128x16xf32, #tpu.memory_space<hbm>>) dst(%arg10 : memref<128x16xf32, #tpu.memory_space<vmem>>)
      tpu.yield
    }) : () -> ()
    %scan3A = arith.constant 0 : i32
    %scan3A_1 = arith.constant 0 : i32
    %scan3A_2 = arith.constant 25 : i32
    %scan3A_3 = arith.addi %scan3A_1, %scan3A_2 : i32
    %scan3A_4 = arith.constant 1 : i32
    scf.for %scan3A_21 = %scan3A_1 to %scan3A_3 step %scan3A_4  : i32 {
      %mul3A_22 = arith.constant 3200 : i32
      %mul3A_23 = arith.muli %arg1, %mul3A_22 : i32
      %mul3A_24 = arith.constant 128 : i32
      %mul3A_25 = arith.muli %scan3A_21, %mul3A_24 : i32
      %add3A_26 = arith.addi %mul3A_23, %mul3A_25 : i32
      "tpu.region"() ({
        %run_scoped3A = tpu.sem_alloc : memref<!tpu.dma_semaphore, #tpu.memory_space<semaphore_mem>>
        %dma_start3A = arith.constant 0 : i32
        %dma_start3A_27 = tpu.memref_slice %arg11[%add3A_26, %dma_start3A] : memref<51200x16xf32, #tpu.memory_space<vmem_shared>> -> memref<128x16xf32, #tpu.memory_space<vmem_shared>>
        %dma_start3A_28 = arith.constant 0 : i32
        %dma_start3A_29 = tpu.memref_slice %arg11[%add3A_26, %dma_start3A_28] : memref<51200x16xf32, #tpu.memory_space<vmem_shared>> -> memref<128x16xf32, #tpu.memory_space<vmem_shared>>
        tpu.enqueue_dma source(%arg10 : memref<128x16xf32, #tpu.memory_space<vmem>>) target(%dma_start3A_29 : memref<128x16xf32, #tpu.memory_space<vmem_shared>>) target_semaphore(%run_scoped3A : memref<!tpu.dma_semaphore, #tpu.memory_space<semaphore_mem>>)
        %dma_wait3A = arith.constant 0 : i32
        %dma_wait3A_30 = tpu.memref_slice %arg11[%add3A_26, %dma_wait3A] : memref<51200x16xf32, #tpu.memory_space<vmem_shared>> -> memref<128x16xf32, #tpu.memory_space<vmem_shared>>
        %dma_wait3A_31 = arith.constant 0 : i32
        %dma_wait3A_32 = tpu.memref_slice %arg11[%add3A_26, %dma_wait3A_31] : memref<51200x16xf32, #tpu.memory_space<vmem_shared>> -> memref<128x16xf32, #tpu.memory_space<vmem_shared>>
        tpu.wait_dma2 semaphore(%run_scoped3A : memref<!tpu.dma_semaphore, #tpu.memory_space<semaphore_mem>>) src(%arg10 : memref<128x16xf32, #tpu.memory_space<vmem>>) dst(%dma_wait3A_32 : memref<128x16xf32, #tpu.memory_space<vmem_shared>>)
        tpu.yield
      }) : () -> ()
    }
    %scan3A_5 = arith.constant 25 : i32
    %mul3A_6 = arith.constant 200 : i32
    %mul3A_7 = arith.muli %add3A, %mul3A_6 : i32
    "tpu.region"() ({
      %run_scoped3A = tpu.sem_alloc : memref<!tpu.dma_semaphore, #tpu.memory_space<semaphore_mem>>
      %dma_start3A = arith.constant 0 : i32
      %dma_start3A_21 = tpu.memref_slice %arg2[%mul3A_7, %dma_start3A] : memref<6400x128xi32, #tpu.memory_space<hbm>> -> memref<200x128xi32, #tpu.memory_space<hbm>>
      %dma_start3A_22 = arith.constant 0 : i32
      %dma_start3A_23 = tpu.memref_slice %arg2[%mul3A_7, %dma_start3A_22] : memref<6400x128xi32, #tpu.memory_space<hbm>> -> memref<200x128xi32, #tpu.memory_space<hbm>>
      tpu.enqueue_dma source(%dma_start3A_23 : memref<200x128xi32, #tpu.memory_space<hbm>>) target(%arg7 : memref<200x128xi32, #tpu.memory_space<vmem>>) target_semaphore(%run_scoped3A : memref<!tpu.dma_semaphore, #tpu.memory_space<semaphore_mem>>)
      %dma_wait3A = arith.constant 0 : i32
      %dma_wait3A_24 = tpu.memref_slice %arg2[%mul3A_7, %dma_wait3A] : memref<6400x128xi32, #tpu.memory_space<hbm>> -> memref<200x128xi32, #tpu.memory_space<hbm>>
      %dma_wait3A_25 = arith.constant 0 : i32
      %dma_wait3A_26 = tpu.memref_slice %arg2[%mul3A_7, %dma_wait3A_25] : memref<6400x128xi32, #tpu.memory_space<hbm>> -> memref<200x128xi32, #tpu.memory_space<hbm>>
      tpu.wait_dma2 semaphore(%run_scoped3A : memref<!tpu.dma_semaphore, #tpu.memory_space<semaphore_mem>>) src(%dma_wait3A_26 : memref<200x128xi32, #tpu.memory_space<hbm>>) dst(%arg7 : memref<200x128xi32, #tpu.memory_space<vmem>>)
      tpu.yield
    }) : () -> ()
    %mul3A_8 = arith.constant 200 : i32
    %mul3A_9 = arith.muli %add3A, %mul3A_8 : i32
    "tpu.region"() ({
      %run_scoped3A = tpu.sem_alloc : memref<!tpu.dma_semaphore, #tpu.memory_space<semaphore_mem>>
      %dma_start3A = arith.constant 0 : i32
      %dma_start3A_21 = tpu.memref_slice %arg3[%mul3A_9, %dma_start3A] : memref<6400x128xi32, #tpu.memory_space<hbm>> -> memref<200x128xi32, #tpu.memory_space<hbm>>
      %dma_start3A_22 = arith.constant 0 : i32
      %dma_start3A_23 = tpu.memref_slice %arg3[%mul3A_9, %dma_start3A_22] : memref<6400x128xi32, #tpu.memory_space<hbm>> -> memref<200x128xi32, #tpu.memory_space<hbm>>
      tpu.enqueue_dma source(%dma_start3A_23 : memref<200x128xi32, #tpu.memory_space<hbm>>) target(%arg8 : memref<200x128xi32, #tpu.memory_space<vmem>>) target_semaphore(%run_scoped3A : memref<!tpu.dma_semaphore, #tpu.memory_space<semaphore_mem>>)
      %dma_wait3A = arith.constant 0 : i32
      %dma_wait3A_24 = tpu.memref_slice %arg3[%mul3A_9, %dma_wait3A] : memref<6400x128xi32, #tpu.memory_space<hbm>> -> memref<200x128xi32, #tpu.memory_space<hbm>>
      %dma_wait3A_25 = arith.constant 0 : i32
      %dma_wait3A_26 = tpu.memref_slice %arg3[%mul3A_9, %dma_wait3A_25] : memref<6400x128xi32, #tpu.memory_space<hbm>> -> memref<200x128xi32, #tpu.memory_space<hbm>>
      tpu.wait_dma2 semaphore(%run_scoped3A : memref<!tpu.dma_semaphore, #tpu.memory_space<semaphore_mem>>) src(%dma_wait3A_26 : memref<200x128xi32, #tpu.memory_space<hbm>>) dst(%arg8 : memref<200x128xi32, #tpu.memory_space<vmem>>)
      tpu.yield
    }) : () -> ()
    %barrier3A = arith.constant 0 : index
    tpu.barrier barrier_id(%barrier3A)
    %scan3A_10 = arith.constant 0 : i32
    %scan3A_11 = arith.constant 0 : i32
    %scan3A_12 = arith.constant 200 : i32
    %scan3A_13 = arith.addi %scan3A_11, %scan3A_12 : i32
    %scan3A_14 = arith.constant 1 : i32
    scf.for %scan3A_21 = %scan3A_11 to %scan3A_13 step %scan3A_14  : i32 {
      %dma_start3A = arith.constant 0 : i32
      %dma_start3A_22 = tpu.memref_slice %arg7[%scan3A_21, %dma_start3A] : memref<200x128xi32, #tpu.memory_space<vmem>> -> memref<1x128xi32, #tpu.memory_space<vmem>>
      %dma_start3A_23 = tpu.memref_squeeze %dma_start3A_22 : memref<1x128xi32, #tpu.memory_space<vmem>> -> memref<128xi32, #tpu.memory_space<vmem>>
      %dma_start3A_24 = arith.constant 0 : i32
      %dma_start3A_25 = arith.constant 0 : i32
      %dma_start3A_26 = tpu.memref_slice %arg4[%dma_start3A_24, %dma_start3A_25] : memref<51200x16xf32, #tpu.memory_space<hbm>> -> memref<51200x16xf32, #tpu.memory_space<hbm>>
      tpu.enqueue_indirect_dma source(%dma_start3A_26 : memref<51200x16xf32, #tpu.memory_space<hbm>>) target(%arg9 : memref<128x16xf32, #tpu.memory_space<vmem>>) offsets(%dma_start3A_23 : memref<128xi32, #tpu.memory_space<vmem>>) semaphore(%arg12 : memref<!tpu.dma_semaphore, #tpu.memory_space<semaphore_mem>>)
      %dma_wait3A = arith.constant 0 : i32
      %dma_wait3A_27 = tpu.memref_slice %arg7[%scan3A_21, %dma_wait3A] : memref<200x128xi32, #tpu.memory_space<vmem>> -> memref<1x128xi32, #tpu.memory_space<vmem>>
      %dma_wait3A_28 = tpu.memref_squeeze %dma_wait3A_27 : memref<1x128xi32, #tpu.memory_space<vmem>> -> memref<128xi32, #tpu.memory_space<vmem>>
      %dma_wait3A_29 = arith.constant 0 : i32
      %dma_wait3A_30 = arith.constant 0 : i32
      %dma_wait3A_31 = tpu.memref_slice %arg4[%dma_wait3A_29, %dma_wait3A_30] : memref<51200x16xf32, #tpu.memory_space<hbm>> -> memref<51200x16xf32, #tpu.memory_space<hbm>>
      tpu.wait_indirect_dma semaphore(%arg12 : memref<!tpu.dma_semaphore, #tpu.memory_space<semaphore_mem>>) src(%dma_wait3A_31 : memref<51200x16xf32, #tpu.memory_space<hbm>>) dst(%arg9 : memref<128x16xf32, #tpu.memory_space<vmem>>)
      "tpu.region"() ({
        %run_scoped3A = tpu.sem_alloc : memref<!tpu.dma_semaphore, #tpu.memory_space<semaphore_mem>>
        %dma_start3A_32 = arith.constant 0 : i32
        %dma_start3A_33 = tpu.memref_slice %arg8[%scan3A_21, %dma_start3A_32] : memref<200x128xi32, #tpu.memory_space<vmem>> -> memref<1x128xi32, #tpu.memory_space<vmem>>
        %dma_start3A_34 = tpu.memref_squeeze %dma_start3A_33 : memref<1x128xi32, #tpu.memory_space<vmem>> -> memref<128xi32, #tpu.memory_space<vmem>>
        %dma_start3A_35 = arith.constant 0 : i32
        %dma_start3A_36 = arith.constant 0 : i32
        %dma_start3A_37 = tpu.memref_slice %arg11[%dma_start3A_35, %dma_start3A_36] : memref<51200x16xf32, #tpu.memory_space<vmem_shared>> -> memref<51200x16xf32, #tpu.memory_space<vmem_shared>>
        tpu.enqueue_indirect_dma source(%arg9 : memref<128x16xf32, #tpu.memory_space<vmem>>) target(%dma_start3A_37 : memref<51200x16xf32, #tpu.memory_space<vmem_shared>>) offsets(%dma_start3A_34 : memref<128xi32, #tpu.memory_space<vmem>>) semaphore(%run_scoped3A : memref<!tpu.dma_semaphore, #tpu.memory_space<semaphore_mem>>) {add = true}
        %dma_wait3A_38 = arith.constant 0 : i32
        %dma_wait3A_39 = tpu.memref_slice %arg8[%scan3A_21, %dma_wait3A_38] : memref<200x128xi32, #tpu.memory_space<vmem>> -> memref<1x128xi32, #tpu.memory_space<vmem>>
        %dma_wait3A_40 = tpu.memref_squeeze %dma_wait3A_39 : memref<1x128xi32, #tpu.memory_space<vmem>> -> memref<128xi32, #tpu.memory_space<vmem>>
        %dma_wait3A_41 = arith.constant 0 : i32
        %dma_wait3A_42 = arith.constant 0 : i32
        %dma_wait3A_43 = tpu.memref_slice %arg11[%dma_wait3A_41, %dma_wait3A_42] : memref<51200x16xf32, #tpu.memory_space<vmem_shared>> -> memref<51200x16xf32, #tpu.memory_space<vmem_shared>>
        tpu.wait_indirect_dma semaphore(%run_scoped3A : memref<!tpu.dma_semaphore, #tpu.memory_space<semaphore_mem>>) src(%arg9 : memref<128x16xf32, #tpu.memory_space<vmem>>) dst(%dma_wait3A_43 : memref<51200x16xf32, #tpu.memory_space<vmem_shared>>)
        tpu.yield
      }) : () -> ()
    }
    %scan3A_15 = arith.constant 200 : i32
    %barrier3A_16 = arith.constant 0 : index
    tpu.barrier barrier_id(%barrier3A_16)
    %mul3A_17 = arith.constant 3200 : i32
    %mul3A_18 = arith.muli %arg1, %mul3A_17 : i32
    %mul3A_19 = arith.constant 3200 : i32
    %mul3A_20 = arith.muli %arg1, %mul3A_19 : i32
    "tpu.region"() ({
      %run_scoped3A = tpu.sem_alloc : memref<!tpu.dma_semaphore, #tpu.memory_space<semaphore_mem>>
      %dma_start3A = arith.constant 0 : i32
      %dma_start3A_21 = tpu.memref_slice %arg6[%arg0, %mul3A_20, %dma_start3A] : memref<2x51200x16xf32, #tpu.memory_space<hbm>> -> memref<1x3200x16xf32, #tpu.memory_space<hbm>>
      %dma_start3A_22 = tpu.memref_squeeze %dma_start3A_21 : memref<1x3200x16xf32, #tpu.memory_space<hbm>> -> memref<3200x16xf32, #tpu.memory_space<hbm>>
      %dma_start3A_23 = arith.constant 0 : i32
      %dma_start3A_24 = tpu.memref_slice %arg11[%mul3A_18, %dma_start3A_23] : memref<51200x16xf32, #tpu.memory_space<vmem_shared>> -> memref<3200x16xf32, #tpu.memory_space<vmem_shared>>
      tpu.enqueue_dma source(%dma_start3A_24 : memref<3200x16xf32, #tpu.memory_space<vmem_shared>>) target(%dma_start3A_22 : memref<3200x16xf32, #tpu.memory_space<hbm>>) target_semaphore(%run_scoped3A : memref<!tpu.dma_semaphore, #tpu.memory_space<semaphore_mem>>)
      %dma_wait3A = arith.constant 0 : i32
      %dma_wait3A_25 = tpu.memref_slice %arg6[%arg0, %mul3A_20, %dma_wait3A] : memref<2x51200x16xf32, #tpu.memory_space<hbm>> -> memref<1x3200x16xf32, #tpu.memory_space<hbm>>
      %dma_wait3A_26 = tpu.memref_squeeze %dma_wait3A_25 : memref<1x3200x16xf32, #tpu.memory_space<hbm>> -> memref<3200x16xf32, #tpu.memory_space<hbm>>
      %dma_wait3A_27 = arith.constant 0 : i32
      %dma_wait3A_28 = tpu.memref_slice %arg11[%mul3A_18, %dma_wait3A_27] : memref<51200x16xf32, #tpu.memory_space<vmem_shared>> -> memref<3200x16xf32, #tpu.memory_space<vmem_shared>>
      tpu.wait_dma2 semaphore(%run_scoped3A : memref<!tpu.dma_semaphore, #tpu.memory_space<semaphore_mem>>) src(%dma_wait3A_28 : memref<3200x16xf32, #tpu.memory_space<vmem_shared>>) dst(%dma_wait3A_26 : memref<3200x16xf32, #tpu.memory_space<hbm>>)
      tpu.yield
    }) : () -> ()
    return
  }
}

#map = affine_map<(d0, d1) -> (0, 0)>
#map1 = affine_map<(d0, d1) -> (0, 0, 0)>
module attributes {stable_mosaic.version = 14 : i64} {
  func.func @_agg16_kernel(%arg0: i32, %arg1: i32, %arg2: memref<6400x128xi32, #tpu.memory_space<hbm>>, %arg3: memref<6400x128xi32, #tpu.memory_space<hbm>>, %arg4: memref<51200x16xf32, #tpu.memory_space<hbm>>, %arg5: memref<128x16xf32, #tpu.memory_space<hbm>>, %arg6: memref<2x51200x16xf32, #tpu.memory_space<hbm>>, %arg7: memref<200x128xi32, #tpu.memory_space<vmem>>, %arg8: memref<200x128xi32, #tpu.memory_space<vmem>>, %arg9: memref<128x16xf32, #tpu.memory_space<vmem>>, %arg10: memref<128x16xf32, #tpu.memory_space<vmem>>, %arg11: memref<51200x16xf32, #tpu.memory_space<vmem_shared>>, %arg12: memref<!tpu.dma_semaphore, #tpu.memory_space<semaphore_mem>>) attributes {dimension_semantics = [#tpu.dimension_semantics<core_parallel>, #tpu.dimension_semantics<subcore_parallel>], iteration_bounds = array<i64: 2, 16>, scalar_prefetch = 0 : i64, scratch_operands = 6 : i64, tpu.core_type = #tpu.core_type<sc_vector_subcore>, window_params = [{transform_indices = #map}, {transform_indices = #map}, {transform_indices = #map}, {transform_indices = #map}, {transform_indices = #map1}]} {
    %mul3A = arith.constant 16 : i32
    %mul3A_0 = arith.muli %arg0, %mul3A : i32
    %add3A = arith.addi %mul3A_0, %arg1 : i32
    "tpu.region"() ({
      %run_scoped3A = tpu.sem_alloc : memref<!tpu.dma_semaphore, #tpu.memory_space<semaphore_mem>>
      tpu.enqueue_dma source(%arg5 : memref<128x16xf32, #tpu.memory_space<hbm>>) target(%arg10 : memref<128x16xf32, #tpu.memory_space<vmem>>) target_semaphore(%run_scoped3A : memref<!tpu.dma_semaphore, #tpu.memory_space<semaphore_mem>>)
      tpu.wait_dma2 semaphore(%run_scoped3A : memref<!tpu.dma_semaphore, #tpu.memory_space<semaphore_mem>>) src(%arg5 : memref<128x16xf32, #tpu.memory_space<hbm>>) dst(%arg10 : memref<128x16xf32, #tpu.memory_space<vmem>>)
      tpu.yield
    }) : () -> ()
    %scan3A = arith.constant 0 : i32
    %scan3A_1 = arith.constant 0 : i32
    %scan3A_2 = arith.constant 25 : i32
    %scan3A_3 = arith.addi %scan3A_1, %scan3A_2 : i32
    %scan3A_4 = arith.constant 1 : i32
    scf.for %scan3A_21 = %scan3A_1 to %scan3A_3 step %scan3A_4  : i32 {
      %mul3A_22 = arith.constant 3200 : i32
      %mul3A_23 = arith.muli %arg1, %mul3A_22 : i32
      %mul3A_24 = arith.constant 128 : i32
      %mul3A_25 = arith.muli %scan3A_21, %mul3A_24 : i32
      %add3A_26 = arith.addi %mul3A_23, %mul3A_25 : i32
      "tpu.region"() ({
        %run_scoped3A = tpu.sem_alloc : memref<!tpu.dma_semaphore, #tpu.memory_space<semaphore_mem>>
        %dma_start3A = arith.constant 0 : i32
        %dma_start3A_27 = tpu.memref_slice %arg11[%add3A_26, %dma_start3A] : memref<51200x16xf32, #tpu.memory_space<vmem_shared>> -> memref<128x16xf32, #tpu.memory_space<vmem_shared>>
        %dma_start3A_28 = arith.constant 0 : i32
        %dma_start3A_29 = tpu.memref_slice %arg11[%add3A_26, %dma_start3A_28] : memref<51200x16xf32, #tpu.memory_space<vmem_shared>> -> memref<128x16xf32, #tpu.memory_space<vmem_shared>>
        tpu.enqueue_dma source(%arg10 : memref<128x16xf32, #tpu.memory_space<vmem>>) target(%dma_start3A_29 : memref<128x16xf32, #tpu.memory_space<vmem_shared>>) target_semaphore(%run_scoped3A : memref<!tpu.dma_semaphore, #tpu.memory_space<semaphore_mem>>)
        %dma_wait3A = arith.constant 0 : i32
        %dma_wait3A_30 = tpu.memref_slice %arg11[%add3A_26, %dma_wait3A] : memref<51200x16xf32, #tpu.memory_space<vmem_shared>> -> memref<128x16xf32, #tpu.memory_space<vmem_shared>>
        %dma_wait3A_31 = arith.constant 0 : i32
        %dma_wait3A_32 = tpu.memref_slice %arg11[%add3A_26, %dma_wait3A_31] : memref<51200x16xf32, #tpu.memory_space<vmem_shared>> -> memref<128x16xf32, #tpu.memory_space<vmem_shared>>
        tpu.wait_dma2 semaphore(%run_scoped3A : memref<!tpu.dma_semaphore, #tpu.memory_space<semaphore_mem>>) src(%arg10 : memref<128x16xf32, #tpu.memory_space<vmem>>) dst(%dma_wait3A_32 : memref<128x16xf32, #tpu.memory_space<vmem_shared>>)
        tpu.yield
      }) : () -> ()
    }
    %scan3A_5 = arith.constant 25 : i32
    %mul3A_6 = arith.constant 200 : i32
    %mul3A_7 = arith.muli %add3A, %mul3A_6 : i32
    "tpu.region"() ({
      %run_scoped3A = tpu.sem_alloc : memref<!tpu.dma_semaphore, #tpu.memory_space<semaphore_mem>>
      %dma_start3A = arith.constant 0 : i32
      %dma_start3A_21 = tpu.memref_slice %arg2[%mul3A_7, %dma_start3A] : memref<6400x128xi32, #tpu.memory_space<hbm>> -> memref<200x128xi32, #tpu.memory_space<hbm>>
      %dma_start3A_22 = arith.constant 0 : i32
      %dma_start3A_23 = tpu.memref_slice %arg2[%mul3A_7, %dma_start3A_22] : memref<6400x128xi32, #tpu.memory_space<hbm>> -> memref<200x128xi32, #tpu.memory_space<hbm>>
      tpu.enqueue_dma source(%dma_start3A_23 : memref<200x128xi32, #tpu.memory_space<hbm>>) target(%arg7 : memref<200x128xi32, #tpu.memory_space<vmem>>) target_semaphore(%run_scoped3A : memref<!tpu.dma_semaphore, #tpu.memory_space<semaphore_mem>>)
      %dma_wait3A = arith.constant 0 : i32
      %dma_wait3A_24 = tpu.memref_slice %arg2[%mul3A_7, %dma_wait3A] : memref<6400x128xi32, #tpu.memory_space<hbm>> -> memref<200x128xi32, #tpu.memory_space<hbm>>
      %dma_wait3A_25 = arith.constant 0 : i32
      %dma_wait3A_26 = tpu.memref_slice %arg2[%mul3A_7, %dma_wait3A_25] : memref<6400x128xi32, #tpu.memory_space<hbm>> -> memref<200x128xi32, #tpu.memory_space<hbm>>
      tpu.wait_dma2 semaphore(%run_scoped3A : memref<!tpu.dma_semaphore, #tpu.memory_space<semaphore_mem>>) src(%dma_wait3A_26 : memref<200x128xi32, #tpu.memory_space<hbm>>) dst(%arg7 : memref<200x128xi32, #tpu.memory_space<vmem>>)
      tpu.yield
    }) : () -> ()
    %mul3A_8 = arith.constant 200 : i32
    %mul3A_9 = arith.muli %add3A, %mul3A_8 : i32
    "tpu.region"() ({
      %run_scoped3A = tpu.sem_alloc : memref<!tpu.dma_semaphore, #tpu.memory_space<semaphore_mem>>
      %dma_start3A = arith.constant 0 : i32
      %dma_start3A_21 = tpu.memref_slice %arg3[%mul3A_9, %dma_start3A] : memref<6400x128xi32, #tpu.memory_space<hbm>> -> memref<200x128xi32, #tpu.memory_space<hbm>>
      %dma_start3A_22 = arith.constant 0 : i32
      %dma_start3A_23 = tpu.memref_slice %arg3[%mul3A_9, %dma_start3A_22] : memref<6400x128xi32, #tpu.memory_space<hbm>> -> memref<200x128xi32, #tpu.memory_space<hbm>>
      tpu.enqueue_dma source(%dma_start3A_23 : memref<200x128xi32, #tpu.memory_space<hbm>>) target(%arg8 : memref<200x128xi32, #tpu.memory_space<vmem>>) target_semaphore(%run_scoped3A : memref<!tpu.dma_semaphore, #tpu.memory_space<semaphore_mem>>)
      %dma_wait3A = arith.constant 0 : i32
      %dma_wait3A_24 = tpu.memref_slice %arg3[%mul3A_9, %dma_wait3A] : memref<6400x128xi32, #tpu.memory_space<hbm>> -> memref<200x128xi32, #tpu.memory_space<hbm>>
      %dma_wait3A_25 = arith.constant 0 : i32
      %dma_wait3A_26 = tpu.memref_slice %arg3[%mul3A_9, %dma_wait3A_25] : memref<6400x128xi32, #tpu.memory_space<hbm>> -> memref<200x128xi32, #tpu.memory_space<hbm>>
      tpu.wait_dma2 semaphore(%run_scoped3A : memref<!tpu.dma_semaphore, #tpu.memory_space<semaphore_mem>>) src(%dma_wait3A_26 : memref<200x128xi32, #tpu.memory_space<hbm>>) dst(%arg8 : memref<200x128xi32, #tpu.memory_space<vmem>>)
      tpu.yield
    }) : () -> ()
    %barrier3A = arith.constant 0 : index
    tpu.barrier barrier_id(%barrier3A)
    %scan3A_10 = arith.constant 0 : i32
    %scan3A_11 = arith.constant 0 : i32
    %scan3A_12 = arith.constant 200 : i32
    %scan3A_13 = arith.addi %scan3A_11, %scan3A_12 : i32
    %scan3A_14 = arith.constant 1 : i32
    scf.for %scan3A_21 = %scan3A_11 to %scan3A_13 step %scan3A_14  : i32 {
      %dma_start3A = arith.constant 0 : i32
      %dma_start3A_22 = tpu.memref_slice %arg7[%scan3A_21, %dma_start3A] : memref<200x128xi32, #tpu.memory_space<vmem>> -> memref<1x128xi32, #tpu.memory_space<vmem>>
      %dma_start3A_23 = tpu.memref_squeeze %dma_start3A_22 : memref<1x128xi32, #tpu.memory_space<vmem>> -> memref<128xi32, #tpu.memory_space<vmem>>
      %dma_start3A_24 = arith.constant 0 : i32
      %dma_start3A_25 = arith.constant 0 : i32
      %dma_start3A_26 = tpu.memref_slice %arg4[%dma_start3A_24, %dma_start3A_25] : memref<51200x16xf32, #tpu.memory_space<hbm>> -> memref<51200x16xf32, #tpu.memory_space<hbm>>
      tpu.enqueue_indirect_dma source(%dma_start3A_26 : memref<51200x16xf32, #tpu.memory_space<hbm>>) target(%arg9 : memref<128x16xf32, #tpu.memory_space<vmem>>) offsets(%dma_start3A_23 : memref<128xi32, #tpu.memory_space<vmem>>) semaphore(%arg12 : memref<!tpu.dma_semaphore, #tpu.memory_space<semaphore_mem>>)
      %dma_wait3A = arith.constant 0 : i32
      %dma_wait3A_27 = tpu.memref_slice %arg7[%scan3A_21, %dma_wait3A] : memref<200x128xi32, #tpu.memory_space<vmem>> -> memref<1x128xi32, #tpu.memory_space<vmem>>
      %dma_wait3A_28 = tpu.memref_squeeze %dma_wait3A_27 : memref<1x128xi32, #tpu.memory_space<vmem>> -> memref<128xi32, #tpu.memory_space<vmem>>
      %dma_wait3A_29 = arith.constant 0 : i32
      %dma_wait3A_30 = arith.constant 0 : i32
      %dma_wait3A_31 = tpu.memref_slice %arg4[%dma_wait3A_29, %dma_wait3A_30] : memref<51200x16xf32, #tpu.memory_space<hbm>> -> memref<51200x16xf32, #tpu.memory_space<hbm>>
      tpu.wait_indirect_dma semaphore(%arg12 : memref<!tpu.dma_semaphore, #tpu.memory_space<semaphore_mem>>) src(%dma_wait3A_31 : memref<51200x16xf32, #tpu.memory_space<hbm>>) dst(%arg9 : memref<128x16xf32, #tpu.memory_space<vmem>>)
      "tpu.region"() ({
        %run_scoped3A = tpu.sem_alloc : memref<!tpu.dma_semaphore, #tpu.memory_space<semaphore_mem>>
        %dma_start3A_32 = arith.constant 0 : i32
        %dma_start3A_33 = tpu.memref_slice %arg8[%scan3A_21, %dma_start3A_32] : memref<200x128xi32, #tpu.memory_space<vmem>> -> memref<1x128xi32, #tpu.memory_space<vmem>>
        %dma_start3A_34 = tpu.memref_squeeze %dma_start3A_33 : memref<1x128xi32, #tpu.memory_space<vmem>> -> memref<128xi32, #tpu.memory_space<vmem>>
        %dma_start3A_35 = arith.constant 0 : i32
        %dma_start3A_36 = arith.constant 0 : i32
        %dma_start3A_37 = tpu.memref_slice %arg11[%dma_start3A_35, %dma_start3A_36] : memref<51200x16xf32, #tpu.memory_space<vmem_shared>> -> memref<51200x16xf32, #tpu.memory_space<vmem_shared>>
        tpu.enqueue_indirect_dma source(%arg9 : memref<128x16xf32, #tpu.memory_space<vmem>>) target(%dma_start3A_37 : memref<51200x16xf32, #tpu.memory_space<vmem_shared>>) offsets(%dma_start3A_34 : memref<128xi32, #tpu.memory_space<vmem>>) semaphore(%run_scoped3A : memref<!tpu.dma_semaphore, #tpu.memory_space<semaphore_mem>>) {add = true}
        %dma_wait3A_38 = arith.constant 0 : i32
        %dma_wait3A_39 = tpu.memref_slice %arg8[%scan3A_21, %dma_wait3A_38] : memref<200x128xi32, #tpu.memory_space<vmem>> -> memref<1x128xi32, #tpu.memory_space<vmem>>
        %dma_wait3A_40 = tpu.memref_squeeze %dma_wait3A_39 : memref<1x128xi32, #tpu.memory_space<vmem>> -> memref<128xi32, #tpu.memory_space<vmem>>
        %dma_wait3A_41 = arith.constant 0 : i32
        %dma_wait3A_42 = arith.constant 0 : i32
        %dma_wait3A_43 = tpu.memref_slice %arg11[%dma_wait3A_41, %dma_wait3A_42] : memref<51200x16xf32, #tpu.memory_space<vmem_shared>> -> memref<51200x16xf32, #tpu.memory_space<vmem_shared>>
        tpu.wait_indirect_dma semaphore(%run_scoped3A : memref<!tpu.dma_semaphore, #tpu.memory_space<semaphore_mem>>) src(%arg9 : memref<128x16xf32, #tpu.memory_space<vmem>>) dst(%dma_wait3A_43 : memref<51200x16xf32, #tpu.memory_space<vmem_shared>>)
        tpu.yield
      }) : () -> ()
    }
    %scan3A_15 = arith.constant 200 : i32
    %barrier3A_16 = arith.constant 0 : index
    tpu.barrier barrier_id(%barrier3A_16)
    %mul3A_17 = arith.constant 3200 : i32
    %mul3A_18 = arith.muli %arg1, %mul3A_17 : i32
    %mul3A_19 = arith.constant 3200 : i32
    %mul3A_20 = arith.muli %arg1, %mul3A_19 : i32
    "tpu.region"() ({
      %run_scoped3A = tpu.sem_alloc : memref<!tpu.dma_semaphore, #tpu.memory_space<semaphore_mem>>
      %dma_start3A = arith.constant 0 : i32
      %dma_start3A_21 = tpu.memref_slice %arg6[%arg0, %mul3A_20, %dma_start3A] : memref<2x51200x16xf32, #tpu.memory_space<hbm>> -> memref<1x3200x16xf32, #tpu.memory_space<hbm>>
      %dma_start3A_22 = tpu.memref_squeeze %dma_start3A_21 : memref<1x3200x16xf32, #tpu.memory_space<hbm>> -> memref<3200x16xf32, #tpu.memory_space<hbm>>
      %dma_start3A_23 = arith.constant 0 : i32
      %dma_start3A_24 = tpu.memref_slice %arg11[%mul3A_18, %dma_start3A_23] : memref<51200x16xf32, #tpu.memory_space<vmem_shared>> -> memref<3200x16xf32, #tpu.memory_space<vmem_shared>>
      tpu.enqueue_dma source(%dma_start3A_24 : memref<3200x16xf32, #tpu.memory_space<vmem_shared>>) target(%dma_start3A_22 : memref<3200x16xf32, #tpu.memory_space<hbm>>) target_semaphore(%run_scoped3A : memref<!tpu.dma_semaphore, #tpu.memory_space<semaphore_mem>>)
      %dma_wait3A = arith.constant 0 : i32
      %dma_wait3A_25 = tpu.memref_slice %arg6[%arg0, %mul3A_20, %dma_wait3A] : memref<2x51200x16xf32, #tpu.memory_space<hbm>> -> memref<1x3200x16xf32, #tpu.memory_space<hbm>>
      %dma_wait3A_26 = tpu.memref_squeeze %dma_wait3A_25 : memref<1x3200x16xf32, #tpu.memory_space<hbm>> -> memref<3200x16xf32, #tpu.memory_space<hbm>>
      %dma_wait3A_27 = arith.constant 0 : i32
      %dma_wait3A_28 = tpu.memref_slice %arg11[%mul3A_18, %dma_wait3A_27] : memref<51200x16xf32, #tpu.memory_space<vmem_shared>> -> memref<3200x16xf32, #tpu.memory_space<vmem_shared>>
      tpu.wait_dma2 semaphore(%run_scoped3A : memref<!tpu.dma_semaphore, #tpu.memory_space<semaphore_mem>>) src(%dma_wait3A_28 : memref<3200x16xf32, #tpu.memory_space<vmem_shared>>) dst(%dma_wait3A_26 : memref<3200x16xf32, #tpu.memory_space<hbm>>)
      tpu.yield
    }) : () -> ()
    return
  }
}

#map = affine_map<(d0, d1) -> (0, 0)>
#map1 = affine_map<(d0, d1) -> (0, 0, 0)>
module attributes {stable_mosaic.version = 14 : i64} {
  func.func @_agg16_kernel(%arg0: i32, %arg1: i32, %arg2: memref<6400x128xi32, #tpu.memory_space<hbm>>, %arg3: memref<6400x128xi32, #tpu.memory_space<hbm>>, %arg4: memref<51200x16xf32, #tpu.memory_space<hbm>>, %arg5: memref<128x16xf32, #tpu.memory_space<hbm>>, %arg6: memref<2x51200x16xf32, #tpu.memory_space<hbm>>, %arg7: memref<200x128xi32, #tpu.memory_space<vmem>>, %arg8: memref<200x128xi32, #tpu.memory_space<vmem>>, %arg9: memref<128x16xf32, #tpu.memory_space<vmem>>, %arg10: memref<128x16xf32, #tpu.memory_space<vmem>>, %arg11: memref<51200x16xf32, #tpu.memory_space<vmem_shared>>, %arg12: memref<!tpu.dma_semaphore, #tpu.memory_space<semaphore_mem>>) attributes {dimension_semantics = [#tpu.dimension_semantics<core_parallel>, #tpu.dimension_semantics<subcore_parallel>], iteration_bounds = array<i64: 2, 16>, scalar_prefetch = 0 : i64, scratch_operands = 6 : i64, tpu.core_type = #tpu.core_type<sc_vector_subcore>, window_params = [{transform_indices = #map}, {transform_indices = #map}, {transform_indices = #map}, {transform_indices = #map}, {transform_indices = #map1}]} {
    %mul3A = arith.constant 16 : i32
    %mul3A_0 = arith.muli %arg0, %mul3A : i32
    %add3A = arith.addi %mul3A_0, %arg1 : i32
    "tpu.region"() ({
      %run_scoped3A = tpu.sem_alloc : memref<!tpu.dma_semaphore, #tpu.memory_space<semaphore_mem>>
      tpu.enqueue_dma source(%arg5 : memref<128x16xf32, #tpu.memory_space<hbm>>) target(%arg10 : memref<128x16xf32, #tpu.memory_space<vmem>>) target_semaphore(%run_scoped3A : memref<!tpu.dma_semaphore, #tpu.memory_space<semaphore_mem>>)
      tpu.wait_dma2 semaphore(%run_scoped3A : memref<!tpu.dma_semaphore, #tpu.memory_space<semaphore_mem>>) src(%arg5 : memref<128x16xf32, #tpu.memory_space<hbm>>) dst(%arg10 : memref<128x16xf32, #tpu.memory_space<vmem>>)
      tpu.yield
    }) : () -> ()
    %scan3A = arith.constant 0 : i32
    %scan3A_1 = arith.constant 0 : i32
    %scan3A_2 = arith.constant 25 : i32
    %scan3A_3 = arith.addi %scan3A_1, %scan3A_2 : i32
    %scan3A_4 = arith.constant 1 : i32
    scf.for %scan3A_21 = %scan3A_1 to %scan3A_3 step %scan3A_4  : i32 {
      %mul3A_22 = arith.constant 3200 : i32
      %mul3A_23 = arith.muli %arg1, %mul3A_22 : i32
      %mul3A_24 = arith.constant 128 : i32
      %mul3A_25 = arith.muli %scan3A_21, %mul3A_24 : i32
      %add3A_26 = arith.addi %mul3A_23, %mul3A_25 : i32
      "tpu.region"() ({
        %run_scoped3A = tpu.sem_alloc : memref<!tpu.dma_semaphore, #tpu.memory_space<semaphore_mem>>
        %dma_start3A = arith.constant 0 : i32
        %dma_start3A_27 = tpu.memref_slice %arg11[%add3A_26, %dma_start3A] : memref<51200x16xf32, #tpu.memory_space<vmem_shared>> -> memref<128x16xf32, #tpu.memory_space<vmem_shared>>
        %dma_start3A_28 = arith.constant 0 : i32
        %dma_start3A_29 = tpu.memref_slice %arg11[%add3A_26, %dma_start3A_28] : memref<51200x16xf32, #tpu.memory_space<vmem_shared>> -> memref<128x16xf32, #tpu.memory_space<vmem_shared>>
        tpu.enqueue_dma source(%arg10 : memref<128x16xf32, #tpu.memory_space<vmem>>) target(%dma_start3A_29 : memref<128x16xf32, #tpu.memory_space<vmem_shared>>) target_semaphore(%run_scoped3A : memref<!tpu.dma_semaphore, #tpu.memory_space<semaphore_mem>>)
        %dma_wait3A = arith.constant 0 : i32
        %dma_wait3A_30 = tpu.memref_slice %arg11[%add3A_26, %dma_wait3A] : memref<51200x16xf32, #tpu.memory_space<vmem_shared>> -> memref<128x16xf32, #tpu.memory_space<vmem_shared>>
        %dma_wait3A_31 = arith.constant 0 : i32
        %dma_wait3A_32 = tpu.memref_slice %arg11[%add3A_26, %dma_wait3A_31] : memref<51200x16xf32, #tpu.memory_space<vmem_shared>> -> memref<128x16xf32, #tpu.memory_space<vmem_shared>>
        tpu.wait_dma2 semaphore(%run_scoped3A : memref<!tpu.dma_semaphore, #tpu.memory_space<semaphore_mem>>) src(%arg10 : memref<128x16xf32, #tpu.memory_space<vmem>>) dst(%dma_wait3A_32 : memref<128x16xf32, #tpu.memory_space<vmem_shared>>)
        tpu.yield
      }) : () -> ()
    }
    %scan3A_5 = arith.constant 25 : i32
    %mul3A_6 = arith.constant 200 : i32
    %mul3A_7 = arith.muli %add3A, %mul3A_6 : i32
    "tpu.region"() ({
      %run_scoped3A = tpu.sem_alloc : memref<!tpu.dma_semaphore, #tpu.memory_space<semaphore_mem>>
      %dma_start3A = arith.constant 0 : i32
      %dma_start3A_21 = tpu.memref_slice %arg2[%mul3A_7, %dma_start3A] : memref<6400x128xi32, #tpu.memory_space<hbm>> -> memref<200x128xi32, #tpu.memory_space<hbm>>
      %dma_start3A_22 = arith.constant 0 : i32
      %dma_start3A_23 = tpu.memref_slice %arg2[%mul3A_7, %dma_start3A_22] : memref<6400x128xi32, #tpu.memory_space<hbm>> -> memref<200x128xi32, #tpu.memory_space<hbm>>
      tpu.enqueue_dma source(%dma_start3A_23 : memref<200x128xi32, #tpu.memory_space<hbm>>) target(%arg7 : memref<200x128xi32, #tpu.memory_space<vmem>>) target_semaphore(%run_scoped3A : memref<!tpu.dma_semaphore, #tpu.memory_space<semaphore_mem>>)
      %dma_wait3A = arith.constant 0 : i32
      %dma_wait3A_24 = tpu.memref_slice %arg2[%mul3A_7, %dma_wait3A] : memref<6400x128xi32, #tpu.memory_space<hbm>> -> memref<200x128xi32, #tpu.memory_space<hbm>>
      %dma_wait3A_25 = arith.constant 0 : i32
      %dma_wait3A_26 = tpu.memref_slice %arg2[%mul3A_7, %dma_wait3A_25] : memref<6400x128xi32, #tpu.memory_space<hbm>> -> memref<200x128xi32, #tpu.memory_space<hbm>>
      tpu.wait_dma2 semaphore(%run_scoped3A : memref<!tpu.dma_semaphore, #tpu.memory_space<semaphore_mem>>) src(%dma_wait3A_26 : memref<200x128xi32, #tpu.memory_space<hbm>>) dst(%arg7 : memref<200x128xi32, #tpu.memory_space<vmem>>)
      tpu.yield
    }) : () -> ()
    %mul3A_8 = arith.constant 200 : i32
    %mul3A_9 = arith.muli %add3A, %mul3A_8 : i32
    "tpu.region"() ({
      %run_scoped3A = tpu.sem_alloc : memref<!tpu.dma_semaphore, #tpu.memory_space<semaphore_mem>>
      %dma_start3A = arith.constant 0 : i32
      %dma_start3A_21 = tpu.memref_slice %arg3[%mul3A_9, %dma_start3A] : memref<6400x128xi32, #tpu.memory_space<hbm>> -> memref<200x128xi32, #tpu.memory_space<hbm>>
      %dma_start3A_22 = arith.constant 0 : i32
      %dma_start3A_23 = tpu.memref_slice %arg3[%mul3A_9, %dma_start3A_22] : memref<6400x128xi32, #tpu.memory_space<hbm>> -> memref<200x128xi32, #tpu.memory_space<hbm>>
      tpu.enqueue_dma source(%dma_start3A_23 : memref<200x128xi32, #tpu.memory_space<hbm>>) target(%arg8 : memref<200x128xi32, #tpu.memory_space<vmem>>) target_semaphore(%run_scoped3A : memref<!tpu.dma_semaphore, #tpu.memory_space<semaphore_mem>>)
      %dma_wait3A = arith.constant 0 : i32
      %dma_wait3A_24 = tpu.memref_slice %arg3[%mul3A_9, %dma_wait3A] : memref<6400x128xi32, #tpu.memory_space<hbm>> -> memref<200x128xi32, #tpu.memory_space<hbm>>
      %dma_wait3A_25 = arith.constant 0 : i32
      %dma_wait3A_26 = tpu.memref_slice %arg3[%mul3A_9, %dma_wait3A_25] : memref<6400x128xi32, #tpu.memory_space<hbm>> -> memref<200x128xi32, #tpu.memory_space<hbm>>
      tpu.wait_dma2 semaphore(%run_scoped3A : memref<!tpu.dma_semaphore, #tpu.memory_space<semaphore_mem>>) src(%dma_wait3A_26 : memref<200x128xi32, #tpu.memory_space<hbm>>) dst(%arg8 : memref<200x128xi32, #tpu.memory_space<vmem>>)
      tpu.yield
    }) : () -> ()
    %barrier3A = arith.constant 0 : index
    tpu.barrier barrier_id(%barrier3A)
    %scan3A_10 = arith.constant 0 : i32
    %scan3A_11 = arith.constant 0 : i32
    %scan3A_12 = arith.constant 200 : i32
    %scan3A_13 = arith.addi %scan3A_11, %scan3A_12 : i32
    %scan3A_14 = arith.constant 1 : i32
    scf.for %scan3A_21 = %scan3A_11 to %scan3A_13 step %scan3A_14  : i32 {
      %dma_start3A = arith.constant 0 : i32
      %dma_start3A_22 = tpu.memref_slice %arg7[%scan3A_21, %dma_start3A] : memref<200x128xi32, #tpu.memory_space<vmem>> -> memref<1x128xi32, #tpu.memory_space<vmem>>
      %dma_start3A_23 = tpu.memref_squeeze %dma_start3A_22 : memref<1x128xi32, #tpu.memory_space<vmem>> -> memref<128xi32, #tpu.memory_space<vmem>>
      %dma_start3A_24 = arith.constant 0 : i32
      %dma_start3A_25 = arith.constant 0 : i32
      %dma_start3A_26 = tpu.memref_slice %arg4[%dma_start3A_24, %dma_start3A_25] : memref<51200x16xf32, #tpu.memory_space<hbm>> -> memref<51200x16xf32, #tpu.memory_space<hbm>>
      tpu.enqueue_indirect_dma source(%dma_start3A_26 : memref<51200x16xf32, #tpu.memory_space<hbm>>) target(%arg9 : memref<128x16xf32, #tpu.memory_space<vmem>>) offsets(%dma_start3A_23 : memref<128xi32, #tpu.memory_space<vmem>>) semaphore(%arg12 : memref<!tpu.dma_semaphore, #tpu.memory_space<semaphore_mem>>)
      %dma_wait3A = arith.constant 0 : i32
      %dma_wait3A_27 = tpu.memref_slice %arg7[%scan3A_21, %dma_wait3A] : memref<200x128xi32, #tpu.memory_space<vmem>> -> memref<1x128xi32, #tpu.memory_space<vmem>>
      %dma_wait3A_28 = tpu.memref_squeeze %dma_wait3A_27 : memref<1x128xi32, #tpu.memory_space<vmem>> -> memref<128xi32, #tpu.memory_space<vmem>>
      %dma_wait3A_29 = arith.constant 0 : i32
      %dma_wait3A_30 = arith.constant 0 : i32
      %dma_wait3A_31 = tpu.memref_slice %arg4[%dma_wait3A_29, %dma_wait3A_30] : memref<51200x16xf32, #tpu.memory_space<hbm>> -> memref<51200x16xf32, #tpu.memory_space<hbm>>
      tpu.wait_indirect_dma semaphore(%arg12 : memref<!tpu.dma_semaphore, #tpu.memory_space<semaphore_mem>>) src(%dma_wait3A_31 : memref<51200x16xf32, #tpu.memory_space<hbm>>) dst(%arg9 : memref<128x16xf32, #tpu.memory_space<vmem>>)
      "tpu.region"() ({
        %run_scoped3A = tpu.sem_alloc : memref<!tpu.dma_semaphore, #tpu.memory_space<semaphore_mem>>
        %dma_start3A_32 = arith.constant 0 : i32
        %dma_start3A_33 = tpu.memref_slice %arg8[%scan3A_21, %dma_start3A_32] : memref<200x128xi32, #tpu.memory_space<vmem>> -> memref<1x128xi32, #tpu.memory_space<vmem>>
        %dma_start3A_34 = tpu.memref_squeeze %dma_start3A_33 : memref<1x128xi32, #tpu.memory_space<vmem>> -> memref<128xi32, #tpu.memory_space<vmem>>
        %dma_start3A_35 = arith.constant 0 : i32
        %dma_start3A_36 = arith.constant 0 : i32
        %dma_start3A_37 = tpu.memref_slice %arg11[%dma_start3A_35, %dma_start3A_36] : memref<51200x16xf32, #tpu.memory_space<vmem_shared>> -> memref<51200x16xf32, #tpu.memory_space<vmem_shared>>
        tpu.enqueue_indirect_dma source(%arg9 : memref<128x16xf32, #tpu.memory_space<vmem>>) target(%dma_start3A_37 : memref<51200x16xf32, #tpu.memory_space<vmem_shared>>) offsets(%dma_start3A_34 : memref<128xi32, #tpu.memory_space<vmem>>) semaphore(%run_scoped3A : memref<!tpu.dma_semaphore, #tpu.memory_space<semaphore_mem>>) {add = true}
        %dma_wait3A_38 = arith.constant 0 : i32
        %dma_wait3A_39 = tpu.memref_slice %arg8[%scan3A_21, %dma_wait3A_38] : memref<200x128xi32, #tpu.memory_space<vmem>> -> memref<1x128xi32, #tpu.memory_space<vmem>>
        %dma_wait3A_40 = tpu.memref_squeeze %dma_wait3A_39 : memref<1x128xi32, #tpu.memory_space<vmem>> -> memref<128xi32, #tpu.memory_space<vmem>>
        %dma_wait3A_41 = arith.constant 0 : i32
        %dma_wait3A_42 = arith.constant 0 : i32
        %dma_wait3A_43 = tpu.memref_slice %arg11[%dma_wait3A_41, %dma_wait3A_42] : memref<51200x16xf32, #tpu.memory_space<vmem_shared>> -> memref<51200x16xf32, #tpu.memory_space<vmem_shared>>
        tpu.wait_indirect_dma semaphore(%run_scoped3A : memref<!tpu.dma_semaphore, #tpu.memory_space<semaphore_mem>>) src(%arg9 : memref<128x16xf32, #tpu.memory_space<vmem>>) dst(%dma_wait3A_43 : memref<51200x16xf32, #tpu.memory_space<vmem_shared>>)
        tpu.yield
      }) : () -> ()
    }
    %scan3A_15 = arith.constant 200 : i32
    %barrier3A_16 = arith.constant 0 : index
    tpu.barrier barrier_id(%barrier3A_16)
    %mul3A_17 = arith.constant 3200 : i32
    %mul3A_18 = arith.muli %arg1, %mul3A_17 : i32
    %mul3A_19 = arith.constant 3200 : i32
    %mul3A_20 = arith.muli %arg1, %mul3A_19 : i32
    "tpu.region"() ({
      %run_scoped3A = tpu.sem_alloc : memref<!tpu.dma_semaphore, #tpu.memory_space<semaphore_mem>>
      %dma_start3A = arith.constant 0 : i32
      %dma_start3A_21 = tpu.memref_slice %arg6[%arg0, %mul3A_20, %dma_start3A] : memref<2x51200x16xf32, #tpu.memory_space<hbm>> -> memref<1x3200x16xf32, #tpu.memory_space<hbm>>
      %dma_start3A_22 = tpu.memref_squeeze %dma_start3A_21 : memref<1x3200x16xf32, #tpu.memory_space<hbm>> -> memref<3200x16xf32, #tpu.memory_space<hbm>>
      %dma_start3A_23 = arith.constant 0 : i32
      %dma_start3A_24 = tpu.memref_slice %arg11[%mul3A_18, %dma_start3A_23] : memref<51200x16xf32, #tpu.memory_space<vmem_shared>> -> memref<3200x16xf32, #tpu.memory_space<vmem_shared>>
      tpu.enqueue_dma source(%dma_start3A_24 : memref<3200x16xf32, #tpu.memory_space<vmem_shared>>) target(%dma_start3A_22 : memref<3200x16xf32, #tpu.memory_space<hbm>>) target_semaphore(%run_scoped3A : memref<!tpu.dma_semaphore, #tpu.memory_space<semaphore_mem>>)
      %dma_wait3A = arith.constant 0 : i32
      %dma_wait3A_25 = tpu.memref_slice %arg6[%arg0, %mul3A_20, %dma_wait3A] : memref<2x51200x16xf32, #tpu.memory_space<hbm>> -> memref<1x3200x16xf32, #tpu.memory_space<hbm>>
      %dma_wait3A_26 = tpu.memref_squeeze %dma_wait3A_25 : memref<1x3200x16xf32, #tpu.memory_space<hbm>> -> memref<3200x16xf32, #tpu.memory_space<hbm>>
      %dma_wait3A_27 = arith.constant 0 : i32
      %dma_wait3A_28 = tpu.memref_slice %arg11[%mul3A_18, %dma_wait3A_27] : memref<51200x16xf32, #tpu.memory_space<vmem_shared>> -> memref<3200x16xf32, #tpu.memory_space<vmem_shared>>
      tpu.wait_dma2 semaphore(%run_scoped3A : memref<!tpu.dma_semaphore, #tpu.memory_space<semaphore_mem>>) src(%dma_wait3A_28 : memref<3200x16xf32, #tpu.memory_space<vmem_shared>>) dst(%dma_wait3A_26 : memref<3200x16xf32, #tpu.memory_space<hbm>>)
      tpu.yield
    }) : () -> ()
    return
  }
}

#map = affine_map<(d0, d1) -> (0, 0)>
#map1 = affine_map<(d0, d1) -> (0, 0, 0)>
module attributes {stable_mosaic.version = 14 : i64} {
  func.func @_agg16_kernel(%arg0: i32, %arg1: i32, %arg2: memref<6400x128xi32, #tpu.memory_space<hbm>>, %arg3: memref<6400x128xi32, #tpu.memory_space<hbm>>, %arg4: memref<51200x16xf32, #tpu.memory_space<hbm>>, %arg5: memref<128x16xf32, #tpu.memory_space<hbm>>, %arg6: memref<2x51200x16xf32, #tpu.memory_space<hbm>>, %arg7: memref<200x128xi32, #tpu.memory_space<vmem>>, %arg8: memref<200x128xi32, #tpu.memory_space<vmem>>, %arg9: memref<128x16xf32, #tpu.memory_space<vmem>>, %arg10: memref<128x16xf32, #tpu.memory_space<vmem>>, %arg11: memref<51200x16xf32, #tpu.memory_space<vmem_shared>>, %arg12: memref<!tpu.dma_semaphore, #tpu.memory_space<semaphore_mem>>) attributes {dimension_semantics = [#tpu.dimension_semantics<core_parallel>, #tpu.dimension_semantics<subcore_parallel>], iteration_bounds = array<i64: 2, 16>, scalar_prefetch = 0 : i64, scratch_operands = 6 : i64, tpu.core_type = #tpu.core_type<sc_vector_subcore>, window_params = [{transform_indices = #map}, {transform_indices = #map}, {transform_indices = #map}, {transform_indices = #map}, {transform_indices = #map1}]} {
    %mul3A = arith.constant 16 : i32
    %mul3A_0 = arith.muli %arg0, %mul3A : i32
    %add3A = arith.addi %mul3A_0, %arg1 : i32
    "tpu.region"() ({
      %run_scoped3A = tpu.sem_alloc : memref<!tpu.dma_semaphore, #tpu.memory_space<semaphore_mem>>
      tpu.enqueue_dma source(%arg5 : memref<128x16xf32, #tpu.memory_space<hbm>>) target(%arg10 : memref<128x16xf32, #tpu.memory_space<vmem>>) target_semaphore(%run_scoped3A : memref<!tpu.dma_semaphore, #tpu.memory_space<semaphore_mem>>)
      tpu.wait_dma2 semaphore(%run_scoped3A : memref<!tpu.dma_semaphore, #tpu.memory_space<semaphore_mem>>) src(%arg5 : memref<128x16xf32, #tpu.memory_space<hbm>>) dst(%arg10 : memref<128x16xf32, #tpu.memory_space<vmem>>)
      tpu.yield
    }) : () -> ()
    %scan3A = arith.constant 0 : i32
    %scan3A_1 = arith.constant 0 : i32
    %scan3A_2 = arith.constant 25 : i32
    %scan3A_3 = arith.addi %scan3A_1, %scan3A_2 : i32
    %scan3A_4 = arith.constant 1 : i32
    scf.for %scan3A_21 = %scan3A_1 to %scan3A_3 step %scan3A_4  : i32 {
      %mul3A_22 = arith.constant 3200 : i32
      %mul3A_23 = arith.muli %arg1, %mul3A_22 : i32
      %mul3A_24 = arith.constant 128 : i32
      %mul3A_25 = arith.muli %scan3A_21, %mul3A_24 : i32
      %add3A_26 = arith.addi %mul3A_23, %mul3A_25 : i32
      "tpu.region"() ({
        %run_scoped3A = tpu.sem_alloc : memref<!tpu.dma_semaphore, #tpu.memory_space<semaphore_mem>>
        %dma_start3A = arith.constant 0 : i32
        %dma_start3A_27 = tpu.memref_slice %arg11[%add3A_26, %dma_start3A] : memref<51200x16xf32, #tpu.memory_space<vmem_shared>> -> memref<128x16xf32, #tpu.memory_space<vmem_shared>>
        %dma_start3A_28 = arith.constant 0 : i32
        %dma_start3A_29 = tpu.memref_slice %arg11[%add3A_26, %dma_start3A_28] : memref<51200x16xf32, #tpu.memory_space<vmem_shared>> -> memref<128x16xf32, #tpu.memory_space<vmem_shared>>
        tpu.enqueue_dma source(%arg10 : memref<128x16xf32, #tpu.memory_space<vmem>>) target(%dma_start3A_29 : memref<128x16xf32, #tpu.memory_space<vmem_shared>>) target_semaphore(%run_scoped3A : memref<!tpu.dma_semaphore, #tpu.memory_space<semaphore_mem>>)
        %dma_wait3A = arith.constant 0 : i32
        %dma_wait3A_30 = tpu.memref_slice %arg11[%add3A_26, %dma_wait3A] : memref<51200x16xf32, #tpu.memory_space<vmem_shared>> -> memref<128x16xf32, #tpu.memory_space<vmem_shared>>
        %dma_wait3A_31 = arith.constant 0 : i32
        %dma_wait3A_32 = tpu.memref_slice %arg11[%add3A_26, %dma_wait3A_31] : memref<51200x16xf32, #tpu.memory_space<vmem_shared>> -> memref<128x16xf32, #tpu.memory_space<vmem_shared>>
        tpu.wait_dma2 semaphore(%run_scoped3A : memref<!tpu.dma_semaphore, #tpu.memory_space<semaphore_mem>>) src(%arg10 : memref<128x16xf32, #tpu.memory_space<vmem>>) dst(%dma_wait3A_32 : memref<128x16xf32, #tpu.memory_space<vmem_shared>>)
        tpu.yield
      }) : () -> ()
    }
    %scan3A_5 = arith.constant 25 : i32
    %mul3A_6 = arith.constant 200 : i32
    %mul3A_7 = arith.muli %add3A, %mul3A_6 : i32
    "tpu.region"() ({
      %run_scoped3A = tpu.sem_alloc : memref<!tpu.dma_semaphore, #tpu.memory_space<semaphore_mem>>
      %dma_start3A = arith.constant 0 : i32
      %dma_start3A_21 = tpu.memref_slice %arg2[%mul3A_7, %dma_start3A] : memref<6400x128xi32, #tpu.memory_space<hbm>> -> memref<200x128xi32, #tpu.memory_space<hbm>>
      %dma_start3A_22 = arith.constant 0 : i32
      %dma_start3A_23 = tpu.memref_slice %arg2[%mul3A_7, %dma_start3A_22] : memref<6400x128xi32, #tpu.memory_space<hbm>> -> memref<200x128xi32, #tpu.memory_space<hbm>>
      tpu.enqueue_dma source(%dma_start3A_23 : memref<200x128xi32, #tpu.memory_space<hbm>>) target(%arg7 : memref<200x128xi32, #tpu.memory_space<vmem>>) target_semaphore(%run_scoped3A : memref<!tpu.dma_semaphore, #tpu.memory_space<semaphore_mem>>)
      %dma_wait3A = arith.constant 0 : i32
      %dma_wait3A_24 = tpu.memref_slice %arg2[%mul3A_7, %dma_wait3A] : memref<6400x128xi32, #tpu.memory_space<hbm>> -> memref<200x128xi32, #tpu.memory_space<hbm>>
      %dma_wait3A_25 = arith.constant 0 : i32
      %dma_wait3A_26 = tpu.memref_slice %arg2[%mul3A_7, %dma_wait3A_25] : memref<6400x128xi32, #tpu.memory_space<hbm>> -> memref<200x128xi32, #tpu.memory_space<hbm>>
      tpu.wait_dma2 semaphore(%run_scoped3A : memref<!tpu.dma_semaphore, #tpu.memory_space<semaphore_mem>>) src(%dma_wait3A_26 : memref<200x128xi32, #tpu.memory_space<hbm>>) dst(%arg7 : memref<200x128xi32, #tpu.memory_space<vmem>>)
      tpu.yield
    }) : () -> ()
    %mul3A_8 = arith.constant 200 : i32
    %mul3A_9 = arith.muli %add3A, %mul3A_8 : i32
    "tpu.region"() ({
      %run_scoped3A = tpu.sem_alloc : memref<!tpu.dma_semaphore, #tpu.memory_space<semaphore_mem>>
      %dma_start3A = arith.constant 0 : i32
      %dma_start3A_21 = tpu.memref_slice %arg3[%mul3A_9, %dma_start3A] : memref<6400x128xi32, #tpu.memory_space<hbm>> -> memref<200x128xi32, #tpu.memory_space<hbm>>
      %dma_start3A_22 = arith.constant 0 : i32
      %dma_start3A_23 = tpu.memref_slice %arg3[%mul3A_9, %dma_start3A_22] : memref<6400x128xi32, #tpu.memory_space<hbm>> -> memref<200x128xi32, #tpu.memory_space<hbm>>
      tpu.enqueue_dma source(%dma_start3A_23 : memref<200x128xi32, #tpu.memory_space<hbm>>) target(%arg8 : memref<200x128xi32, #tpu.memory_space<vmem>>) target_semaphore(%run_scoped3A : memref<!tpu.dma_semaphore, #tpu.memory_space<semaphore_mem>>)
      %dma_wait3A = arith.constant 0 : i32
      %dma_wait3A_24 = tpu.memref_slice %arg3[%mul3A_9, %dma_wait3A] : memref<6400x128xi32, #tpu.memory_space<hbm>> -> memref<200x128xi32, #tpu.memory_space<hbm>>
      %dma_wait3A_25 = arith.constant 0 : i32
      %dma_wait3A_26 = tpu.memref_slice %arg3[%mul3A_9, %dma_wait3A_25] : memref<6400x128xi32, #tpu.memory_space<hbm>> -> memref<200x128xi32, #tpu.memory_space<hbm>>
      tpu.wait_dma2 semaphore(%run_scoped3A : memref<!tpu.dma_semaphore, #tpu.memory_space<semaphore_mem>>) src(%dma_wait3A_26 : memref<200x128xi32, #tpu.memory_space<hbm>>) dst(%arg8 : memref<200x128xi32, #tpu.memory_space<vmem>>)
      tpu.yield
    }) : () -> ()
    %barrier3A = arith.constant 0 : index
    tpu.barrier barrier_id(%barrier3A)
    %scan3A_10 = arith.constant 0 : i32
    %scan3A_11 = arith.constant 0 : i32
    %scan3A_12 = arith.constant 200 : i32
    %scan3A_13 = arith.addi %scan3A_11, %scan3A_12 : i32
    %scan3A_14 = arith.constant 1 : i32
    scf.for %scan3A_21 = %scan3A_11 to %scan3A_13 step %scan3A_14  : i32 {
      %dma_start3A = arith.constant 0 : i32
      %dma_start3A_22 = tpu.memref_slice %arg7[%scan3A_21, %dma_start3A] : memref<200x128xi32, #tpu.memory_space<vmem>> -> memref<1x128xi32, #tpu.memory_space<vmem>>
      %dma_start3A_23 = tpu.memref_squeeze %dma_start3A_22 : memref<1x128xi32, #tpu.memory_space<vmem>> -> memref<128xi32, #tpu.memory_space<vmem>>
      %dma_start3A_24 = arith.constant 0 : i32
      %dma_start3A_25 = arith.constant 0 : i32
      %dma_start3A_26 = tpu.memref_slice %arg4[%dma_start3A_24, %dma_start3A_25] : memref<51200x16xf32, #tpu.memory_space<hbm>> -> memref<51200x16xf32, #tpu.memory_space<hbm>>
      tpu.enqueue_indirect_dma source(%dma_start3A_26 : memref<51200x16xf32, #tpu.memory_space<hbm>>) target(%arg9 : memref<128x16xf32, #tpu.memory_space<vmem>>) offsets(%dma_start3A_23 : memref<128xi32, #tpu.memory_space<vmem>>) semaphore(%arg12 : memref<!tpu.dma_semaphore, #tpu.memory_space<semaphore_mem>>)
      %dma_wait3A = arith.constant 0 : i32
      %dma_wait3A_27 = tpu.memref_slice %arg7[%scan3A_21, %dma_wait3A] : memref<200x128xi32, #tpu.memory_space<vmem>> -> memref<1x128xi32, #tpu.memory_space<vmem>>
      %dma_wait3A_28 = tpu.memref_squeeze %dma_wait3A_27 : memref<1x128xi32, #tpu.memory_space<vmem>> -> memref<128xi32, #tpu.memory_space<vmem>>
      %dma_wait3A_29 = arith.constant 0 : i32
      %dma_wait3A_30 = arith.constant 0 : i32
      %dma_wait3A_31 = tpu.memref_slice %arg4[%dma_wait3A_29, %dma_wait3A_30] : memref<51200x16xf32, #tpu.memory_space<hbm>> -> memref<51200x16xf32, #tpu.memory_space<hbm>>
      tpu.wait_indirect_dma semaphore(%arg12 : memref<!tpu.dma_semaphore, #tpu.memory_space<semaphore_mem>>) src(%dma_wait3A_31 : memref<51200x16xf32, #tpu.memory_space<hbm>>) dst(%arg9 : memref<128x16xf32, #tpu.memory_space<vmem>>)
      "tpu.region"() ({
        %run_scoped3A = tpu.sem_alloc : memref<!tpu.dma_semaphore, #tpu.memory_space<semaphore_mem>>
        %dma_start3A_32 = arith.constant 0 : i32
        %dma_start3A_33 = tpu.memref_slice %arg8[%scan3A_21, %dma_start3A_32] : memref<200x128xi32, #tpu.memory_space<vmem>> -> memref<1x128xi32, #tpu.memory_space<vmem>>
        %dma_start3A_34 = tpu.memref_squeeze %dma_start3A_33 : memref<1x128xi32, #tpu.memory_space<vmem>> -> memref<128xi32, #tpu.memory_space<vmem>>
        %dma_start3A_35 = arith.constant 0 : i32
        %dma_start3A_36 = arith.constant 0 : i32
        %dma_start3A_37 = tpu.memref_slice %arg11[%dma_start3A_35, %dma_start3A_36] : memref<51200x16xf32, #tpu.memory_space<vmem_shared>> -> memref<51200x16xf32, #tpu.memory_space<vmem_shared>>
        tpu.enqueue_indirect_dma source(%arg9 : memref<128x16xf32, #tpu.memory_space<vmem>>) target(%dma_start3A_37 : memref<51200x16xf32, #tpu.memory_space<vmem_shared>>) offsets(%dma_start3A_34 : memref<128xi32, #tpu.memory_space<vmem>>) semaphore(%run_scoped3A : memref<!tpu.dma_semaphore, #tpu.memory_space<semaphore_mem>>) {add = true}
        %dma_wait3A_38 = arith.constant 0 : i32
        %dma_wait3A_39 = tpu.memref_slice %arg8[%scan3A_21, %dma_wait3A_38] : memref<200x128xi32, #tpu.memory_space<vmem>> -> memref<1x128xi32, #tpu.memory_space<vmem>>
        %dma_wait3A_40 = tpu.memref_squeeze %dma_wait3A_39 : memref<1x128xi32, #tpu.memory_space<vmem>> -> memref<128xi32, #tpu.memory_space<vmem>>
        %dma_wait3A_41 = arith.constant 0 : i32
        %dma_wait3A_42 = arith.constant 0 : i32
        %dma_wait3A_43 = tpu.memref_slice %arg11[%dma_wait3A_41, %dma_wait3A_42] : memref<51200x16xf32, #tpu.memory_space<vmem_shared>> -> memref<51200x16xf32, #tpu.memory_space<vmem_shared>>
        tpu.wait_indirect_dma semaphore(%run_scoped3A : memref<!tpu.dma_semaphore, #tpu.memory_space<semaphore_mem>>) src(%arg9 : memref<128x16xf32, #tpu.memory_space<vmem>>) dst(%dma_wait3A_43 : memref<51200x16xf32, #tpu.memory_space<vmem_shared>>)
        tpu.yield
      }) : () -> ()
    }
    %scan3A_15 = arith.constant 200 : i32
    %barrier3A_16 = arith.constant 0 : index
    tpu.barrier barrier_id(%barrier3A_16)
    %mul3A_17 = arith.constant 3200 : i32
    %mul3A_18 = arith.muli %arg1, %mul3A_17 : i32
    %mul3A_19 = arith.constant 3200 : i32
    %mul3A_20 = arith.muli %arg1, %mul3A_19 : i32
    "tpu.region"() ({
      %run_scoped3A = tpu.sem_alloc : memref<!tpu.dma_semaphore, #tpu.memory_space<semaphore_mem>>
      %dma_start3A = arith.constant 0 : i32
      %dma_start3A_21 = tpu.memref_slice %arg6[%arg0, %mul3A_20, %dma_start3A] : memref<2x51200x16xf32, #tpu.memory_space<hbm>> -> memref<1x3200x16xf32, #tpu.memory_space<hbm>>
      %dma_start3A_22 = tpu.memref_squeeze %dma_start3A_21 : memref<1x3200x16xf32, #tpu.memory_space<hbm>> -> memref<3200x16xf32, #tpu.memory_space<hbm>>
      %dma_start3A_23 = arith.constant 0 : i32
      %dma_start3A_24 = tpu.memref_slice %arg11[%mul3A_18, %dma_start3A_23] : memref<51200x16xf32, #tpu.memory_space<vmem_shared>> -> memref<3200x16xf32, #tpu.memory_space<vmem_shared>>
      tpu.enqueue_dma source(%dma_start3A_24 : memref<3200x16xf32, #tpu.memory_space<vmem_shared>>) target(%dma_start3A_22 : memref<3200x16xf32, #tpu.memory_space<hbm>>) target_semaphore(%run_scoped3A : memref<!tpu.dma_semaphore, #tpu.memory_space<semaphore_mem>>)
      %dma_wait3A = arith.constant 0 : i32
      %dma_wait3A_25 = tpu.memref_slice %arg6[%arg0, %mul3A_20, %dma_wait3A] : memref<2x51200x16xf32, #tpu.memory_space<hbm>> -> memref<1x3200x16xf32, #tpu.memory_space<hbm>>
      %dma_wait3A_26 = tpu.memref_squeeze %dma_wait3A_25 : memref<1x3200x16xf32, #tpu.memory_space<hbm>> -> memref<3200x16xf32, #tpu.memory_space<hbm>>
      %dma_wait3A_27 = arith.constant 0 : i32
      %dma_wait3A_28 = tpu.memref_slice %arg11[%mul3A_18, %dma_wait3A_27] : memref<51200x16xf32, #tpu.memory_space<vmem_shared>> -> memref<3200x16xf32, #tpu.memory_space<vmem_shared>>
      tpu.wait_dma2 semaphore(%run_scoped3A : memref<!tpu.dma_semaphore, #tpu.memory_space<semaphore_mem>>) src(%dma_wait3A_28 : memref<3200x16xf32, #tpu.memory_space<vmem_shared>>) dst(%dma_wait3A_26 : memref<3200x16xf32, #tpu.memory_space<hbm>>)
      tpu.yield
    }) : () -> ()
    return
  }
}

module attributes {stable_mosaic.version = 14 : i64} {
  func.func @_k2_body(%arg0: i32, %arg1: memref<2048x16xf32, #tpu.memory_space<vmem>>, %arg2: memref<1x1x2048xf32, #tpu.memory_space<vmem>>, %arg3: memref<1x1x2048xf32, #tpu.memory_space<vmem>>, %arg4: memref<2048x1xf32, #tpu.memory_space<vmem>>, %arg5: memref<2048x16xf32, #tpu.memory_space<vmem>>) attributes {dimension_semantics = [#tpu.dimension_semantics<arbitrary>], iteration_bounds = array<i64: 25>, scalar_prefetch = 0 : i64, scratch_operands = 0 : i64, tpu.core_type = #tpu.core_type<tc>, window_params = [{transform_indices = @transform_0, window_bounds = array<i64: 2048, 16>}, {transform_indices = @transform_1, window_bounds = array<i64: 1, 1, 2048>}, {transform_indices = @transform_2, window_bounds = array<i64: 1, 1, 2048>}, {transform_indices = @transform_3, window_bounds = array<i64: 2048, 1>}, {transform_indices = @transform_4, window_bounds = array<i64: 2048, 16>}]} {
    %get3A = arith.constant 0 : index
    %get3A_0 = arith.constant 0 : index
    %get3A_1 = arith.constant 0 : index
    %get3A_2 = vector.load %arg2[%get3A, %get3A_0, %get3A_1] : memref<1x1x2048xf32, #tpu.memory_space<vmem>>, vector<1x1x2048xf32>
    %get3A_3 = vector.shape_cast %get3A_2 : vector<1x1x2048xf32> to vector<2048xf32>
    %get3A_4 = arith.constant 0 : index
    %get3A_5 = arith.constant 0 : index
    %get3A_6 = arith.constant 0 : index
    %get3A_7 = vector.load %arg3[%get3A_4, %get3A_5, %get3A_6] : memref<1x1x2048xf32, #tpu.memory_space<vmem>>, vector<1x1x2048xf32>
    %get3A_8 = vector.shape_cast %get3A_7 : vector<1x1x2048xf32> to vector<2048xf32>
    %add3A = arith.addf %get3A_3, %get3A_8 : vector<2048xf32>
    %add3A_9 = arith.constant 1.000000e+00 : f32
    %add3A_10 = vector.broadcast %add3A_9 : f32 to vector<2048xf32>
    %add3A_11 = arith.addf %add3A, %add3A_10 : vector<2048xf32>
    %rsqrt3A = math.rsqrt %add3A_11 : vector<2048xf32>
    %reshape3A = vector.shape_cast %rsqrt3A : vector<2048xf32> to vector<2048x1xf32>
    %swap3A = arith.constant 0 : index
    %swap3A_12 = arith.constant 0 : index
    %swap3A_13 = vector.load %arg4[%swap3A, %swap3A_12] : memref<2048x1xf32, #tpu.memory_space<vmem>>, vector<2048x1xf32>
    tpu.vector_store %arg4[%swap3A, %swap3A_12], %reshape3A {strides = array<i32>} : memref<2048x1xf32, #tpu.memory_space<vmem>>, vector<2048x1xf32>,
    %get3A_14 = arith.constant 0 : index
    %get3A_15 = arith.constant 0 : index
    %get3A_16 = vector.load %arg1[%get3A_14, %get3A_15] : memref<2048x16xf32, #tpu.memory_space<vmem>>, vector<2048x16xf32>
    %mul3A = vector.broadcast %reshape3A : vector<2048x1xf32> to vector<2048x16xf32>
    %mul3A_17 = arith.mulf %get3A_16, %mul3A : vector<2048x16xf32>
    %swap3A_18 = arith.constant 0 : index
    %swap3A_19 = arith.constant 0 : index
    %swap3A_20 = vector.load %arg5[%swap3A_18, %swap3A_19] : memref<2048x16xf32, #tpu.memory_space<vmem>>, vector<2048x16xf32>
    tpu.vector_store %arg5[%swap3A_18, %swap3A_19], %mul3A_17 {strides = array<i32>} : memref<2048x16xf32, #tpu.memory_space<vmem>>, vector<2048x16xf32>,
    return
  }
  func.func @transform_0(%arg0: i32) -> (i32, i32) {
    %c0_i32 = arith.constant 0 : i32
    %c0_i32_0 = arith.constant 0 : i32
    return %arg0, %c0_i32 : i32, i32
  }
  func.func @transform_1(%arg0: i32) -> (i32, i32, i32) {
    %c0_i32 = arith.constant 0 : i32
    %c0_i32_0 = arith.constant 0 : i32
    %c0_i32_1 = arith.constant 0 : i32
    return %arg0, %c0_i32, %c0_i32_0 : i32, i32, i32
  }
  func.func @transform_2(%arg0: i32) -> (i32, i32, i32) {
    %add3A = arith.constant 25 : i32
    %add3A_0 = arith.addi %add3A, %arg0 : i32
    %c0_i32 = arith.constant 0 : i32
    %c0_i32_1 = arith.constant 0 : i32
    %c0_i32_2 = arith.constant 0 : i32
    return %add3A_0, %c0_i32, %c0_i32_1 : i32, i32, i32
  }
  func.func @transform_3(%arg0: i32) -> (i32, i32) {
    %c0_i32 = arith.constant 0 : i32
    %c0_i32_0 = arith.constant 0 : i32
    return %arg0, %c0_i32 : i32, i32
  }
  func.func @transform_4(%arg0: i32) -> (i32, i32) {
    %c0_i32 = arith.constant 0 : i32
    %c0_i32_0 = arith.constant 0 : i32
    return %arg0, %c0_i32 : i32, i32
  }
}

module attributes {stable_mosaic.version = 14 : i64} {
  func.func @_k4_body(%arg0: i32, %arg1: memref<1x2048x16xf32, #tpu.memory_space<vmem>>, %arg2: memref<1x2048x16xf32, #tpu.memory_space<vmem>>, %arg3: memref<2048x16xf32, #tpu.memory_space<vmem>>, %arg4: memref<2048x1xf32, #tpu.memory_space<vmem>>, %arg5: memref<16x64xf32, #tpu.memory_space<vmem>>, %arg6: memref<1x64xf32, #tpu.memory_space<vmem>>, %arg7: memref<64x64xf32, #tpu.memory_space<vmem>>, %arg8: memref<1x64xf32, #tpu.memory_space<vmem>>, %arg9: memref<64x64xf32, #tpu.memory_space<vmem>>, %arg10: memref<1x64xf32, #tpu.memory_space<vmem>>, %arg11: memref<2048x64xf32, #tpu.memory_space<vmem>>, %arg12: memref<1x128xf32, #tpu.memory_space<vmem>>) attributes {dimension_semantics = [#tpu.dimension_semantics<arbitrary>], iteration_bounds = array<i64: 25>, scalar_prefetch = 0 : i64, scratch_operands = 0 : i64, tpu.core_type = #tpu.core_type<tc>, window_params = [{transform_indices = @transform_0, window_bounds = array<i64: 1, 2048, 16>}, {transform_indices = @transform_1, window_bounds = array<i64: 1, 2048, 16>}, {transform_indices = @transform_2, window_bounds = array<i64: 2048, 16>}, {transform_indices = @transform_3, window_bounds = array<i64: 2048, 1>}, {pipeline_mode = #tpu.pipeline_mode<synchronous>, transform_indices = @transform_4, window_bounds = array<i64: 16, 64>}, {pipeline_mode = #tpu.pipeline_mode<synchronous>, transform_indices = @transform_5, window_bounds = array<i64: 1, 64>}, {pipeline_mode = #tpu.pipeline_mode<synchronous>, transform_indices = @transform_6, window_bounds = array<i64: 64, 64>}, {pipeline_mode = #tpu.pipeline_mode<synchronous>, transform_indices = @transform_7, window_bounds = array<i64: 1, 64>}, {pipeline_mode = #tpu.pipeline_mode<synchronous>, transform_indices = @transform_8, window_bounds = array<i64: 64, 64>}, {pipeline_mode = #tpu.pipeline_mode<synchronous>, transform_indices = @transform_9, window_bounds = array<i64: 1, 64>}, {transform_indices = @transform_10, window_bounds = array<i64: 2048, 64>}, {pipeline_mode = #tpu.pipeline_mode<synchronous>, transform_indices = @transform_11, window_bounds = array<i64: 1, 128>}]} {
    %get3A = arith.constant 0 : index
    %get3A_0 = arith.constant 0 : index
    %get3A_1 = arith.constant 0 : index
    %get3A_2 = vector.load %arg1[%get3A, %get3A_0, %get3A_1] : memref<1x2048x16xf32, #tpu.memory_space<vmem>>, vector<1x2048x16xf32>
    %get3A_3 = vector.shape_cast %get3A_2 : vector<1x2048x16xf32> to vector<2048x16xf32>
    %get3A_4 = arith.constant 0 : index
    %get3A_5 = arith.constant 0 : index
    %get3A_6 = arith.constant 0 : index
    %get3A_7 = vector.load %arg2[%get3A_4, %get3A_5, %get3A_6] : memref<1x2048x16xf32, #tpu.memory_space<vmem>>, vector<1x2048x16xf32>
    %get3A_8 = vector.shape_cast %get3A_7 : vector<1x2048x16xf32> to vector<2048x16xf32>
    %add3A = arith.addf %get3A_3, %get3A_8 : vector<2048x16xf32>
    %get3A_9 = arith.constant 0 : index
    %get3A_10 = arith.constant 0 : index
    %get3A_11 = vector.load %arg3[%get3A_9, %get3A_10] : memref<2048x16xf32, #tpu.memory_space<vmem>>, vector<2048x16xf32>
    %add3A_12 = arith.addf %add3A, %get3A_11 : vector<2048x16xf32>
    %get3A_13 = arith.constant 0 : index
    %get3A_14 = arith.constant 0 : index
    %get3A_15 = vector.load %arg4[%get3A_13, %get3A_14] : memref<2048x1xf32, #tpu.memory_space<vmem>>, vector<2048x1xf32>
    %mul3A = vector.broadcast %get3A_15 : vector<2048x1xf32> to vector<2048x16xf32>
    %mul3A_16 = arith.mulf %add3A_12, %mul3A : vector<2048x16xf32>
    %get3A_17 = arith.constant 0 : index
    %get3A_18 = arith.constant 0 : index
    %get3A_19 = vector.load %arg5[%get3A_17, %get3A_18] : memref<16x64xf32, #tpu.memory_space<vmem>>, vector<16x64xf32>
    %dot_general3A = arith.constant dense<0.000000e+00> : vector<2048x64xf32>
    %dot_general3A_20 = tpu.matmul %mul3A_16, %get3A_19, %dot_general3A {dimension_numbers = #tpu.dot_dimension_numbers<[1], [0], [0], [1], [0, 0, 1, 1], [], []>, transpose_lhs_hint = false} : vector<2048x16xf32>, vector<16x64xf32>, vector<2048x64xf32> -> vector<2048x64xf32>
    %get3A_21 = arith.constant 0 : index
    %get3A_22 = arith.constant 0 : index
    %get3A_23 = vector.load %arg6[%get3A_21, %get3A_22] : memref<1x64xf32, #tpu.memory_space<vmem>>, vector<1x64xf32>
    %add3A_24 = vector.broadcast %get3A_23 : vector<1x64xf32> to vector<2048x64xf32>
    %add3A_25 = arith.addf %dot_general3A_20, %add3A_24 : vector<2048x64xf32>
    %max3A = arith.constant 0.000000e+00 : f32
    %max3A_26 = vector.broadcast %max3A : f32 to vector<2048x64xf32>
    %max3A_27 = arith.maximumf %add3A_25, %max3A_26 : vector<2048x64xf32>
    %get3A_28 = arith.constant 0 : index
    %get3A_29 = arith.constant 0 : index
    %get3A_30 = vector.load %arg7[%get3A_28, %get3A_29] : memref<64x64xf32, #tpu.memory_space<vmem>>, vector<64x64xf32>
    %dot_general3A_31 = arith.constant dense<0.000000e+00> : vector<2048x64xf32>
    %dot_general3A_32 = tpu.matmul %max3A_27, %get3A_30, %dot_general3A_31 {dimension_numbers = #tpu.dot_dimension_numbers<[1], [0], [0], [1], [0, 0, 1, 1], [], []>, transpose_lhs_hint = false} : vector<2048x64xf32>, vector<64x64xf32>, vector<2048x64xf32> -> vector<2048x64xf32>
    %get3A_33 = arith.constant 0 : index
    %get3A_34 = arith.constant 0 : index
    %get3A_35 = vector.load %arg8[%get3A_33, %get3A_34] : memref<1x64xf32, #tpu.memory_space<vmem>>, vector<1x64xf32>
    %add3A_36 = vector.broadcast %get3A_35 : vector<1x64xf32> to vector<2048x64xf32>
    %add3A_37 = arith.addf %dot_general3A_32, %add3A_36 : vector<2048x64xf32>
    %max3A_38 = arith.constant 0.000000e+00 : f32
    %max3A_39 = vector.broadcast %max3A_38 : f32 to vector<2048x64xf32>
    %max3A_40 = arith.maximumf %add3A_37, %max3A_39 : vector<2048x64xf32>
    %get3A_41 = arith.constant 0 : index
    %get3A_42 = arith.constant 0 : index
    %get3A_43 = vector.load %arg9[%get3A_41, %get3A_42] : memref<64x64xf32, #tpu.memory_space<vmem>>, vector<64x64xf32>
    %dot_general3A_44 = arith.constant dense<0.000000e+00> : vector<2048x64xf32>
    %dot_general3A_45 = tpu.matmul %max3A_40, %get3A_43, %dot_general3A_44 {dimension_numbers = #tpu.dot_dimension_numbers<[1], [0], [0], [1], [0, 0, 1, 1], [], []>, transpose_lhs_hint = false} : vector<2048x64xf32>, vector<64x64xf32>, vector<2048x64xf32> -> vector<2048x64xf32>
    %get3A_46 = arith.constant 0 : index
    %get3A_47 = arith.constant 0 : index
    %get3A_48 = vector.load %arg10[%get3A_46, %get3A_47] : memref<1x64xf32, #tpu.memory_space<vmem>>, vector<1x64xf32>
    %add3A_49 = vector.broadcast %get3A_48 : vector<1x64xf32> to vector<2048x64xf32>
    %add3A_50 = arith.addf %dot_general3A_45, %add3A_49 : vector<2048x64xf32>
    %add3A_51 = arith.addf %add3A_50, %max3A_27 : vector<2048x64xf32>
    %max3A_52 = arith.constant 0.000000e+00 : f32
    %max3A_53 = vector.broadcast %max3A_52 : f32 to vector<2048x64xf32>
    %max3A_54 = arith.maximumf %add3A_51, %max3A_53 : vector<2048x64xf32>
    %swap3A = arith.constant 0 : index
    %swap3A_55 = arith.constant 0 : index
    %swap3A_56 = vector.load %arg11[%swap3A, %swap3A_55] : memref<2048x64xf32, #tpu.memory_space<vmem>>, vector<2048x64xf32>
    tpu.vector_store %arg11[%swap3A, %swap3A_55], %max3A_54 {strides = array<i32>} : memref<2048x64xf32, #tpu.memory_space<vmem>>, vector<2048x64xf32>,
    %mul3A_57 = arith.constant 2048 : i32
    %mul3A_58 = arith.muli %arg0, %mul3A_57 : i32
    %iota3A = tpu.iota {dimensions = array<i32: 0>} : vector<2048x1xi32>
    %add3A_59 = vector.broadcast %mul3A_58 : i32 to vector<2048x1xi32>
    %add3A_60 = arith.addi %add3A_59, %iota3A : vector<2048x1xi32>
    %lt3A = arith.constant 50000 : i32
    %lt3A_61 = vector.broadcast %lt3A : i32 to vector<2048x1xi32>
    %lt3A_62 = arith.cmpi slt, %add3A_60, %lt3A_61 : vector<2048x1xi32>
    %jit3A = arith.constant 0.000000e+00 : f32
    %broadcast_in_dim3A = vector.shape_cast %lt3A_62 : vector<2048x1xi1> to vector<2048x1xi1>
    %broadcast_in_dim3A_63 = vector.broadcast %broadcast_in_dim3A : vector<2048x1xi1> to vector<2048x64xi1>
    %broadcast_in_dim3A_64 = vector.broadcast %jit3A : f32 to vector<2048x64xf32>
    %select_n3A = arith.select %broadcast_in_dim3A_63, %max3A_54, %broadcast_in_dim3A_64 : vector<2048x64xi1>, vector<2048x64xf32>
    %reduce_sum3A = vector.shape_cast %select_n3A : vector<2048x64xf32> to vector<1x2048x64xf32>
    %reduce_sum3A_65 = arith.constant dense<0.000000e+00> : vector<1xf32>
    %reduce_sum3A_66 = vector.multi_reduction <add>, %reduce_sum3A, %reduce_sum3A_65 [1, 2] : vector<1x2048x64xf32> to vector<1xf32>
    %reduce_sum3A_67 = vector.shape_cast %reduce_sum3A_66 : vector<1xf32> to vector<1x1x1xf32>
    %reduce_sum3A_68 = vector.extract %reduce_sum3A_67[0, 0, 0] : f32 from vector<1x1x1xf32>
    %mul3A_69 = arith.mulf %select_n3A, %select_n3A : vector<2048x64xf32>
    %reduce_sum3A_70 = vector.shape_cast %mul3A_69 : vector<2048x64xf32> to vector<1x2048x64xf32>
    %reduce_sum3A_71 = arith.constant dense<0.000000e+00> : vector<1xf32>
    %reduce_sum3A_72 = vector.multi_reduction <add>, %reduce_sum3A_70, %reduce_sum3A_71 [1, 2] : vector<1x2048x64xf32> to vector<1xf32>
    %reduce_sum3A_73 = vector.shape_cast %reduce_sum3A_72 : vector<1xf32> to vector<1x1x1xf32>
    %reduce_sum3A_74 = vector.extract %reduce_sum3A_73[0, 0, 0] : f32 from vector<1x1x1xf32>
    %iota3A_75 = tpu.iota {dimensions = array<i32: 1>} : vector<1x128xi32>
    %eq3A = arith.constant 0 : i32
    %eq3A_76 = vector.broadcast %eq3A : i32 to vector<1x128xi32>
    %eq3A_77 = arith.cmpi eq, %iota3A_75, %eq3A_76 : vector<1x128xi32>
    %jit3A_78 = arith.constant 0.000000e+00 : f32
    %broadcast_in_dim3A_79 = vector.broadcast %reduce_sum3A_68 : f32 to vector<1x128xf32>
    %broadcast_in_dim3A_80 = vector.broadcast %jit3A_78 : f32 to vector<1x128xf32>
    %select_n3A_81 = arith.select %eq3A_77, %broadcast_in_dim3A_79, %broadcast_in_dim3A_80 : vector<1x128xi1>, vector<1x128xf32>
    %eq3A_82 = arith.constant 1 : i32
    %eq3A_83 = vector.broadcast %eq3A_82 : i32 to vector<1x128xi32>
    %eq3A_84 = arith.cmpi eq, %iota3A_75, %eq3A_83 : vector<1x128xi32>
    %jit3A_85 = arith.constant 0.000000e+00 : f32
    %broadcast_in_dim3A_86 = vector.broadcast %reduce_sum3A_74 : f32 to vector<1x128xf32>
    %broadcast_in_dim3A_87 = vector.broadcast %jit3A_85 : f32 to vector<1x128xf32>
    %select_n3A_88 = arith.select %eq3A_84, %broadcast_in_dim3A_86, %broadcast_in_dim3A_87 : vector<1x128xi1>, vector<1x128xf32>
    %add3A_89 = arith.addf %select_n3A_81, %select_n3A_88 : vector<1x128xf32>
    %eq3A_90 = arith.constant 0 : i32
    %eq3A_91 = arith.cmpi eq, %arg0, %eq3A_90 : i32
    %convert_element_type3A = arith.extui %eq3A_91 : i1 to i32
    %cond3A = arith.constant 0 : i32
    %cond3A_92 = arith.cmpi ne, %convert_element_type3A, %cond3A : i32
    scf.if %cond3A_92 {
      %swap3A_97 = arith.constant 0 : index
      %swap3A_98 = arith.constant 0 : index
      %swap3A_99 = vector.load %arg12[%swap3A_97, %swap3A_98] : memref<1x128xf32, #tpu.memory_space<vmem>>, vector<1x128xf32>
      tpu.vector_store %arg12[%swap3A_97, %swap3A_98], %add3A_89 {strides = array<i32>} : memref<1x128xf32, #tpu.memory_space<vmem>>, vector<1x128xf32>,
    } else {
    }
    %gt3A = arith.constant 0 : i32
    %gt3A_93 = arith.cmpi sgt, %arg0, %gt3A : i32
    %convert_element_type3A_94 = arith.extui %gt3A_93 : i1 to i32
    %cond3A_95 = arith.constant 0 : i32
    %cond3A_96 = arith.cmpi ne, %convert_element_type3A_94, %cond3A_95 : i32
    scf.if %cond3A_96 {
      %get3A_97 = arith.constant 0 : index
      %get3A_98 = arith.constant 0 : index
      %get3A_99 = vector.load %arg12[%get3A_97, %get3A_98] : memref<1x128xf32, #tpu.memory_space<vmem>>, vector<1x128xf32>
      %add3A_100 = arith.addf %get3A_99, %add3A_89 : vector<1x128xf32>
      %swap3A_101 = arith.constant 0 : index
      %swap3A_102 = arith.constant 0 : index
      %swap3A_103 = vector.load %arg12[%swap3A_101, %swap3A_102] : memref<1x128xf32, #tpu.memory_space<vmem>>, vector<1x128xf32>
      tpu.vector_store %arg12[%swap3A_101, %swap3A_102], %add3A_100 {strides = array<i32>} : memref<1x128xf32, #tpu.memory_space<vmem>>, vector<1x128xf32>,
    } else {
    }
    return
  }
  func.func @transform_0(%arg0: i32) -> (i32, i32, i32) {
    %c0_i32 = arith.constant 0 : i32
    %c0_i32_0 = arith.constant 0 : i32
    %c0_i32_1 = arith.constant 0 : i32
    return %c0_i32, %arg0, %c0_i32_0 : i32, i32, i32
  }
  func.func @transform_1(%arg0: i32) -> (i32, i32, i32) {
    %c1_i32 = arith.constant 1 : i32
    %c0_i32 = arith.constant 0 : i32
    %c0_i32_0 = arith.constant 0 : i32
    return %c1_i32, %arg0, %c0_i32 : i32, i32, i32
  }
  func.func @transform_2(%arg0: i32) -> (i32, i32) {
    %c0_i32 = arith.constant 0 : i32
    %c0_i32_0 = arith.constant 0 : i32
    return %arg0, %c0_i32 : i32, i32
  }
  func.func @transform_3(%arg0: i32) -> (i32, i32) {
    %c0_i32 = arith.constant 0 : i32
    %c0_i32_0 = arith.constant 0 : i32
    return %arg0, %c0_i32 : i32, i32
  }
  func.func @transform_4(%arg0: i32) -> (i32, i32) {
    %c0_i32 = arith.constant 0 : i32
    %c0_i32_0 = arith.constant 0 : i32
    %c0_i32_1 = arith.constant 0 : i32
    return %c0_i32, %c0_i32_0 : i32, i32
  }
  func.func @transform_5(%arg0: i32) -> (i32, i32) {
    %c0_i32 = arith.constant 0 : i32
    %c0_i32_0 = arith.constant 0 : i32
    %c0_i32_1 = arith.constant 0 : i32
    return %c0_i32, %c0_i32_0 : i32, i32
  }
  func.func @transform_6(%arg0: i32) -> (i32, i32) {
    %c0_i32 = arith.constant 0 : i32
    %c0_i32_0 = arith.constant 0 : i32
    %c0_i32_1 = arith.constant 0 : i32
    return %c0_i32, %c0_i32_0 : i32, i32
  }
  func.func @transform_7(%arg0: i32) -> (i32, i32) {
    %c0_i32 = arith.constant 0 : i32
    %c0_i32_0 = arith.constant 0 : i32
    %c0_i32_1 = arith.constant 0 : i32
    return %c0_i32, %c0_i32_0 : i32, i32
  }
  func.func @transform_8(%arg0: i32) -> (i32, i32) {
    %c0_i32 = arith.constant 0 : i32
    %c0_i32_0 = arith.constant 0 : i32
    %c0_i32_1 = arith.constant 0 : i32
    return %c0_i32, %c0_i32_0 : i32, i32
  }
  func.func @transform_9(%arg0: i32) -> (i32, i32) {
    %c0_i32 = arith.constant 0 : i32
    %c0_i32_0 = arith.constant 0 : i32
    %c0_i32_1 = arith.constant 0 : i32
    return %c0_i32, %c0_i32_0 : i32, i32
  }
  func.func @transform_10(%arg0: i32) -> (i32, i32) {
    %c0_i32 = arith.constant 0 : i32
    %c0_i32_0 = arith.constant 0 : i32
    return %arg0, %c0_i32 : i32, i32
  }
  func.func @transform_11(%arg0: i32) -> (i32, i32) {
    %c0_i32 = arith.constant 0 : i32
    %c0_i32_0 = arith.constant 0 : i32
    %c0_i32_1 = arith.constant 0 : i32
    return %c0_i32, %c0_i32_0 : i32, i32
  }
}

module attributes {stable_mosaic.version = 14 : i64} {
  func.func @_k5_body(%arg0: i32, %arg1: memref<2048x64xf32, #tpu.memory_space<vmem>>, %arg2: memref<1x128xf32, #tpu.memory_space<vmem>>, %arg3: memref<1x64xf32, #tpu.memory_space<vmem>>, %arg4: memref<1x64xf32, #tpu.memory_space<vmem>>, %arg5: memref<2048x1xf32, #tpu.memory_space<vmem>>, %arg6: memref<2048x64xf32, #tpu.memory_space<vmem>>, %arg7: memref<2048x16xf32, #tpu.memory_space<vmem>>, %arg8: memref<2048x16xf32, #tpu.memory_space<vmem>>, %arg9: memref<2048x16xf32, #tpu.memory_space<vmem>>, %arg10: memref<2048x16xf32, #tpu.memory_space<vmem>>) attributes {dimension_semantics = [#tpu.dimension_semantics<arbitrary>], iteration_bounds = array<i64: 25>, scalar_prefetch = 0 : i64, scratch_operands = 0 : i64, tpu.core_type = #tpu.core_type<tc>, window_params = [{transform_indices = @transform_0, window_bounds = array<i64: 2048, 64>}, {pipeline_mode = #tpu.pipeline_mode<synchronous>, transform_indices = @transform_1, window_bounds = array<i64: 1, 128>}, {pipeline_mode = #tpu.pipeline_mode<synchronous>, transform_indices = @transform_2, window_bounds = array<i64: 1, 64>}, {pipeline_mode = #tpu.pipeline_mode<synchronous>, transform_indices = @transform_3, window_bounds = array<i64: 1, 64>}, {transform_indices = @transform_4, window_bounds = array<i64: 2048, 1>}, {transform_indices = @transform_5, window_bounds = array<i64: 2048, 64>}, {transform_indices = @transform_6, window_bounds = array<i64: 2048, 16>}, {transform_indices = @transform_7, window_bounds = array<i64: 2048, 16>}, {transform_indices = @transform_8, window_bounds = array<i64: 2048, 16>}, {transform_indices = @transform_9, window_bounds = array<i64: 2048, 16>}]} {
    %get3A = arith.constant 0 : index
    %get3A_0 = arith.constant 0 : index
    %get3A_1 = vector.load %arg2[%get3A, %get3A_0] : memref<1x128xf32, #tpu.memory_space<vmem>>, vector<1x128xf32>
    %iota3A = tpu.iota {dimensions = array<i32: 1>} : vector<1x128xi32>
    %eq3A = arith.constant 0 : i32
    %eq3A_2 = vector.broadcast %eq3A : i32 to vector<1x128xi32>
    %eq3A_3 = arith.cmpi eq, %iota3A, %eq3A_2 : vector<1x128xi32>
    %jit3A = arith.constant 0.000000e+00 : f32
    %broadcast_in_dim3A = vector.broadcast %jit3A : f32 to vector<1x128xf32>
    %select_n3A = arith.select %eq3A_3, %get3A_1, %broadcast_in_dim3A : vector<1x128xi1>, vector<1x128xf32>
    %reduce_sum3A = vector.shape_cast %select_n3A : vector<1x128xf32> to vector<1x1x128xf32>
    %reduce_sum3A_4 = arith.constant dense<0.000000e+00> : vector<1xf32>
    %reduce_sum3A_5 = vector.multi_reduction <add>, %reduce_sum3A, %reduce_sum3A_4 [1, 2] : vector<1x1x128xf32> to vector<1xf32>
    %reduce_sum3A_6 = vector.shape_cast %reduce_sum3A_5 : vector<1xf32> to vector<1x1x1xf32>
    %reduce_sum3A_7 = vector.extract %reduce_sum3A_6[0, 0, 0] : f32 from vector<1x1x1xf32>
    %eq3A_8 = arith.constant 1 : i32
    %eq3A_9 = vector.broadcast %eq3A_8 : i32 to vector<1x128xi32>
    %eq3A_10 = arith.cmpi eq, %iota3A, %eq3A_9 : vector<1x128xi32>
    %jit3A_11 = arith.constant 0.000000e+00 : f32
    %broadcast_in_dim3A_12 = vector.broadcast %jit3A_11 : f32 to vector<1x128xf32>
    %select_n3A_13 = arith.select %eq3A_10, %get3A_1, %broadcast_in_dim3A_12 : vector<1x128xi1>, vector<1x128xf32>
    %reduce_sum3A_14 = vector.shape_cast %select_n3A_13 : vector<1x128xf32> to vector<1x1x128xf32>
    %reduce_sum3A_15 = arith.constant dense<0.000000e+00> : vector<1xf32>
    %reduce_sum3A_16 = vector.multi_reduction <add>, %reduce_sum3A_14, %reduce_sum3A_15 [1, 2] : vector<1x1x128xf32> to vector<1xf32>
    %reduce_sum3A_17 = vector.shape_cast %reduce_sum3A_16 : vector<1xf32> to vector<1x1x1xf32>
    %reduce_sum3A_18 = vector.extract %reduce_sum3A_17[0, 0, 0] : f32 from vector<1x1x1xf32>
    %div3A = arith.constant 3.200000e+06 : f32
    %div3A_19 = arith.divf %reduce_sum3A_7, %div3A : f32
    %div3A_20 = arith.constant 3.200000e+06 : f32
    %div3A_21 = arith.divf %reduce_sum3A_18, %div3A_20 : f32
    %mul3A = arith.mulf %div3A_19, %div3A_19 : f32
    %sub3A = arith.subf %div3A_21, %mul3A : f32
    %max3A = arith.constant 0.000000e+00 : f32
    %max3A_22 = arith.maximumf %sub3A, %max3A : f32
    %sqrt3A = math.sqrt %max3A_22 : f32
    %add3A = arith.constant 9.99999974E-6 : f32
    %add3A_23 = arith.addf %sqrt3A, %add3A : f32
    %div3A_24 = arith.constant 1.000000e+00 : f32
    %div3A_25 = arith.divf %div3A_24, %add3A_23 : f32
    %get3A_26 = arith.constant 0 : index
    %get3A_27 = arith.constant 0 : index
    %get3A_28 = vector.load %arg1[%get3A_26, %get3A_27] : memref<2048x64xf32, #tpu.memory_space<vmem>>, vector<2048x64xf32>
    %sub3A_29 = vector.broadcast %div3A_19 : f32 to vector<2048x64xf32>
    %sub3A_30 = arith.subf %get3A_28, %sub3A_29 : vector<2048x64xf32>
    %mul3A_31 = vector.broadcast %div3A_25 : f32 to vector<2048x64xf32>
    %mul3A_32 = arith.mulf %sub3A_30, %mul3A_31 : vector<2048x64xf32>
    %get3A_33 = arith.constant 0 : index
    %get3A_34 = arith.constant 0 : index
    %get3A_35 = vector.load %arg3[%get3A_33, %get3A_34] : memref<1x64xf32, #tpu.memory_space<vmem>>, vector<1x64xf32>
    %mul3A_36 = vector.broadcast %get3A_35 : vector<1x64xf32> to vector<2048x64xf32>
    %mul3A_37 = arith.mulf %mul3A_32, %mul3A_36 : vector<2048x64xf32>
    %get3A_38 = arith.constant 0 : index
    %get3A_39 = arith.constant 0 : index
    %get3A_40 = vector.load %arg4[%get3A_38, %get3A_39] : memref<1x64xf32, #tpu.memory_space<vmem>>, vector<1x64xf32>
    %add3A_41 = vector.broadcast %get3A_40 : vector<1x64xf32> to vector<2048x64xf32>
    %add3A_42 = arith.addf %mul3A_37, %add3A_41 : vector<2048x64xf32>
    %swap3A = arith.constant 0 : index
    %swap3A_43 = arith.constant 0 : index
    %swap3A_44 = vector.load %arg6[%swap3A, %swap3A_43] : memref<2048x64xf32, #tpu.memory_space<vmem>>, vector<2048x64xf32>
    tpu.vector_store %arg6[%swap3A, %swap3A_43], %add3A_42 {strides = array<i32>} : memref<2048x64xf32, #tpu.memory_space<vmem>>, vector<2048x64xf32>,
    %get3A_45 = arith.constant 0 : index
    %get3A_46 = arith.constant 0 : index
    %get3A_47 = vector.load %arg5[%get3A_45, %get3A_46] : memref<2048x1xf32, #tpu.memory_space<vmem>>, vector<2048x1xf32>
    %mul3A_48 = vector.broadcast %get3A_47 : vector<2048x1xf32> to vector<2048x64xf32>
    %mul3A_49 = arith.mulf %add3A_42, %mul3A_48 : vector<2048x64xf32>
    %slice3A = vector.extract_strided_slice %mul3A_49 {offsets = [0, 0], sizes = [2048, 16], strides = [1, 1]} : vector<2048x64xf32> to vector<2048x16xf32>
    %swap3A_50 = arith.constant 0 : index
    %swap3A_51 = arith.constant 0 : index
    %swap3A_52 = vector.load %arg7[%swap3A_50, %swap3A_51] : memref<2048x16xf32, #tpu.memory_space<vmem>>, vector<2048x16xf32>
    tpu.vector_store %arg7[%swap3A_50, %swap3A_51], %slice3A {strides = array<i32>} : memref<2048x16xf32, #tpu.memory_space<vmem>>, vector<2048x16xf32>,
    %slice3A_53 = vector.extract_strided_slice %mul3A_49 {offsets = [0, 16], sizes = [2048, 16], strides = [1, 1]} : vector<2048x64xf32> to vector<2048x16xf32>
    %swap3A_54 = arith.constant 0 : index
    %swap3A_55 = arith.constant 0 : index
    %swap3A_56 = vector.load %arg8[%swap3A_54, %swap3A_55] : memref<2048x16xf32, #tpu.memory_space<vmem>>, vector<2048x16xf32>
    tpu.vector_store %arg8[%swap3A_54, %swap3A_55], %slice3A_53 {strides = array<i32>} : memref<2048x16xf32, #tpu.memory_space<vmem>>, vector<2048x16xf32>,
    %slice3A_57 = vector.extract_strided_slice %mul3A_49 {offsets = [0, 32], sizes = [2048, 16], strides = [1, 1]} : vector<2048x64xf32> to vector<2048x16xf32>
    %swap3A_58 = arith.constant 0 : index
    %swap3A_59 = arith.constant 0 : index
    %swap3A_60 = vector.load %arg9[%swap3A_58, %swap3A_59] : memref<2048x16xf32, #tpu.memory_space<vmem>>, vector<2048x16xf32>
    tpu.vector_store %arg9[%swap3A_58, %swap3A_59], %slice3A_57 {strides = array<i32>} : memref<2048x16xf32, #tpu.memory_space<vmem>>, vector<2048x16xf32>,
    %slice3A_61 = vector.extract_strided_slice %mul3A_49 {offsets = [0, 48], sizes = [2048, 16], strides = [1, 1]} : vector<2048x64xf32> to vector<2048x16xf32>
    %swap3A_62 = arith.constant 0 : index
    %swap3A_63 = arith.constant 0 : index
    %swap3A_64 = vector.load %arg10[%swap3A_62, %swap3A_63] : memref<2048x16xf32, #tpu.memory_space<vmem>>, vector<2048x16xf32>
    tpu.vector_store %arg10[%swap3A_62, %swap3A_63], %slice3A_61 {strides = array<i32>} : memref<2048x16xf32, #tpu.memory_space<vmem>>, vector<2048x16xf32>,
    return
  }
  func.func @transform_0(%arg0: i32) -> (i32, i32) {
    %c0_i32 = arith.constant 0 : i32
    %c0_i32_0 = arith.constant 0 : i32
    return %arg0, %c0_i32 : i32, i32
  }
  func.func @transform_1(%arg0: i32) -> (i32, i32) {
    %c0_i32 = arith.constant 0 : i32
    %c0_i32_0 = arith.constant 0 : i32
    %c0_i32_1 = arith.constant 0 : i32
    return %c0_i32, %c0_i32_0 : i32, i32
  }
  func.func @transform_2(%arg0: i32) -> (i32, i32) {
    %c0_i32 = arith.constant 0 : i32
    %c0_i32_0 = arith.constant 0 : i32
    %c0_i32_1 = arith.constant 0 : i32
    return %c0_i32, %c0_i32_0 : i32, i32
  }
  func.func @transform_3(%arg0: i32) -> (i32, i32) {
    %c0_i32 = arith.constant 0 : i32
    %c0_i32_0 = arith.constant 0 : i32
    %c0_i32_1 = arith.constant 0 : i32
    return %c0_i32, %c0_i32_0 : i32, i32
  }
  func.func @transform_4(%arg0: i32) -> (i32, i32) {
    %c0_i32 = arith.constant 0 : i32
    %c0_i32_0 = arith.constant 0 : i32
    return %arg0, %c0_i32 : i32, i32
  }
  func.func @transform_5(%arg0: i32) -> (i32, i32) {
    %c0_i32 = arith.constant 0 : i32
    %c0_i32_0 = arith.constant 0 : i32
    return %arg0, %c0_i32 : i32, i32
  }
  func.func @transform_6(%arg0: i32) -> (i32, i32) {
    %c0_i32 = arith.constant 0 : i32
    %c0_i32_0 = arith.constant 0 : i32
    return %arg0, %c0_i32 : i32, i32
  }
  func.func @transform_7(%arg0: i32) -> (i32, i32) {
    %c0_i32 = arith.constant 0 : i32
    %c0_i32_0 = arith.constant 0 : i32
    return %arg0, %c0_i32 : i32, i32
  }
  func.func @transform_8(%arg0: i32) -> (i32, i32) {
    %c0_i32 = arith.constant 0 : i32
    %c0_i32_0 = arith.constant 0 : i32
    return %arg0, %c0_i32 : i32, i32
  }
  func.func @transform_9(%arg0: i32) -> (i32, i32) {
    %c0_i32 = arith.constant 0 : i32
    %c0_i32_0 = arith.constant 0 : i32
    return %arg0, %c0_i32 : i32, i32
  }
}

module attributes {stable_mosaic.version = 14 : i64} {
  func.func @_k7_body(%arg0: i32, %arg1: memref<1x2048x16xf32, #tpu.memory_space<vmem>>, %arg2: memref<1x2048x16xf32, #tpu.memory_space<vmem>>, %arg3: memref<1x2048x16xf32, #tpu.memory_space<vmem>>, %arg4: memref<1x2048x16xf32, #tpu.memory_space<vmem>>, %arg5: memref<1x2048x16xf32, #tpu.memory_space<vmem>>, %arg6: memref<1x2048x16xf32, #tpu.memory_space<vmem>>, %arg7: memref<1x2048x16xf32, #tpu.memory_space<vmem>>, %arg8: memref<1x2048x16xf32, #tpu.memory_space<vmem>>, %arg9: memref<2048x64xf32, #tpu.memory_space<vmem>>, %arg10: memref<2048x1xf32, #tpu.memory_space<vmem>>, %arg11: memref<64x64xf32, #tpu.memory_space<vmem>>, %arg12: memref<1x64xf32, #tpu.memory_space<vmem>>, %arg13: memref<64x64xf32, #tpu.memory_space<vmem>>, %arg14: memref<1x64xf32, #tpu.memory_space<vmem>>, %arg15: memref<64x64xf32, #tpu.memory_space<vmem>>, %arg16: memref<1x64xf32, #tpu.memory_space<vmem>>, %arg17: memref<2048x64xf32, #tpu.memory_space<vmem>>, %arg18: memref<1x128xf32, #tpu.memory_space<vmem>>) attributes {dimension_semantics = [#tpu.dimension_semantics<arbitrary>], iteration_bounds = array<i64: 25>, scalar_prefetch = 0 : i64, scratch_operands = 0 : i64, tpu.core_type = #tpu.core_type<tc>, window_params = [{transform_indices = @transform_0, window_bounds = array<i64: 1, 2048, 16>}, {transform_indices = @transform_1, window_bounds = array<i64: 1, 2048, 16>}, {transform_indices = @transform_2, window_bounds = array<i64: 1, 2048, 16>}, {transform_indices = @transform_3, window_bounds = array<i64: 1, 2048, 16>}, {transform_indices = @transform_4, window_bounds = array<i64: 1, 2048, 16>}, {transform_indices = @transform_5, window_bounds = array<i64: 1, 2048, 16>}, {transform_indices = @transform_6, window_bounds = array<i64: 1, 2048, 16>}, {transform_indices = @transform_7, window_bounds = array<i64: 1, 2048, 16>}, {transform_indices = @transform_8, window_bounds = array<i64: 2048, 64>}, {transform_indices = @transform_9, window_bounds = array<i64: 2048, 1>}, {pipeline_mode = #tpu.pipeline_mode<synchronous>, transform_indices = @transform_10, window_bounds = array<i64: 64, 64>}, {pipeline_mode = #tpu.pipeline_mode<synchronous>, transform_indices = @transform_11, window_bounds = array<i64: 1, 64>}, {pipeline_mode = #tpu.pipeline_mode<synchronous>, transform_indices = @transform_12, window_bounds = array<i64: 64, 64>}, {pipeline_mode = #tpu.pipeline_mode<synchronous>, transform_indices = @transform_13, window_bounds = array<i64: 1, 64>}, {pipeline_mode = #tpu.pipeline_mode<synchronous>, transform_indices = @transform_14, window_bounds = array<i64: 64, 64>}, {pipeline_mode = #tpu.pipeline_mode<synchronous>, transform_indices = @transform_15, window_bounds = array<i64: 1, 64>}, {transform_indices = @transform_16, window_bounds = array<i64: 2048, 64>}, {pipeline_mode = #tpu.pipeline_mode<synchronous>, transform_indices = @transform_17, window_bounds = array<i64: 1, 128>}]} {
    %get3A = arith.constant 0 : index
    %get3A_0 = arith.constant 0 : index
    %get3A_1 = arith.constant 0 : index
    %get3A_2 = vector.load %arg1[%get3A, %get3A_0, %get3A_1] : memref<1x2048x16xf32, #tpu.memory_space<vmem>>, vector<1x2048x16xf32>
    %get3A_3 = vector.shape_cast %get3A_2 : vector<1x2048x16xf32> to vector<2048x16xf32>
    %get3A_4 = arith.constant 0 : index
    %get3A_5 = arith.constant 0 : index
    %get3A_6 = arith.constant 0 : index
    %get3A_7 = vector.load %arg2[%get3A_4, %get3A_5, %get3A_6] : memref<1x2048x16xf32, #tpu.memory_space<vmem>>, vector<1x2048x16xf32>
    %get3A_8 = vector.shape_cast %get3A_7 : vector<1x2048x16xf32> to vector<2048x16xf32>
    %add3A = arith.addf %get3A_3, %get3A_8 : vector<2048x16xf32>
    %get3A_9 = arith.constant 0 : index
    %get3A_10 = arith.constant 0 : index
    %get3A_11 = arith.constant 0 : index
    %get3A_12 = vector.load %arg3[%get3A_9, %get3A_10, %get3A_11] : memref<1x2048x16xf32, #tpu.memory_space<vmem>>, vector<1x2048x16xf32>
    %get3A_13 = vector.shape_cast %get3A_12 : vector<1x2048x16xf32> to vector<2048x16xf32>
    %get3A_14 = arith.constant 0 : index
    %get3A_15 = arith.constant 0 : index
    %get3A_16 = arith.constant 0 : index
    %get3A_17 = vector.load %arg4[%get3A_14, %get3A_15, %get3A_16] : memref<1x2048x16xf32, #tpu.memory_space<vmem>>, vector<1x2048x16xf32>
    %get3A_18 = vector.shape_cast %get3A_17 : vector<1x2048x16xf32> to vector<2048x16xf32>
    %add3A_19 = arith.addf %get3A_13, %get3A_18 : vector<2048x16xf32>
    %get3A_20 = arith.constant 0 : index
    %get3A_21 = arith.constant 0 : index
    %get3A_22 = arith.constant 0 : index
    %get3A_23 = vector.load %arg5[%get3A_20, %get3A_21, %get3A_22] : memref<1x2048x16xf32, #tpu.memory_space<vmem>>, vector<1x2048x16xf32>
    %get3A_24 = vector.shape_cast %get3A_23 : vector<1x2048x16xf32> to vector<2048x16xf32>
    %get3A_25 = arith.constant 0 : index
    %get3A_26 = arith.constant 0 : index
    %get3A_27 = arith.constant 0 : index
    %get3A_28 = vector.load %arg6[%get3A_25, %get3A_26, %get3A_27] : memref<1x2048x16xf32, #tpu.memory_space<vmem>>, vector<1x2048x16xf32>
    %get3A_29 = vector.shape_cast %get3A_28 : vector<1x2048x16xf32> to vector<2048x16xf32>
    %add3A_30 = arith.addf %get3A_24, %get3A_29 : vector<2048x16xf32>
    %get3A_31 = arith.constant 0 : index
    %get3A_32 = arith.constant 0 : index
    %get3A_33 = arith.constant 0 : index
    %get3A_34 = vector.load %arg7[%get3A_31, %get3A_32, %get3A_33] : memref<1x2048x16xf32, #tpu.memory_space<vmem>>, vector<1x2048x16xf32>
    %get3A_35 = vector.shape_cast %get3A_34 : vector<1x2048x16xf32> to vector<2048x16xf32>
    %get3A_36 = arith.constant 0 : index
    %get3A_37 = arith.constant 0 : index
    %get3A_38 = arith.constant 0 : index
    %get3A_39 = vector.load %arg8[%get3A_36, %get3A_37, %get3A_38] : memref<1x2048x16xf32, #tpu.memory_space<vmem>>, vector<1x2048x16xf32>
    %get3A_40 = vector.shape_cast %get3A_39 : vector<1x2048x16xf32> to vector<2048x16xf32>
    %add3A_41 = arith.addf %get3A_35, %get3A_40 : vector<2048x16xf32>
    %concatenate3A = tpu.concatenate %add3A, %add3A_19, %add3A_30, %add3A_41 in 1 : vector<2048x16xf32>, vector<2048x16xf32>, vector<2048x16xf32>, vector<2048x16xf32> -> vector<2048x64xf32>
    %get3A_42 = arith.constant 0 : index
    %get3A_43 = arith.constant 0 : index
    %get3A_44 = vector.load %arg10[%get3A_42, %get3A_43] : memref<2048x1xf32, #tpu.memory_space<vmem>>, vector<2048x1xf32>
    %get3A_45 = arith.constant 0 : index
    %get3A_46 = arith.constant 0 : index
    %get3A_47 = vector.load %arg9[%get3A_45, %get3A_46] : memref<2048x64xf32, #tpu.memory_space<vmem>>, vector<2048x64xf32>
    %mul3A = vector.broadcast %get3A_44 : vector<2048x1xf32> to vector<2048x64xf32>
    %mul3A_48 = arith.mulf %get3A_47, %mul3A : vector<2048x64xf32>
    %add3A_49 = arith.addf %concatenate3A, %mul3A_48 : vector<2048x64xf32>
    %mul3A_50 = vector.broadcast %get3A_44 : vector<2048x1xf32> to vector<2048x64xf32>
    %mul3A_51 = arith.mulf %add3A_49, %mul3A_50 : vector<2048x64xf32>
    %get3A_52 = arith.constant 0 : index
    %get3A_53 = arith.constant 0 : index
    %get3A_54 = vector.load %arg11[%get3A_52, %get3A_53] : memref<64x64xf32, #tpu.memory_space<vmem>>, vector<64x64xf32>
    %dot_general3A = arith.constant dense<0.000000e+00> : vector<2048x64xf32>
    %dot_general3A_55 = tpu.matmul %mul3A_51, %get3A_54, %dot_general3A {dimension_numbers = #tpu.dot_dimension_numbers<[1], [0], [0], [1], [0, 0, 1, 1], [], []>, transpose_lhs_hint = false} : vector<2048x64xf32>, vector<64x64xf32>, vector<2048x64xf32> -> vector<2048x64xf32>
    %get3A_56 = arith.constant 0 : index
    %get3A_57 = arith.constant 0 : index
    %get3A_58 = vector.load %arg12[%get3A_56, %get3A_57] : memref<1x64xf32, #tpu.memory_space<vmem>>, vector<1x64xf32>
    %add3A_59 = vector.broadcast %get3A_58 : vector<1x64xf32> to vector<2048x64xf32>
    %add3A_60 = arith.addf %dot_general3A_55, %add3A_59 : vector<2048x64xf32>
    %get3A_61 = arith.constant 0 : index
    %get3A_62 = arith.constant 0 : index
    %get3A_63 = vector.load %arg13[%get3A_61, %get3A_62] : memref<64x64xf32, #tpu.memory_space<vmem>>, vector<64x64xf32>
    %dot_general3A_64 = arith.constant dense<0.000000e+00> : vector<2048x64xf32>
    %dot_general3A_65 = tpu.matmul %add3A_60, %get3A_63, %dot_general3A_64 {dimension_numbers = #tpu.dot_dimension_numbers<[1], [0], [0], [1], [0, 0, 1, 1], [], []>, transpose_lhs_hint = false} : vector<2048x64xf32>, vector<64x64xf32>, vector<2048x64xf32> -> vector<2048x64xf32>
    %get3A_66 = arith.constant 0 : index
    %get3A_67 = arith.constant 0 : index
    %get3A_68 = vector.load %arg14[%get3A_66, %get3A_67] : memref<1x64xf32, #tpu.memory_space<vmem>>, vector<1x64xf32>
    %add3A_69 = vector.broadcast %get3A_68 : vector<1x64xf32> to vector<2048x64xf32>
    %add3A_70 = arith.addf %dot_general3A_65, %add3A_69 : vector<2048x64xf32>
    %max3A = arith.constant 0.000000e+00 : f32
    %max3A_71 = vector.broadcast %max3A : f32 to vector<2048x64xf32>
    %max3A_72 = arith.maximumf %add3A_70, %max3A_71 : vector<2048x64xf32>
    %get3A_73 = arith.constant 0 : index
    %get3A_74 = arith.constant 0 : index
    %get3A_75 = vector.load %arg15[%get3A_73, %get3A_74] : memref<64x64xf32, #tpu.memory_space<vmem>>, vector<64x64xf32>
    %dot_general3A_76 = arith.constant dense<0.000000e+00> : vector<2048x64xf32>
    %dot_general3A_77 = tpu.matmul %max3A_72, %get3A_75, %dot_general3A_76 {dimension_numbers = #tpu.dot_dimension_numbers<[1], [0], [0], [1], [0, 0, 1, 1], [], []>, transpose_lhs_hint = false} : vector<2048x64xf32>, vector<64x64xf32>, vector<2048x64xf32> -> vector<2048x64xf32>
    %get3A_78 = arith.constant 0 : index
    %get3A_79 = arith.constant 0 : index
    %get3A_80 = vector.load %arg16[%get3A_78, %get3A_79] : memref<1x64xf32, #tpu.memory_space<vmem>>, vector<1x64xf32>
    %add3A_81 = vector.broadcast %get3A_80 : vector<1x64xf32> to vector<2048x64xf32>
    %add3A_82 = arith.addf %dot_general3A_77, %add3A_81 : vector<2048x64xf32>
    %get3A_83 = arith.constant 0 : index
    %get3A_84 = arith.constant 0 : index
    %get3A_85 = vector.load %arg9[%get3A_83, %get3A_84] : memref<2048x64xf32, #tpu.memory_space<vmem>>, vector<2048x64xf32>
    %add3A_86 = arith.addf %add3A_82, %get3A_85 : vector<2048x64xf32>
    %swap3A = arith.constant 0 : index
    %swap3A_87 = arith.constant 0 : index
    %swap3A_88 = vector.load %arg17[%swap3A, %swap3A_87] : memref<2048x64xf32, #tpu.memory_space<vmem>>, vector<2048x64xf32>
    tpu.vector_store %arg17[%swap3A, %swap3A_87], %add3A_86 {strides = array<i32>} : memref<2048x64xf32, #tpu.memory_space<vmem>>, vector<2048x64xf32>,
    %mul3A_89 = arith.constant 2048 : i32
    %mul3A_90 = arith.muli %arg0, %mul3A_89 : i32
    %iota3A = tpu.iota {dimensions = array<i32: 0>} : vector<2048x1xi32>
    %add3A_91 = vector.broadcast %mul3A_90 : i32 to vector<2048x1xi32>
    %add3A_92 = arith.addi %add3A_91, %iota3A : vector<2048x1xi32>
    %lt3A = arith.constant 50000 : i32
    %lt3A_93 = vector.broadcast %lt3A : i32 to vector<2048x1xi32>
    %lt3A_94 = arith.cmpi slt, %add3A_92, %lt3A_93 : vector<2048x1xi32>
    %jit3A = arith.constant 0.000000e+00 : f32
    %broadcast_in_dim3A = vector.shape_cast %lt3A_94 : vector<2048x1xi1> to vector<2048x1xi1>
    %broadcast_in_dim3A_95 = vector.broadcast %broadcast_in_dim3A : vector<2048x1xi1> to vector<2048x64xi1>
    %broadcast_in_dim3A_96 = vector.broadcast %jit3A : f32 to vector<2048x64xf32>
    %select_n3A = arith.select %broadcast_in_dim3A_95, %add3A_86, %broadcast_in_dim3A_96 : vector<2048x64xi1>, vector<2048x64xf32>
    %reduce_sum3A = vector.shape_cast %select_n3A : vector<2048x64xf32> to vector<1x2048x64xf32>
    %reduce_sum3A_97 = arith.constant dense<0.000000e+00> : vector<1xf32>
    %reduce_sum3A_98 = vector.multi_reduction <add>, %reduce_sum3A, %reduce_sum3A_97 [1, 2] : vector<1x2048x64xf32> to vector<1xf32>
    %reduce_sum3A_99 = vector.shape_cast %reduce_sum3A_98 : vector<1xf32> to vector<1x1x1xf32>
    %reduce_sum3A_100 = vector.extract %reduce_sum3A_99[0, 0, 0] : f32 from vector<1x1x1xf32>
    %mul3A_101 = arith.mulf %select_n3A, %select_n3A : vector<2048x64xf32>
    %reduce_sum3A_102 = vector.shape_cast %mul3A_101 : vector<2048x64xf32> to vector<1x2048x64xf32>
    %reduce_sum3A_103 = arith.constant dense<0.000000e+00> : vector<1xf32>
    %reduce_sum3A_104 = vector.multi_reduction <add>, %reduce_sum3A_102, %reduce_sum3A_103 [1, 2] : vector<1x2048x64xf32> to vector<1xf32>
    %reduce_sum3A_105 = vector.shape_cast %reduce_sum3A_104 : vector<1xf32> to vector<1x1x1xf32>
    %reduce_sum3A_106 = vector.extract %reduce_sum3A_105[0, 0, 0] : f32 from vector<1x1x1xf32>
    %iota3A_107 = tpu.iota {dimensions = array<i32: 1>} : vector<1x128xi32>
    %eq3A = arith.constant 0 : i32
    %eq3A_108 = vector.broadcast %eq3A : i32 to vector<1x128xi32>
    %eq3A_109 = arith.cmpi eq, %iota3A_107, %eq3A_108 : vector<1x128xi32>
    %jit3A_110 = arith.constant 0.000000e+00 : f32
    %broadcast_in_dim3A_111 = vector.broadcast %reduce_sum3A_100 : f32 to vector<1x128xf32>
    %broadcast_in_dim3A_112 = vector.broadcast %jit3A_110 : f32 to vector<1x128xf32>
    %select_n3A_113 = arith.select %eq3A_109, %broadcast_in_dim3A_111, %broadcast_in_dim3A_112 : vector<1x128xi1>, vector<1x128xf32>
    %eq3A_114 = arith.constant 1 : i32
    %eq3A_115 = vector.broadcast %eq3A_114 : i32 to vector<1x128xi32>
    %eq3A_116 = arith.cmpi eq, %iota3A_107, %eq3A_115 : vector<1x128xi32>
    %jit3A_117 = arith.constant 0.000000e+00 : f32
    %broadcast_in_dim3A_118 = vector.broadcast %reduce_sum3A_106 : f32 to vector<1x128xf32>
    %broadcast_in_dim3A_119 = vector.broadcast %jit3A_117 : f32 to vector<1x128xf32>
    %select_n3A_120 = arith.select %eq3A_116, %broadcast_in_dim3A_118, %broadcast_in_dim3A_119 : vector<1x128xi1>, vector<1x128xf32>
    %add3A_121 = arith.addf %select_n3A_113, %select_n3A_120 : vector<1x128xf32>
    %eq3A_122 = arith.constant 0 : i32
    %eq3A_123 = arith.cmpi eq, %arg0, %eq3A_122 : i32
    %convert_element_type3A = arith.extui %eq3A_123 : i1 to i32
    %cond3A = arith.constant 0 : i32
    %cond3A_124 = arith.cmpi ne, %convert_element_type3A, %cond3A : i32
    scf.if %cond3A_124 {
      %swap3A_129 = arith.constant 0 : index
      %swap3A_130 = arith.constant 0 : index
      %swap3A_131 = vector.load %arg18[%swap3A_129, %swap3A_130] : memref<1x128xf32, #tpu.memory_space<vmem>>, vector<1x128xf32>
      tpu.vector_store %arg18[%swap3A_129, %swap3A_130], %add3A_121 {strides = array<i32>} : memref<1x128xf32, #tpu.memory_space<vmem>>, vector<1x128xf32>,
    } else {
    }
    %gt3A = arith.constant 0 : i32
    %gt3A_125 = arith.cmpi sgt, %arg0, %gt3A : i32
    %convert_element_type3A_126 = arith.extui %gt3A_125 : i1 to i32
    %cond3A_127 = arith.constant 0 : i32
    %cond3A_128 = arith.cmpi ne, %convert_element_type3A_126, %cond3A_127 : i32
    scf.if %cond3A_128 {
      %get3A_129 = arith.constant 0 : index
      %get3A_130 = arith.constant 0 : index
      %get3A_131 = vector.load %arg18[%get3A_129, %get3A_130] : memref<1x128xf32, #tpu.memory_space<vmem>>, vector<1x128xf32>
      %add3A_132 = arith.addf %get3A_131, %add3A_121 : vector<1x128xf32>
      %swap3A_133 = arith.constant 0 : index
      %swap3A_134 = arith.constant 0 : index
      %swap3A_135 = vector.load %arg18[%swap3A_133, %swap3A_134] : memref<1x128xf32, #tpu.memory_space<vmem>>, vector<1x128xf32>
      tpu.vector_store %arg18[%swap3A_133, %swap3A_134], %add3A_132 {strides = array<i32>} : memref<1x128xf32, #tpu.memory_space<vmem>>, vector<1x128xf32>,
    } else {
    }
    return
  }
  func.func @transform_0(%arg0: i32) -> (i32, i32, i32) {
    %c0_i32 = arith.constant 0 : i32
    %c0_i32_0 = arith.constant 0 : i32
    %c0_i32_1 = arith.constant 0 : i32
    return %c0_i32, %arg0, %c0_i32_0 : i32, i32, i32
  }
  func.func @transform_1(%arg0: i32) -> (i32, i32, i32) {
    %c1_i32 = arith.constant 1 : i32
    %c0_i32 = arith.constant 0 : i32
    %c0_i32_0 = arith.constant 0 : i32
    return %c1_i32, %arg0, %c0_i32 : i32, i32, i32
  }
  func.func @transform_2(%arg0: i32) -> (i32, i32, i32) {
    %c0_i32 = arith.constant 0 : i32
    %c0_i32_0 = arith.constant 0 : i32
    %c0_i32_1 = arith.constant 0 : i32
    return %c0_i32, %arg0, %c0_i32_0 : i32, i32, i32
  }
  func.func @transform_3(%arg0: i32) -> (i32, i32, i32) {
    %c1_i32 = arith.constant 1 : i32
    %c0_i32 = arith.constant 0 : i32
    %c0_i32_0 = arith.constant 0 : i32
    return %c1_i32, %arg0, %c0_i32 : i32, i32, i32
  }
  func.func @transform_4(%arg0: i32) -> (i32, i32, i32) {
    %c0_i32 = arith.constant 0 : i32
    %c0_i32_0 = arith.constant 0 : i32
    %c0_i32_1 = arith.constant 0 : i32
    return %c0_i32, %arg0, %c0_i32_0 : i32, i32, i32
  }
  func.func @transform_5(%arg0: i32) -> (i32, i32, i32) {
    %c1_i32 = arith.constant 1 : i32
    %c0_i32 = arith.constant 0 : i32
    %c0_i32_0 = arith.constant 0 : i32
    return %c1_i32, %arg0, %c0_i32 : i32, i32, i32
  }
  func.func @transform_6(%arg0: i32) -> (i32, i32, i32) {
    %c0_i32 = arith.constant 0 : i32
    %c0_i32_0 = arith.constant 0 : i32
    %c0_i32_1 = arith.constant 0 : i32
    return %c0_i32, %arg0, %c0_i32_0 : i32, i32, i32
  }
  func.func @transform_7(%arg0: i32) -> (i32, i32, i32) {
    %c1_i32 = arith.constant 1 : i32
    %c0_i32 = arith.constant 0 : i32
    %c0_i32_0 = arith.constant 0 : i32
    return %c1_i32, %arg0, %c0_i32 : i32, i32, i32
  }
  func.func @transform_8(%arg0: i32) -> (i32, i32) {
    %c0_i32 = arith.constant 0 : i32
    %c0_i32_0 = arith.constant 0 : i32
    return %arg0, %c0_i32 : i32, i32
  }
  func.func @transform_9(%arg0: i32) -> (i32, i32) {
    %c0_i32 = arith.constant 0 : i32
    %c0_i32_0 = arith.constant 0 : i32
    return %arg0, %c0_i32 : i32, i32
  }
  func.func @transform_10(%arg0: i32) -> (i32, i32) {
    %c0_i32 = arith.constant 0 : i32
    %c0_i32_0 = arith.constant 0 : i32
    %c0_i32_1 = arith.constant 0 : i32
    return %c0_i32, %c0_i32_0 : i32, i32
  }
  func.func @transform_11(%arg0: i32) -> (i32, i32) {
    %c0_i32 = arith.constant 0 : i32
    %c0_i32_0 = arith.constant 0 : i32
    %c0_i32_1 = arith.constant 0 : i32
    return %c0_i32, %c0_i32_0 : i32, i32
  }
  func.func @transform_12(%arg0: i32) -> (i32, i32) {
    %c0_i32 = arith.constant 0 : i32
    %c0_i32_0 = arith.constant 0 : i32
    %c0_i32_1 = arith.constant 0 : i32
    return %c0_i32, %c0_i32_0 : i32, i32
  }
  func.func @transform_13(%arg0: i32) -> (i32, i32) {
    %c0_i32 = arith.constant 0 : i32
    %c0_i32_0 = arith.constant 0 : i32
    %c0_i32_1 = arith.constant 0 : i32
    return %c0_i32, %c0_i32_0 : i32, i32
  }
  func.func @transform_14(%arg0: i32) -> (i32, i32) {
    %c0_i32 = arith.constant 0 : i32
    %c0_i32_0 = arith.constant 0 : i32
    %c0_i32_1 = arith.constant 0 : i32
    return %c0_i32, %c0_i32_0 : i32, i32
  }
  func.func @transform_15(%arg0: i32) -> (i32, i32) {
    %c0_i32 = arith.constant 0 : i32
    %c0_i32_0 = arith.constant 0 : i32
    %c0_i32_1 = arith.constant 0 : i32
    return %c0_i32, %c0_i32_0 : i32, i32
  }
  func.func @transform_16(%arg0: i32) -> (i32, i32) {
    %c0_i32 = arith.constant 0 : i32
    %c0_i32_0 = arith.constant 0 : i32
    return %arg0, %c0_i32 : i32, i32
  }
  func.func @transform_17(%arg0: i32) -> (i32, i32) {
    %c0_i32 = arith.constant 0 : i32
    %c0_i32_0 = arith.constant 0 : i32
    %c0_i32_1 = arith.constant 0 : i32
    return %c0_i32, %c0_i32_0 : i32, i32
  }
}

module attributes {stable_mosaic.version = 14 : i64} {
  func.func @_k8_body(%arg0: i32, %arg1: memref<2048x64xf32, #tpu.memory_space<vmem>>, %arg2: memref<1x128xf32, #tpu.memory_space<vmem>>, %arg3: memref<1x64xf32, #tpu.memory_space<vmem>>, %arg4: memref<1x64xf32, #tpu.memory_space<vmem>>, %arg5: memref<64x1xf32, #tpu.memory_space<vmem>>, %arg6: memref<1x1xf32, #tpu.memory_space<vmem>>, %arg7: memref<2048x1xi32, #tpu.memory_space<vmem>>, %arg8: memref<128x1xf32, #tpu.memory_space<vmem>>, %arg9: memref<128x2xf32, #tpu.memory_space<vmem>>) attributes {dimension_semantics = [#tpu.dimension_semantics<arbitrary>], iteration_bounds = array<i64: 25>, scalar_prefetch = 0 : i64, scratch_operands = 1 : i64, tpu.core_type = #tpu.core_type<tc>, window_params = [{transform_indices = @transform_0, window_bounds = array<i64: 2048, 64>}, {pipeline_mode = #tpu.pipeline_mode<synchronous>, transform_indices = @transform_1, window_bounds = array<i64: 1, 128>}, {pipeline_mode = #tpu.pipeline_mode<synchronous>, transform_indices = @transform_2, window_bounds = array<i64: 1, 64>}, {pipeline_mode = #tpu.pipeline_mode<synchronous>, transform_indices = @transform_3, window_bounds = array<i64: 1, 64>}, {pipeline_mode = #tpu.pipeline_mode<synchronous>, transform_indices = @transform_4, window_bounds = array<i64: 64, 1>}, {pipeline_mode = #tpu.pipeline_mode<synchronous>, transform_indices = @transform_5, window_bounds = array<i64: 1, 1>}, {transform_indices = @transform_6, window_bounds = array<i64: 2048, 1>}, {pipeline_mode = #tpu.pipeline_mode<synchronous>, transform_indices = @transform_7, window_bounds = array<i64: 128, 1>}]} {
    %get3A = arith.constant 0 : index
    %get3A_0 = arith.constant 0 : index
    %get3A_1 = vector.load %arg2[%get3A, %get3A_0] : memref<1x128xf32, #tpu.memory_space<vmem>>, vector<1x128xf32>
    %iota3A = tpu.iota {dimensions = array<i32: 1>} : vector<1x128xi32>
    %eq3A = arith.constant 0 : i32
    %eq3A_2 = vector.broadcast %eq3A : i32 to vector<1x128xi32>
    %eq3A_3 = arith.cmpi eq, %iota3A, %eq3A_2 : vector<1x128xi32>
    %jit3A = arith.constant 0.000000e+00 : f32
    %broadcast_in_dim3A = vector.broadcast %jit3A : f32 to vector<1x128xf32>
    %select_n3A = arith.select %eq3A_3, %get3A_1, %broadcast_in_dim3A : vector<1x128xi1>, vector<1x128xf32>
    %reduce_sum3A = vector.shape_cast %select_n3A : vector<1x128xf32> to vector<1x1x128xf32>
    %reduce_sum3A_4 = arith.constant dense<0.000000e+00> : vector<1xf32>
    %reduce_sum3A_5 = vector.multi_reduction <add>, %reduce_sum3A, %reduce_sum3A_4 [1, 2] : vector<1x1x128xf32> to vector<1xf32>
    %reduce_sum3A_6 = vector.shape_cast %reduce_sum3A_5 : vector<1xf32> to vector<1x1x1xf32>
    %reduce_sum3A_7 = vector.extract %reduce_sum3A_6[0, 0, 0] : f32 from vector<1x1x1xf32>
    %eq3A_8 = arith.constant 1 : i32
    %eq3A_9 = vector.broadcast %eq3A_8 : i32 to vector<1x128xi32>
    %eq3A_10 = arith.cmpi eq, %iota3A, %eq3A_9 : vector<1x128xi32>
    %jit3A_11 = arith.constant 0.000000e+00 : f32
    %broadcast_in_dim3A_12 = vector.broadcast %jit3A_11 : f32 to vector<1x128xf32>
    %select_n3A_13 = arith.select %eq3A_10, %get3A_1, %broadcast_in_dim3A_12 : vector<1x128xi1>, vector<1x128xf32>
    %reduce_sum3A_14 = vector.shape_cast %select_n3A_13 : vector<1x128xf32> to vector<1x1x128xf32>
    %reduce_sum3A_15 = arith.constant dense<0.000000e+00> : vector<1xf32>
    %reduce_sum3A_16 = vector.multi_reduction <add>, %reduce_sum3A_14, %reduce_sum3A_15 [1, 2] : vector<1x1x128xf32> to vector<1xf32>
    %reduce_sum3A_17 = vector.shape_cast %reduce_sum3A_16 : vector<1xf32> to vector<1x1x1xf32>
    %reduce_sum3A_18 = vector.extract %reduce_sum3A_17[0, 0, 0] : f32 from vector<1x1x1xf32>
    %div3A = arith.constant 3.200000e+06 : f32
    %div3A_19 = arith.divf %reduce_sum3A_7, %div3A : f32
    %div3A_20 = arith.constant 3.200000e+06 : f32
    %div3A_21 = arith.divf %reduce_sum3A_18, %div3A_20 : f32
    %mul3A = arith.mulf %div3A_19, %div3A_19 : f32
    %sub3A = arith.subf %div3A_21, %mul3A : f32
    %max3A = arith.constant 0.000000e+00 : f32
    %max3A_22 = arith.maximumf %sub3A, %max3A : f32
    %sqrt3A = math.sqrt %max3A_22 : f32
    %add3A = arith.constant 9.99999974E-6 : f32
    %add3A_23 = arith.addf %sqrt3A, %add3A : f32
    %div3A_24 = arith.constant 1.000000e+00 : f32
    %div3A_25 = arith.divf %div3A_24, %add3A_23 : f32
    %get3A_26 = arith.constant 0 : index
    %get3A_27 = arith.constant 0 : index
    %get3A_28 = vector.load %arg1[%get3A_26, %get3A_27] : memref<2048x64xf32, #tpu.memory_space<vmem>>, vector<2048x64xf32>
    %sub3A_29 = vector.broadcast %div3A_19 : f32 to vector<2048x64xf32>
    %sub3A_30 = arith.subf %get3A_28, %sub3A_29 : vector<2048x64xf32>
    %mul3A_31 = vector.broadcast %div3A_25 : f32 to vector<2048x64xf32>
    %mul3A_32 = arith.mulf %sub3A_30, %mul3A_31 : vector<2048x64xf32>
    %get3A_33 = arith.constant 0 : index
    %get3A_34 = arith.constant 0 : index
    %get3A_35 = vector.load %arg3[%get3A_33, %get3A_34] : memref<1x64xf32, #tpu.memory_space<vmem>>, vector<1x64xf32>
    %mul3A_36 = vector.broadcast %get3A_35 : vector<1x64xf32> to vector<2048x64xf32>
    %mul3A_37 = arith.mulf %mul3A_32, %mul3A_36 : vector<2048x64xf32>
    %get3A_38 = arith.constant 0 : index
    %get3A_39 = arith.constant 0 : index
    %get3A_40 = vector.load %arg4[%get3A_38, %get3A_39] : memref<1x64xf32, #tpu.memory_space<vmem>>, vector<1x64xf32>
    %add3A_41 = vector.broadcast %get3A_40 : vector<1x64xf32> to vector<2048x64xf32>
    %add3A_42 = arith.addf %mul3A_37, %add3A_41 : vector<2048x64xf32>
    %get3A_43 = arith.constant 0 : index
    %get3A_44 = arith.constant 0 : index
    %get3A_45 = vector.load %arg5[%get3A_43, %get3A_44] : memref<64x1xf32, #tpu.memory_space<vmem>>, vector<64x1xf32>
    %dot_general3A = arith.constant dense<0.000000e+00> : vector<2048x1xf32>
    %dot_general3A_46 = tpu.matmul %add3A_42, %get3A_45, %dot_general3A {dimension_numbers = #tpu.dot_dimension_numbers<[1], [0], [0], [1], [0, 0, 1, 1], [], []>, transpose_lhs_hint = false} : vector<2048x64xf32>, vector<64x1xf32>, vector<2048x1xf32> -> vector<2048x1xf32>
    %get3A_47 = arith.constant 0 : index
    %get3A_48 = arith.constant 0 : index
    %get3A_49 = vector.load %arg6[%get3A_47, %get3A_48] : memref<1x1xf32, #tpu.memory_space<vmem>>, vector<1x1xf32>
    %add3A_50 = vector.broadcast %get3A_49 : vector<1x1xf32> to vector<2048x1xf32>
    %add3A_51 = arith.addf %dot_general3A_46, %add3A_50 : vector<2048x1xf32>
    %iota3A_52 = tpu.iota {dimensions = array<i32: 1>} : vector<2048x128xi32>
    %get3A_53 = arith.constant 0 : index
    %get3A_54 = arith.constant 0 : index
    %get3A_55 = vector.load %arg7[%get3A_53, %get3A_54] : memref<2048x1xi32, #tpu.memory_space<vmem>>, vector<2048x1xi32>
    %eq3A_56 = vector.broadcast %get3A_55 : vector<2048x1xi32> to vector<2048x128xi32>
    %eq3A_57 = arith.cmpi eq, %eq3A_56, %iota3A_52 : vector<2048x128xi32>
    %convert_element_type3A = arith.extui %eq3A_57 : vector<2048x128xi1> to vector<2048x128xi32>
    %convert_element_type3A_58 = arith.sitofp %convert_element_type3A : vector<2048x128xi32> to vector<2048x128xf32>
    %dot_general3A_59 = arith.constant dense<0.000000e+00> : vector<128x1xf32>
    %dot_general3A_60 = tpu.matmul %convert_element_type3A_58, %add3A_51, %dot_general3A_59 {dimension_numbers = #tpu.dot_dimension_numbers<[0], [0], [1], [1], [0, 1, 1, 1], [], []>, transpose_lhs_hint = false} : vector<2048x128xf32>, vector<2048x1xf32>, vector<128x1xf32> -> vector<128x1xf32>
    %broadcast_in_dim3A_61 = arith.constant 1.000000e+00 : f32
    %broadcast_in_dim3A_62 = vector.broadcast %broadcast_in_dim3A_61 : f32 to vector<2048x1xf32>
    %dot_general3A_63 = arith.constant dense<0.000000e+00> : vector<128x1xf32>
    %dot_general3A_64 = tpu.matmul %convert_element_type3A_58, %broadcast_in_dim3A_62, %dot_general3A_63 {dimension_numbers = #tpu.dot_dimension_numbers<[0], [0], [1], [1], [0, 1, 1, 1], [], []>, transpose_lhs_hint = false} : vector<2048x128xf32>, vector<2048x1xf32>, vector<128x1xf32> -> vector<128x1xf32>
    %concatenate3A = tpu.concatenate %dot_general3A_60, %dot_general3A_64 in 1 : vector<128x1xf32>, vector<128x1xf32> -> vector<128x2xf32>
    %eq3A_65 = arith.constant 0 : i32
    %eq3A_66 = arith.cmpi eq, %arg0, %eq3A_65 : i32
    %convert_element_type3A_67 = arith.extui %eq3A_66 : i1 to i32
    %cond3A = arith.constant 0 : i32
    %cond3A_68 = arith.cmpi ne, %convert_element_type3A_67, %cond3A : i32
    scf.if %cond3A_68 {
      %swap3A = arith.constant 0 : index
      %swap3A_78 = arith.constant 0 : index
      %swap3A_79 = vector.load %arg9[%swap3A, %swap3A_78] : memref<128x2xf32, #tpu.memory_space<vmem>>, vector<128x2xf32>
      tpu.vector_store %arg9[%swap3A, %swap3A_78], %concatenate3A {strides = array<i32>} : memref<128x2xf32, #tpu.memory_space<vmem>>, vector<128x2xf32>,
    } else {
    }
    %gt3A = arith.constant 0 : i32
    %gt3A_69 = arith.cmpi sgt, %arg0, %gt3A : i32
    %convert_element_type3A_70 = arith.extui %gt3A_69 : i1 to i32
    %cond3A_71 = arith.constant 0 : i32
    %cond3A_72 = arith.cmpi ne, %convert_element_type3A_70, %cond3A_71 : i32
    scf.if %cond3A_72 {
      %get3A_78 = arith.constant 0 : index
      %get3A_79 = arith.constant 0 : index
      %get3A_80 = vector.load %arg9[%get3A_78, %get3A_79] : memref<128x2xf32, #tpu.memory_space<vmem>>, vector<128x2xf32>
      %add3A_81 = arith.addf %get3A_80, %concatenate3A : vector<128x2xf32>
      %swap3A = arith.constant 0 : index
      %swap3A_82 = arith.constant 0 : index
      %swap3A_83 = vector.load %arg9[%swap3A, %swap3A_82] : memref<128x2xf32, #tpu.memory_space<vmem>>, vector<128x2xf32>
      tpu.vector_store %arg9[%swap3A, %swap3A_82], %add3A_81 {strides = array<i32>} : memref<128x2xf32, #tpu.memory_space<vmem>>, vector<128x2xf32>,
    } else {
    }
    %eq3A_73 = arith.constant 24 : i32
    %eq3A_74 = arith.cmpi eq, %arg0, %eq3A_73 : i32
    %convert_element_type3A_75 = arith.extui %eq3A_74 : i1 to i32
    %cond3A_76 = arith.constant 0 : i32
    %cond3A_77 = arith.cmpi ne, %convert_element_type3A_75, %cond3A_76 : i32
    scf.if %cond3A_77 {
      %get3A_78 = arith.constant 0 : index
      %get3A_79 = arith.constant 0 : index
      %get3A_80 = vector.load %arg9[%get3A_78, %get3A_79] : memref<128x2xf32, #tpu.memory_space<vmem>>, vector<128x1xf32>
      %get3A_81 = arith.constant 0 : index
      %get3A_82 = arith.constant 1 : index
      %get3A_83 = vector.load %arg9[%get3A_81, %get3A_82] : memref<128x2xf32, #tpu.memory_space<vmem>>, vector<128x1xf32>
      %max3A_84 = arith.constant 1.000000e+00 : f32
      %max3A_85 = vector.broadcast %max3A_84 : f32 to vector<128x1xf32>
      %max3A_86 = arith.maximumf %get3A_83, %max3A_85 : vector<128x1xf32>
      %div3A_87 = arith.divf %get3A_80, %max3A_86 : vector<128x1xf32>
      %swap3A = arith.constant 0 : index
      %swap3A_88 = arith.constant 0 : index
      %swap3A_89 = vector.load %arg8[%swap3A, %swap3A_88] : memref<128x1xf32, #tpu.memory_space<vmem>>, vector<128x1xf32>
      tpu.vector_store %arg8[%swap3A, %swap3A_88], %div3A_87 {strides = array<i32>} : memref<128x1xf32, #tpu.memory_space<vmem>>, vector<128x1xf32>,
    } else {
    }
    return
  }
  func.func @transform_0(%arg0: i32) -> (i32, i32) {
    %c0_i32 = arith.constant 0 : i32
    %c0_i32_0 = arith.constant 0 : i32
    return %arg0, %c0_i32 : i32, i32
  }
  func.func @transform_1(%arg0: i32) -> (i32, i32) {
    %c0_i32 = arith.constant 0 : i32
    %c0_i32_0 = arith.constant 0 : i32
    %c0_i32_1 = arith.constant 0 : i32
    return %c0_i32, %c0_i32_0 : i32, i32
  }
  func.func @transform_2(%arg0: i32) -> (i32, i32) {
    %c0_i32 = arith.constant 0 : i32
    %c0_i32_0 = arith.constant 0 : i32
    %c0_i32_1 = arith.constant 0 : i32
    return %c0_i32, %c0_i32_0 : i32, i32
  }
  func.func @transform_3(%arg0: i32) -> (i32, i32) {
    %c0_i32 = arith.constant 0 : i32
    %c0_i32_0 = arith.constant 0 : i32
    %c0_i32_1 = arith.constant 0 : i32
    return %c0_i32, %c0_i32_0 : i32, i32
  }
  func.func @transform_4(%arg0: i32) -> (i32, i32) {
    %c0_i32 = arith.constant 0 : i32
    %c0_i32_0 = arith.constant 0 : i32
    %c0_i32_1 = arith.constant 0 : i32
    return %c0_i32, %c0_i32_0 : i32, i32
  }
  func.func @transform_5(%arg0: i32) -> (i32, i32) {
    %c0_i32 = arith.constant 0 : i32
    %c0_i32_0 = arith.constant 0 : i32
    %c0_i32_1 = arith.constant 0 : i32
    return %c0_i32, %c0_i32_0 : i32, i32
  }
  func.func @transform_6(%arg0: i32) -> (i32, i32) {
    %c0_i32 = arith.constant 0 : i32
    %c0_i32_0 = arith.constant 0 : i32
    return %arg0, %c0_i32 : i32, i32
  }
  func.func @transform_7(%arg0: i32) -> (i32, i32) {
    %c0_i32 = arith.constant 0 : i32
    %c0_i32_0 = arith.constant 0 : i32
    %c0_i32_1 = arith.constant 0 : i32
    return %c0_i32, %c0_i32_0 : i32, i32
  }
}

</mosaic_0001>

<sc_bundles>
// kernel: kernel.13.cloned.1.call-start
scs
__scs_entry_jumppad:
0x0: {  	(pc) =	sbr.rel $0x88, $3  }
0x1: {  	(tag) =	ssettag $0x0;
	lr =	simm.s32 $0x1  }
0x2: {  	[smem:$0x3F8C] =	sst lr;
	_ =	strace $0xD0000000  }
0x3: {  	_ = 	snop  }
0x4: {  	_ = 	snop  }
0x5: {  	_ = 	snop  }
0x6: {  	_ = 	snop  }
0x7: {  	_ = 	snop  }
__scs_overlays_trampoline_lowered:
0x8: {  	[smem:$0x3F9B] =	sst s0  }
0x9: {  	[smem:$0x3F9C] =	sst s1  }
0xa: {  	[smem:$0x3F9D] =	sst s2  }
0xb: {  	[smem:$0x3F9E] =	sst s3  }
0xc: {  	[smem:$0x3F9F] =	sst s4  }
0xd: {  	[smem:$0x3FA0] =	sst s5  }
0xe: {  	[smem:$0x3FA1] =	sst s6  }
0xf: {  	[smem:$0x3FA2] =	sst s7  }
0x10: {  	[smem:$0x3FA3] =	sst s8  }
0x11: {  	[smem:$0x3FA4] =	sst s9;
	s0 =	simm.s32 @!p0 $0x0  }
0x12: {  	s1 =	sld [smem:$0x3F8A];
	s0 =	simm.s32 @p0 $0x1  }
0x13: {  	[smem:$0x3FA5] =	sst s0;
	s0 =	simm.s32 @!p1 $0x0  }
0x14: {  	s2 =	sld [smem:$0x3F89];
	s0 =	simm.s32 @p1 $0x1  }
0x15: {  	[smem:$0x3FA6] =	sst s0;
	s0 =	simm.s32 @!p2 $0x0  }
0x16: {  	s3 =	sld [smem:$0x3FDB];
	s0 =	simm.s32 @p2 $0x1  }
0x17: {  	s4 =	simm.s32 $0x1BF5;
	[smem:$0x3FA8] =	sst s0  }
0x18: {  	s0 =	sld [smem:$0x3F8B];
	_ =	swait.ge [sflag:s4], $0x0  }
0x19: {  	s7 =	sld [smem:$0x3F8C]  }
0x1a: {  	s8 =	sadd.s32 $0xFFFFE003, lr  }
0x1b: {  	s9 =	sadd.s32 $0xFFFFFEF7, lr;
	s5 =	simm.s32 $0xFFFFFFFF;
	p2 =	slt.u32 s8, $0xFFFFF086  }
0x1c: {  	p1 =	slt.u32 s9, $0xF7A;
	s5 =	simm.s32 @!p2 $0x0  }
0x1d: {  	s5 =	simm.s32 @p1 $0x1;
	p0 =	seq.s32 s7, s2  }
0x1e: {  	s7 =	smul.u32 @!p0 $0xF7A, s2;
	p2 =	seq.s32 @!p0 s5, $0x0  }
0x1f: {  	s9 =	smul.u32 $0xF7A, s1;
	s8 =	simm.s32 @!p0 $0x1BF5;
	p2 =	por !p2, p0  }
0x20: {  	[sflag:s8] =	ssyncset.s32 @!p0 $0xFFFFF086;
	s6 =	sadd.s32 @!p0 s3, s7;
	s7 =	simm.s32 @!p0 $0x108  }
0x21: {  	s3 =	sadd.s32 s3, s9;
	s6 =	sadd.s32 @!p0 $0x88, s6;
	s7 =	simm.s32 @p2 $0x1082  }
0x22: {  	[simem:s7], [sflag:s8] =	dma.local @!p0 [hbm:s6], $0xF7A  }
0x23: {  	s9 =	sor.u32 $0xD0000000, s2;
	s6 =	simm.s32 $0x108;
	_ =	swait.ge @!p0 [sflag:s8], $0x0  }
0x24: {  	s3 =	sadd.s32 $0x88, s3;
	s6 =	simm.s32 @!p1 $0x1082;
	[sflag:s4] =	ssyncset.s32 $0xFFFFF086  }
0x25: {  	[simem:s6], [sflag:s4] =	dma.local [hbm:s3], $0xF7A  }
0x26: {  	[smem:$0x3F8C] =	sst s1;
	(tag) =	ssettag s2;
	_ =	strace s9  }
0x27: {  	s1 =	sld [smem:$0x3F9C]  }
0x28: {  	s2 =	sld [smem:$0x3F9D]  }
0x29: {  	s4 =	sld [smem:$0x3F9F]  }
0x2a: {  	p0 =	seq.s32 s5, $0x0;
	s5 =	sld [smem:$0x3FA0]  }
0x2b: {  	s6 =	sld [smem:$0x3FA1]  }
0x2c: {  	s7 =	sld [smem:$0x3FA2]  }
0x2d: {  	s3 =	simm.s32 $0x108;
	s8 =	sld [smem:$0x3FA3]  }
0x2e: {  	s3 =	simm.s32 @!p0 $0x1082;
	s9 =	sld [smem:$0x3FA4]  }
0x2f: {  	lr =	sadd.s32 s0, s3;
	s0 =	sld [smem:$0x3F9B]  }
0x30: {  	s3 =	sld [smem:$0x3F9E]  }
0x31: {  	[smem:$0x3FA7] =	sst s10  }
0x32: {  	s10 =	sld [smem:$0x3FA5];
	_ =	sdelay $0x3  }
0x33: {  	p0 =	seq.s32 s10, $0x1;
	s10 =	sld [smem:$0x3FA7];
	_ =	sdelay $0x3  }
0x34: {  	[smem:$0x3FA7] =	sst s10  }
0x35: {  	s10 =	sld [smem:$0x3FA6];
	_ =	sdelay $0x3  }
0x36: {  	p1 =	seq.s32 s10, $0x1;
	s10 =	sld [smem:$0x3FA7];
	_ =	sdelay $0x3  }
0x37: {  	[smem:$0x3FA7] =	sst s10  }
0x38: {  	s10 =	sld [smem:$0x3FA8]  }
0x39: {  	_ = 	snop;
	(pc) =	sbr.ind lr, $3  }
0x3a: {  	_ = 	snop  }
0x3b: {  	_ = 	snop  }
0x3c: {  	p2 =	seq.s32 s10, $0x1;
	s10 =	sld [smem:$0x3FA7]  }
0x3d: {  	_ =	shalt  }
0x3e: {  	_ =	shalt  }
0x3f: {  	_ =	shalt  }
0x40: {  	_ =	shalt  }
0x41: {  	_ =	shalt  }
0x42: {  	_ =	shalt  }
0x43: {  	_ =	shalt  }
0x44: {  	_ =	shalt  }
0x45: {  	_ =	shalt  }
0x46: {  	_ =	shalt  }
0x47: {  	_ =	shalt  }
0x48: {  	_ =	shalt  }
0x49: {  	_ =	shalt  }
0x4a: {  	_ =	shalt  }
0x4b: {  	_ =	shalt  }
0x4c: {  	_ =	shalt  }
0x4d: {  	_ =	shalt  }
0x4e: {  	_ =	shalt  }
0x4f: {  	_ =	shalt  }
0x50: {  	_ =	shalt  }
0x51: {  	_ =	shalt  }
0x52: {  	_ =	shalt  }
0x53: {  	_ =	shalt  }
0x54: {  	_ =	shalt  }
0x55: {  	_ =	shalt  }
0x56: {  	_ =	shalt  }
0x57: {  	_ =	shalt  }
0x58: {  	_ =	shalt  }
0x59: {  	_ =	shalt  }
0x5a: {  	_ =	shalt  }
0x5b: {  	_ =	shalt  }
0x5c: {  	_ =	shalt  }
0x5d: {  	_ =	shalt  }
0x5e: {  	_ =	shalt  }
0x5f: {  	_ =	shalt  }
0x60: {  	_ =	shalt  }
0x61: {  	_ =	shalt  }
0x62: {  	_ =	shalt  }
0x63: {  	_ =	shalt  }
0x64: {  	_ =	shalt  }
0x65: {  	_ =	shalt  }
0x66: {  	_ =	shalt  }
0x67: {  	_ =	shalt  }
0x68: {  	_ =	shalt  }
0x69: {  	_ =	shalt  }
0x6a: {  	_ =	shalt  }
0x6b: {  	_ =	shalt  }
0x6c: {  	_ =	shalt  }
0x6d: {  	_ =	shalt  }
0x6e: {  	_ =	shalt  }
0x6f: {  	_ =	shalt  }
0x70: {  	_ =	shalt  }
0x71: {  	_ =	shalt  }
0x72: {  	_ =	shalt  }
0x73: {  	_ =	shalt  }
0x74: {  	_ =	shalt  }
0x75: {  	_ =	shalt  }
0x76: {  	_ =	shalt  }
0x77: {  	_ =	shalt  }
0x78: {  	_ =	shalt  }
0x79: {  	_ =	shalt  }
0x7a: {  	_ =	shalt  }
0x7b: {  	_ =	shalt  }
0x7c: {  	_ =	shalt  }
0x7d: {  	_ =	shalt  }
0x7e: {  	_ =	shalt  }
0x7f: {  	_ =	shalt  }
0x80: {  	_ =	shalt  }
0x81: {  	_ =	shalt  }
0x82: {  	_ =	shalt  }
0x83: {  	_ =	shalt  }
0x84: {  	_ =	shalt  }
0x85: {  	_ =	shalt  }
0x86: {  	_ =	shalt  }
0x87: {  	_ =	shalt  }
.Lfunc_end0:
.L_simem_size_0:
called_computation_lowered:
.L_overlay_start_0:
0x88: {  	s2 =	sld [smem:$0x3FD9]  }
0x89: {  	s3 =	sld [smem:$0x3FFE];
	_ =	sdelay $0x1  }
0x8a: {  	s1 =	srdreg.scid  }
0x8b: {  	s0 =	sand.u32 $0x1, s1  }
0x8c: {  	s16 =	sshll.u32 s0, $0xA;
	s2 =	sadd.s32 s3, s2  }
0x8d: {  	s2 =	sadd.s32 s2, s16  }
0x8e: {  	[smem:$0x3FB3] =	sst s2  }
0x8f: {  	_ = 	snop  }
0x90: {  	(tm) =	ssettm $0x1  }
0x91: {  	s17 =	sld [smem:$0x3FFB];
	_ =	sdelay $0x3  }
0x92: {  	_ =	strace s17  }
0x93: {  	s2 =	sld [smem:$0x3FFC];
	_ =	sdelay $0x3  }
0x94: {  	_ =	strace s2  }
0x95: {  	s2 =	sld [smem:$0x3FFD];
	_ =	sdelay $0x3  }
0x96: {  	_ =	strace s2  }
0x97: {  	_ =	strace $0x8FFFFFFF  }
0x98: {  	s18 =	sld [smem:$0x3FDB];
	_ =	sdelay $0x1  }
0x99: {  	s19 =	simm.s32 $_scs_section_size  }
0x9a: {  	s4 =	simm.s32 $_size__tile_overlayer_lowered;
	s5 =	simm.s32 $_tile_overlayer_lowered  }
0x9b: {  	s22 =	simm.s32 $0x1BFF;
	s21 =	sshll.u32 s5, $0x1;
	s2 =	sadd.s32 s19, s18  }
0x9c: {  	s6 =	simm.s32 $0x0;
	s20 =	sshll.u32 s4, $0x1;
	s4 =	sadd.s32 s21, s2  }
0x9d: {  	[timem:s6], [sflag:s22] =	dma.local [hbm:s4], s20  }
0x9e: {  	_ =	swait.ge [sflag:s22], s20  }
0x9f: {  	s3 =	ssub.s32 $0x0, s20;
	[sflag:s22] =	ssyncset.done $0x0  }
0xa0: {  	[sflag:s22] =	ssyncadd.s32 s3;
	_ =	sdelay $0x1  }
0xa1: {  	s23 =	simm.s32 $0x1B8B  }
0xa2: {  	_ =	swait.ge [sflag:s23], $0x1  }
0xa3: {  	[sflag:s23] =	ssyncset.done $0x0  }
0xa4: {  	s25 =	simm.s32 $0x1B8E;
	s24 =	sld [smem:$0x3FFE];
	[sflag:s23] =	ssyncadd.s32 $0xFFFFFFFF  }
0xa5: {  	s26 =	simm.s32 $execute0_lowered;
	[smem:$0x3FD2] =	sst s25  }
0xa6: {  	s4 =	sshll.u32 s26, $0x1;
	_ =	strace $0x80000046;
	[dreg:$0x1] =	wrdreg $0xFFFFFFFF  }
0xa7: {  	s28 =	simm.s32 $_size_execute0_lowered;
	s2 =	sadd.s32 s2, s4;
	[dreg:$0x0] =	wrdreg $0x0  }
0xa8: {  	s4 =	sshll.u32 s28, $0x1;
	[dreg:$0x2] =	wrdreg s2  }
0xa9: {  	[dreg:$0x3] =	wrdreg s4  }
0xaa: {  	[dreg:$0x4] =	wrdreg $0xC0  }
0xab: {  	_ =	task [dreg:s6], $0x5FFFF  }
0xac: {  	[dreg:$0x1] =	wrdreg $0xFFFFFFFF  }
0xad: {  	[dreg:$0x0] =	wrdreg $0x60  }
0xae: {  	[dreg:$0x2] =	wrdreg s24  }
0xaf: {  	[dreg:$0x3] =	wrdreg $0x64800  }
0xb0: {  	[dreg:$0x4] =	wrdreg $0x9  }
0xb1: {  	_ =	task.clear_ibuf [dreg:s6], $0x5FFFF;
	_ =	strace $0x90000046  }
0xb2: {  	s29 =	simm.s32 $0x9;
	_ =	strace $0x80000048  }
0xb3: {  	_ =	swait.ge [sflag:s29], $0x1  }
0xb4: {  	[sflag:s29] =	ssyncadd.s32 $0xFFFFFFFF  }
0xb5: {  	_ =	strace $0x90000048  }
0xb6: {  	_ =	sfence  }
0xb7: {  	s30 =	sld [smem:$0x0];
	_ =	sdelay $0x2  }
0xb8: {  	s31 =	sshll.u32 s1, $0xD;
	s1 =	sshrl.u32 s1, $0x2  }
0xb9: {  	s3 =	sand.u32 $0x4000, s31;
	s1 =	sadd.s32 s1, s30  }
0xba: {  	s0 =	sor.u32 s3, s0;
	s1 =	sshll.u32 s1, $0x11  }
0xbb: {  	s0 =	sor.u32 s1, s0  }
0xbc: {  	s0 =	sadd.s32 $0x8F2B, s0  }
0xbd: {  	[sflag:s0] =	ssyncadd.remote.s32 $0x1  }
0xbe: {  	_ =	sfence.sel $0xFFFF  }
0xbf: {  	[dreg:$0x0] =	wrdreg $0xFFFFFFFF;
	(pc) =	sbr.abs _section_cstart, $3  }
0xc0: {  	[dreg:$0x1] =	wrdreg $0xFFFFFFFF  }
0xc1: {  	_ =	task.clear_ibuf [dreg:s6], $0x2FFFF;
	_ =	strace $0x9FFFFFFF  }
0xc2: {  	(tm) =	ssettm $0x7FFFFFFF  }
0xc3: {  	_ =	shalt  }
tec
execute0_lowered:
.L_overlay_start_1:
0x0: {  	(tag) =	ssettag $0x1  }
0x1: {  	s5 =	rddreg [dreg:$0x0]  }
0x2: {  	s0 =	srdreg.scid;
	s2 =	rddreg [dreg:$0x1]  }
0x3: {  	s1 =	stileid.u32;
	s3 =	simm.s32 $0x0;
	s11 =	simm.s32 $0x80  }
0x4: {  	s12 =	simm.s32 $0x6400;
	s4 =	sand.u32 $0x1, s0;
	s0 =	rddreg [dreg:$0x2]  }
0x5: {  	s13 =	simm.s32 $0x0;
	s7 =	smul.u32 $0xC80, s1;
	[smem:$0x7FF] =	sst s3  }
0x6: {  	s31 =	sshll.u32 s1, $0x6;
	s6 =	sshll.u32 s4, $0x4;
	s8 =	smul.u32 $0xC800, s4  }
0x7: {  	_ =	strace $0x80000047;
	s9 =	ssub.s32 $0x2, s4;
	s6 =	sor.u32 s1, s6  }
0x8: {  	s4 =	sadd.s32 $0x22600, s5;
	s6 =	smul.u32 $0xC80, s6;
	s8 =	sadd.s32 s7, s8  }
0x9: {  	s30 =	sshrl.u32 s9, $0x1;
	s10 =	sadd.s32 s7, s2;
	s8 =	sshrl.u32 s8, $0x3  }
0xa: {  	s9 =	ssub.s32 s9, s30;
	s6 =	sadd.s32 s6, s5;
	s8 =	sadd.s32 s8, s5  }
0xb: {  	s5 =	sor.u32 $0x1C01, s31;
	s6 =	sadd.s32 $0x9600, s6;
	s7 =	sadd.s32 $0x22800, s8  }
0xc: {  	v0 =	vimm.f32 $1.000000000e+00;
	s8 =	smax.u32 s9, $0x1;
	s9 =	sshrl.u32 s10, $0x3;
	s10 =	simm.s32 $0x1  }
.LBB2_1:
0xd: {  	[spmem:s9], [sflag:s5] =	dma.local [hbm:s4], $0x190  }
0xe: {  	_ =	swait.ge [sflag:s10], $0x190  }
0xf: {  	[sflag:s10] =	ssyncset.done $0x0  }
0x10: {  	[sflag:s10] =	ssyncadd.s32 $0xFFFFFE70  }
0x11: {  	[tilespmem:$0x6400] =	vst v0  }
0x12: {  	[tilespmem:$0x6410] =	vst v0  }
0x13: {  	[tilespmem:$0x6420] =	vst v0  }
0x14: {  	[tilespmem:$0x6430] =	vst v0  }
0x15: {  	[tilespmem:$0x6440] =	vst v0  }
0x16: {  	[tilespmem:$0x6450] =	vst v0  }
0x17: {  	[tilespmem:$0x6460] =	vst v0  }
0x18: {  	[tilespmem:$0x6470] =	vst v0  }
0x19: {  	[tilespmem:s3], [sflag:$0x1] =	stream.linear.gather [hbm4b:s6+s3], $0x6400, $0x38;
	[tilespmem:$0x7100] =	vst v63  }
0x1a: {  	_ =	swait.ge [sflag:s10], $0x6400  }
0x1b: {  	[sflag:s10] =	ssyncset.done $0x0  }
0x1c: {  	[sflag:s10] =	ssyncadd.s32 $0xFFFF9C00  }
0x1d: {  	s14 =	simm.s32 $0x0;
	[bflag:$0x0] =	sbarrier.arrive $0xFFFF  }
0x1e: {  	[spmem:s2] =	stream.indirect.scatter.add.f32 [tilespmem:s12], [sflag:$0x1], $0x1, s14, s11, $0xb8;
	[tilespmem:$0x7100] =	vst v63  }
0x1f: {  	_ =	swait.ge [sflag:s10], $0x80  }
0x20: {  	s14 =	simm.s32 $0x200;
	[sflag:s10] =	ssyncset.done $0x0  }
.LBB2_2:
0x21: {  	s15 =	sshra.s32 s14, $0x2;
	[sflag:s10] =	ssyncadd.s32 $0xFFFFFF80;
	p0 =	sne.s32 s14, $0x18E00  }
0x22: {  	[spmem:s2] =	stream.indirect.scatter.add.f32 [tilespmem:s12], [sflag:$0x1], $0x1, s15, s11, $0xb8;
	[tilespmem:$0x7100] =	vst v63  }
.Ltmp0:
0x23: {  	_ = 	snop;
	(pc) =	sbr.rel @p0 .LBB2_2-.Ltmp0, $4  }
0x24: {  	_ = 	snop  }
0x25: {  	s14 =	sadd.s32 $0x200, s14  }
0x26: {  	_ =	swait.ge [sflag:s10], $0x80  }
0x27: {  	[sflag:s10] =	ssyncset.done $0x0  }
0x28: {  	s13 =	sadd.s32 $0x1, s13  }
0x29: {  	[sflag:s10] =	ssyncadd.s32 $0xFFFFFF80;
	p0 =	sne.s32 s13, s8  }
.Ltmp1:
0x2a: {  	[bflag:$0x0] =	sbarrier.arrive $0xFFFF;
	(pc) =	sbr.rel @p0 .LBB2_1-.Ltmp1, $4  }
0x2b: {  	[hbm:s7], [sflag:s5] =	dma.local [spmem:s9], $0x190  }
0x2c: {  	_ =	swait.ge [sflag:s10], $0x190  }
0x2d: {  	[sflag:s10] =	ssyncset.done $0x0  }
0x2e: {  	[sflag:s10] =	ssyncadd.s32 $0xFFFFFE70  }
0x2f: {  	_ =	sfence.sel $0x180000  }
0x30: {  	[bflag:$0x0] =	sbarrier.arrive $0xFFFF  }
0x31: {  	p0 =	sne.s32 s1, $0x0;
	_ =	strace $0x90000047  }
0x32: {  	s0 =	sadd.s32 @!p0 $0x100000, s0;
	[bflag:$0x2] =	sbarrier.arrive $0xFFFF  }
0x33: {  	[sflag:s0] =	ssyncadd.tile.s32 @!p0 $0x1;
	_ =	shalt  }
.Lfunc_end2:
_tile_overlayer_lowered:
.L_overlay_start_2:
0x34: {  	(tag) =	ssettag $0x2  }
0x35: {  	s0 =	rddreg [dreg:$0x0];
	s2 =	stileid.u32  }
0x36: {  	s1 =	rddreg [dreg:$0x1];
	p0 =	sne.s32 s2, $0x0  }
0x37: {  	s3 =	rddreg [dreg:$0x2];
	[bflag:$0x3] =	sbarrier.arrive $0xFFFF;
	s2 =	simm.s32 @!p0 $0x1C01  }
0x38: {  	[timem:s3], [sflag:s2] =	dma.local @!p0 [hbm:s0], s1  }
0x39: {  	s0 =	simm.s32 @!p0 $0x1  }
0x3a: {  	_ =	swait.ge @!p0 [sflag:s0], s1  }
0x3b: {  	s1 =	ssub.s32 @!p0 $0x0, s1;
	[sflag:s0] =	ssyncset.done @!p0 $0x0  }
0x3c: {  	[sflag:s0] =	ssyncadd.s32 @!p0 s1  }
0x3d: {  	[bflag:$0x3] =	sbarrier.arrive $0xFFFF  }
0x3e: {  	_ =	shalt  }

// kernel: kernel.16.cloned.1.call-start
scs
__scs_entry_jumppad:
0x0: {  	(pc) =	sbr.rel $0x88, $3  }
0x1: {  	(tag) =	ssettag $0x0;
	lr =	simm.s32 $0x1  }
0x2: {  	[smem:$0x3F8C] =	sst lr;
	_ =	strace $0xD0000000  }
0x3: {  	_ = 	snop  }
0x4: {  	_ = 	snop  }
0x5: {  	_ = 	snop  }
0x6: {  	_ = 	snop  }
0x7: {  	_ = 	snop  }
__scs_overlays_trampoline_lowered:
0x8: {  	[smem:$0x3F9B] =	sst s0  }
0x9: {  	[smem:$0x3F9C] =	sst s1  }
0xa: {  	[smem:$0x3F9D] =	sst s2  }
0xb: {  	[smem:$0x3F9E] =	sst s3  }
0xc: {  	[smem:$0x3F9F] =	sst s4  }
0xd: {  	[smem:$0x3FA0] =	sst s5  }
0xe: {  	[smem:$0x3FA1] =	sst s6  }
0xf: {  	[smem:$0x3FA2] =	sst s7  }
0x10: {  	[smem:$0x3FA3] =	sst s8  }
0x11: {  	[smem:$0x3FA4] =	sst s9;
	s0 =	simm.s32 @!p0 $0x0  }
0x12: {  	s1 =	sld [smem:$0x3F8A];
	s0 =	simm.s32 @p0 $0x1  }
0x13: {  	[smem:$0x3FA5] =	sst s0;
	s0 =	simm.s32 @!p1 $0x0  }
0x14: {  	s2 =	sld [smem:$0x3F89];
	s0 =	simm.s32 @p1 $0x1  }
0x15: {  	[smem:$0x3FA6] =	sst s0;
	s0 =	simm.s32 @!p2 $0x0  }
0x16: {  	s3 =	sld [smem:$0x3FDB];
	s0 =	simm.s32 @p2 $0x1  }
0x17: {  	s4 =	simm.s32 $0x1BF5;
	[smem:$0x3FA8] =	sst s0  }
0x18: {  	s0 =	sld [smem:$0x3F8B];
	_ =	swait.ge [sflag:s4], $0x0  }
0x19: {  	s7 =	sld [smem:$0x3F8C]  }
0x1a: {  	s8 =	sadd.s32 $0xFFFFE003, lr  }
0x1b: {  	s9 =	sadd.s32 $0xFFFFFEF7, lr;
	s5 =	simm.s32 $0xFFFFFFFF;
	p2 =	slt.u32 s8, $0xFFFFF086  }
0x1c: {  	p1 =	slt.u32 s9, $0xF7A;
	s5 =	simm.s32 @!p2 $0x0  }
0x1d: {  	s5 =	simm.s32 @p1 $0x1;
	p0 =	seq.s32 s7, s2  }
0x1e: {  	s7 =	smul.u32 @!p0 $0xF7A, s2;
	p2 =	seq.s32 @!p0 s5, $0x0  }
0x1f: {  	s9 =	smul.u32 $0xF7A, s1;
	s8 =	simm.s32 @!p0 $0x1BF5;
	p2 =	por !p2, p0  }
0x20: {  	[sflag:s8] =	ssyncset.s32 @!p0 $0xFFFFF086;
	s6 =	sadd.s32 @!p0 s3, s7;
	s7 =	simm.s32 @!p0 $0x108  }
0x21: {  	s3 =	sadd.s32 s3, s9;
	s6 =	sadd.s32 @!p0 $0x88, s6;
	s7 =	simm.s32 @p2 $0x1082  }
0x22: {  	[simem:s7], [sflag:s8] =	dma.local @!p0 [hbm:s6], $0xF7A  }
0x23: {  	s9 =	sor.u32 $0xD0000000, s2;
	s6 =	simm.s32 $0x108;
	_ =	swait.ge @!p0 [sflag:s8], $0x0  }
0x24: {  	s3 =	sadd.s32 $0x88, s3;
	s6 =	simm.s32 @!p1 $0x1082;
	[sflag:s4] =	ssyncset.s32 $0xFFFFF086  }
0x25: {  	[simem:s6], [sflag:s4] =	dma.local [hbm:s3], $0xF7A  }
0x26: {  	[smem:$0x3F8C] =	sst s1;
	(tag) =	ssettag s2;
	_ =	strace s9  }
0x27: {  	s1 =	sld [smem:$0x3F9C]  }
0x28: {  	s2 =	sld [smem:$0x3F9D]  }
0x29: {  	s4 =	sld [smem:$0x3F9F]  }
0x2a: {  	p0 =	seq.s32 s5, $0x0;
	s5 =	sld [smem:$0x3FA0]  }
0x2b: {  	s6 =	sld [smem:$0x3FA1]  }
0x2c: {  	s7 =	sld [smem:$0x3FA2]  }
0x2d: {  	s3 =	simm.s32 $0x108;
	s8 =	sld [smem:$0x3FA3]  }
0x2e: {  	s3 =	simm.s32 @!p0 $0x1082;
	s9 =	sld [smem:$0x3FA4]  }
0x2f: {  	lr =	sadd.s32 s0, s3;
	s0 =	sld [smem:$0x3F9B]  }
0x30: {  	s3 =	sld [smem:$0x3F9E]  }
0x31: {  	[smem:$0x3FA7] =	sst s10  }
0x32: {  	s10 =	sld [smem:$0x3FA5];
	_ =	sdelay $0x3  }
0x33: {  	p0 =	seq.s32 s10, $0x1;
	s10 =	sld [smem:$0x3FA7];
	_ =	sdelay $0x3  }
0x34: {  	[smem:$0x3FA7] =	sst s10  }
0x35: {  	s10 =	sld [smem:$0x3FA6];
	_ =	sdelay $0x3  }
0x36: {  	p1 =	seq.s32 s10, $0x1;
	s10 =	sld [smem:$0x3FA7];
	_ =	sdelay $0x3  }
0x37: {  	[smem:$0x3FA7] =	sst s10  }
0x38: {  	s10 =	sld [smem:$0x3FA8]  }
0x39: {  	_ = 	snop;
	(pc) =	sbr.ind lr, $3  }
0x3a: {  	_ = 	snop  }
0x3b: {  	_ = 	snop  }
0x3c: {  	p2 =	seq.s32 s10, $0x1;
	s10 =	sld [smem:$0x3FA7]  }
0x3d: {  	_ =	shalt  }
0x3e: {  	_ =	shalt  }
0x3f: {  	_ =	shalt  }
0x40: {  	_ =	shalt  }
0x41: {  	_ =	shalt  }
0x42: {  	_ =	shalt  }
0x43: {  	_ =	shalt  }
0x44: {  	_ =	shalt  }
0x45: {  	_ =	shalt  }
0x46: {  	_ =	shalt  }
0x47: {  	_ =	shalt  }
0x48: {  	_ =	shalt  }
0x49: {  	_ =	shalt  }
0x4a: {  	_ =	shalt  }
0x4b: {  	_ =	shalt  }
0x4c: {  	_ =	shalt  }
0x4d: {  	_ =	shalt  }
0x4e: {  	_ =	shalt  }
0x4f: {  	_ =	shalt  }
0x50: {  	_ =	shalt  }
0x51: {  	_ =	shalt  }
0x52: {  	_ =	shalt  }
0x53: {  	_ =	shalt  }
0x54: {  	_ =	shalt  }
0x55: {  	_ =	shalt  }
0x56: {  	_ =	shalt  }
0x57: {  	_ =	shalt  }
0x58: {  	_ =	shalt  }
0x59: {  	_ =	shalt  }
0x5a: {  	_ =	shalt  }
0x5b: {  	_ =	shalt  }
0x5c: {  	_ =	shalt  }
0x5d: {  	_ =	shalt  }
0x5e: {  	_ =	shalt  }
0x5f: {  	_ =	shalt  }
0x60: {  	_ =	shalt  }
0x61: {  	_ =	shalt  }
0x62: {  	_ =	shalt  }
0x63: {  	_ =	shalt  }
0x64: {  	_ =	shalt  }
0x65: {  	_ =	shalt  }
0x66: {  	_ =	shalt  }
0x67: {  	_ =	shalt  }
0x68: {  	_ =	shalt  }
0x69: {  	_ =	shalt  }
0x6a: {  	_ =	shalt  }
0x6b: {  	_ =	shalt  }
0x6c: {  	_ =	shalt  }
0x6d: {  	_ =	shalt  }
0x6e: {  	_ =	shalt  }
0x6f: {  	_ =	shalt  }
0x70: {  	_ =	shalt  }
0x71: {  	_ =	shalt  }
0x72: {  	_ =	shalt  }
0x73: {  	_ =	shalt  }
0x74: {  	_ =	shalt  }
0x75: {  	_ =	shalt  }
0x76: {  	_ =	shalt  }
0x77: {  	_ =	shalt  }
0x78: {  	_ =	shalt  }
0x79: {  	_ =	shalt  }
0x7a: {  	_ =	shalt  }
0x7b: {  	_ =	shalt  }
0x7c: {  	_ =	shalt  }
0x7d: {  	_ =	shalt  }
0x7e: {  	_ =	shalt  }
0x7f: {  	_ =	shalt  }
0x80: {  	_ =	shalt  }
0x81: {  	_ =	shalt  }
0x82: {  	_ =	shalt  }
0x83: {  	_ =	shalt  }
0x84: {  	_ =	shalt  }
0x85: {  	_ =	shalt  }
0x86: {  	_ =	shalt  }
0x87: {  	_ =	shalt  }
.Lfunc_end0:
.L_simem_size_0:
called_computation.1_lowered:
.L_overlay_start_0:
0x88: {  	s2 =	sld [smem:$0x3FD9]  }
0x89: {  	s3 =	sld [smem:$0x3FFE];
	_ =	sdelay $0x1  }
0x8a: {  	s1 =	srdreg.scid  }
0x8b: {  	s0 =	sand.u32 $0x1, s1  }
0x8c: {  	s16 =	sshll.u32 s0, $0xA;
	s2 =	sadd.s32 s3, s2  }
0x8d: {  	s2 =	sadd.s32 s2, s16  }
0x8e: {  	[smem:$0x3FB3] =	sst s2  }
0x8f: {  	_ = 	snop  }
0x90: {  	(tm) =	ssettm $0x1  }
0x91: {  	s17 =	sld [smem:$0x3FFB];
	_ =	sdelay $0x3  }
0x92: {  	_ =	strace s17  }
0x93: {  	s2 =	sld [smem:$0x3FFC];
	_ =	sdelay $0x3  }
0x94: {  	_ =	strace s2  }
0x95: {  	s2 =	sld [smem:$0x3FFD];
	_ =	sdelay $0x3  }
0x96: {  	_ =	strace s2  }
0x97: {  	_ =	strace $0x8FFFFFFF  }
0x98: {  	s18 =	sld [smem:$0x3FDB];
	_ =	sdelay $0x1  }
0x99: {  	s19 =	simm.s32 $_scs_section_size  }
0x9a: {  	s4 =	simm.s32 $_size__tile_overlayer_lowered;
	s5 =	simm.s32 $_tile_overlayer_lowered  }
0x9b: {  	s22 =	simm.s32 $0x1BFF;
	s21 =	sshll.u32 s5, $0x1;
	s2 =	sadd.s32 s19, s18  }
0x9c: {  	s6 =	simm.s32 $0x0;
	s20 =	sshll.u32 s4, $0x1;
	s4 =	sadd.s32 s21, s2  }
0x9d: {  	[timem:s6], [sflag:s22] =	dma.local [hbm:s4], s20  }
0x9e: {  	_ =	swait.ge [sflag:s22], s20  }
0x9f: {  	s3 =	ssub.s32 $0x0, s20;
	[sflag:s22] =	ssyncset.done $0x0  }
0xa0: {  	[sflag:s22] =	ssyncadd.s32 s3;
	_ =	sdelay $0x1  }
0xa1: {  	s23 =	simm.s32 $0x1B8B  }
0xa2: {  	_ =	swait.ge [sflag:s23], $0x1  }
0xa3: {  	[sflag:s23] =	ssyncset.done $0x0  }
0xa4: {  	s25 =	simm.s32 $0x1B8E;
	s24 =	sld [smem:$0x3FFE];
	[sflag:s23] =	ssyncadd.s32 $0xFFFFFFFF  }
0xa5: {  	s26 =	simm.s32 $execute0_lowered;
	[smem:$0x3FD2] =	sst s25  }
0xa6: {  	s4 =	sshll.u32 s26, $0x1;
	_ =	strace $0x80000049;
	[dreg:$0x1] =	wrdreg $0xFFFFFFFF  }
0xa7: {  	s28 =	simm.s32 $_size_execute0_lowered;
	s2 =	sadd.s32 s2, s4;
	[dreg:$0x0] =	wrdreg $0x0  }
0xa8: {  	s4 =	sshll.u32 s28, $0x1;
	[dreg:$0x2] =	wrdreg s2  }
0xa9: {  	[dreg:$0x3] =	wrdreg s4  }
0xaa: {  	[dreg:$0x4] =	wrdreg $0xC0  }
0xab: {  	_ =	task [dreg:s6], $0x5FFFF  }
0xac: {  	[dreg:$0x1] =	wrdreg $0xFFFFFFFF  }
0xad: {  	[dreg:$0x0] =	wrdreg $0x60  }
0xae: {  	[dreg:$0x2] =	wrdreg s24  }
0xaf: {  	[dreg:$0x3] =	wrdreg $0xD8000  }
0xb0: {  	[dreg:$0x4] =	wrdreg $0x9  }
0xb1: {  	_ =	task.clear_ibuf [dreg:s6], $0x5FFFF;
	_ =	strace $0x90000049  }
0xb2: {  	s29 =	simm.s32 $0x9;
	_ =	strace $0x8000004B  }
0xb3: {  	_ =	swait.ge [sflag:s29], $0x1  }
0xb4: {  	[sflag:s29] =	ssyncadd.s32 $0xFFFFFFFF  }
0xb5: {  	_ =	strace $0x9000004B  }
0xb6: {  	_ =	sfence  }
0xb7: {  	s30 =	sld [smem:$0x0];
	_ =	sdelay $0x2  }
0xb8: {  	s31 =	sshll.u32 s1, $0xD;
	s1 =	sshrl.u32 s1, $0x2  }
0xb9: {  	s3 =	sand.u32 $0x4000, s31;
	s1 =	sadd.s32 s1, s30  }
0xba: {  	s0 =	sor.u32 s3, s0;
	s1 =	sshll.u32 s1, $0x11  }
0xbb: {  	s0 =	sor.u32 s1, s0  }
0xbc: {  	s0 =	sadd.s32 $0x8F2B, s0  }
0xbd: {  	[sflag:s0] =	ssyncadd.remote.s32 $0x1  }
0xbe: {  	_ =	sfence.sel $0xFFFF  }
0xbf: {  	[dreg:$0x0] =	wrdreg $0xFFFFFFFF;
	(pc) =	sbr.abs _section_cstart, $3  }
0xc0: {  	[dreg:$0x1] =	wrdreg $0xFFFFFFFF  }
0xc1: {  	_ =	task.clear_ibuf [dreg:s6], $0x2FFFF;
	_ =	strace $0x9FFFFFFF  }
0xc2: {  	(tm) =	ssettm $0x7FFFFFFF  }
0xc3: {  	_ =	shalt  }
tec
execute0_lowered:
.L_overlay_start_1:
0x0: {  	(tag) =	ssettag $0x1  }
0x1: {  	s0 =	srdreg.scid;
	s7 =	rddreg [dreg:$0x0]  }
0x2: {  	s2 =	rddreg [dreg:$0x1];
	s3 =	simm.s32 $0x0;
	s14 =	simm.s32 $0x80  }
0x3: {  	s15 =	simm.s32 $0xC800;
	s16 =	simm.s32 $0x1;
	s6 =	sand.u32 $0x1, s0  }
0x4: {  	s19 =	simm.s32 $0x0;
	s0 =	stileid.u32;
	s8 =	smul.u32 $0xC8000, s6  }
0x5: {  	[smem:$0x7FF] =	sst s3;
	s5 =	sadd.s32 $0x3B600, s7;
	s10 =	smul.u32 $0xC800, s0  }
0x6: {  	s1 =	sshll.u32 s6, $0x4;
	s11 =	smul.u32 $0x32000, s0;
	s6 =	ssub.s32 $0x2, s6  }
0x7: {  	s17 =	sshll.u32 s0, $0x6;
	s4 =	sor.u32 s0, s1;
	s1 =	rddreg [dreg:$0x2]  }
0x8: {  	_ =	strace $0x8000004A;
	s12 =	sshrl.u32 s6, $0x1;
	s17 =	sor.u32 $0x1C02, s17  }
0x9: {  	s4 =	smul.u32 $0xC80, s4;
	s8 =	sadd.s32 s10, s8;
	s11 =	sshrl.u32 s11, $0x2  }
0xa: {  	s12 =	ssub.s32 s6, s12;
	s18 =	sadd.s32 s10, s2;
	s8 =	sshrl.u32 s8, $0x3  }
0xb: {  	s6 =	sadd.s32 s11, s2;
	s10 =	smax.u32 s12, $0x1;
	s11 =	simm.s32 $0xD000  }
0xc: {  	s12 =	simm.s32 $0x2;
	s18 =	sshrl.u32 s18, $0x3;
	s9 =	sadd.s32 s4, s7  }
0xd: {  	s4 =	sadd.s32 $0x22600, s7;
	s13 =	sadd.s32 s8, s7;
	s7 =	sadd.s32 $0xEDA00, s9  }
0xe: {  	s8 =	sadd.s32 $0x9600, s9;
	s9 =	sadd.s32 $0x3B800, s13;
	s13 =	simm.s32 $0x6400  }
.LBB2_1:
0xf: {  	[tilespmem:s11], [sflag:$0x2] =	stream.linear.gather [hbm4b:s5+s3], $0x800, $0x38;
	[tilespmem:$0x1A000] =	vst v63  }
0x10: {  	_ =	swait.ge [sflag:s12], $0x800  }
0x11: {  	[sflag:s12] =	ssyncset.done $0x0  }
0x12: {  	s20 =	sadd.s32 $0x0, s6;
	[sflag:s12] =	ssyncadd.s32 $0xFFFFF800  }
0x13: {  	[spmem:s20] =	stream.linear.scatter [tilespmem:s11], [sflag:$0x2], $0x800, $0x38;
	[tilespmem:$0x1A000] =	vst v63  }
0x14: {  	s20 =	simm.s32 $0x2000;
	_ =	swait.ge [sflag:s12], $0x800  }
.LBB2_2:
0x15: {  	s21 =	sshra.s32 s20, $0x2;
	[sflag:s12] =	ssyncset.done $0x0;
	p0 =	sne.s32 s20, $0x30000  }
.Ltmp0:
0x16: {  	s21 =	sadd.s32 s21, s6;
	[sflag:s12] =	ssyncadd.s32 $0xFFFFF800;
	(pc) =	sbr.rel @p0 .LBB2_2-.Ltmp0, $3  }
0x17: {  	[spmem:s21] =	stream.linear.scatter [tilespmem:s11], [sflag:$0x2], $0x800, $0x38;
	[tilespmem:$0x1A000] =	vst v63  }
0x18: {  	s20 =	sadd.s32 $0x2000, s20;
	_ =	sdelay $0x1  }
0x19: {  	_ =	swait.ge [sflag:s12], $0x800  }
0x1a: {  	[sflag:s12] =	ssyncset.done $0x0  }
0x1b: {  	s20 =	simm.s32 $0x0;
	[sflag:s12] =	ssyncadd.s32 $0xFFFFF800  }
0x1c: {  	[tilespmem:s20], [sflag:$0x2] =	stream.linear.gather [hbm4b:s7+s20], $0x6400, $0x38;
	[tilespmem:$0x1A000] =	vst v63  }
0x1d: {  	_ =	swait.ge [sflag:s12], $0x6400  }
0x1e: {  	[sflag:s12] =	ssyncset.done $0x0  }
0x1f: {  	[sflag:s12] =	ssyncadd.s32 $0xFFFF9C00  }
0x20: {  	[tilespmem:s13], [sflag:$0x2] =	stream.linear.gather [hbm4b:s8+s20], $0x6400, $0x38;
	[tilespmem:$0x1A000] =	vst v63  }
0x21: {  	_ =	swait.ge [sflag:s12], $0x6400  }
0x22: {  	[sflag:s12] =	ssyncset.done $0x0  }
0x23: {  	[sflag:s12] =	ssyncadd.s32 $0xFFFF9C00  }
0x24: {  	s30 =	simm.s32 $0x0;
	[bflag:$0x0] =	sbarrier.arrive $0xFFFF  }
0x25: {  	[tilespmem:s15], [sflag:$0x1] =	stream.indirect.gather [hbm4b:s4+s14], $0x10, s30, s14, $0xb8;
	[tilespmem:$0x1A000] =	vst v63  }
0x26: {  	_ =	swait.ge [sflag:s16], $0x800  }
0x27: {  	[sflag:s16] =	ssyncset.done $0x0  }
0x28: {  	s31 =	simm.s32 $0x6400;
	[sflag:s16] =	ssyncadd.s32 $0xFFFFF800  }
0x29: {  	[spmem:s2] =	stream.indirect.scatter.add.f32 [tilespmem:s15], [sflag:$0x2], $0x10, s31, s14, $0xb8;
	[tilespmem:$0x1A000] =	vst v63  }
0x2a: {  	_ =	swait.ge [sflag:s12], $0x800  }
0x2b: {  	s21 =	simm.s32 $0x400;
	s20 =	simm.s32 $0x200;
	[sflag:s12] =	ssyncset.done $0x0  }
.LBB2_4:
0x2c: {  	s22 =	sshra.s32 s20, $0x2  }
0x2d: {  	[sflag:s12] =	ssyncadd.s32 $0xFFFFF800;
	s20 =	smov.u32 s21;
	s23 =	sadd.s32 $0x200, s21  }
0x2e: {  	[tilespmem:s15], [sflag:$0x1] =	stream.indirect.gather [hbm4b:s4+s14], $0x10, s22, s14, $0xb8;
	[tilespmem:$0x1A000] =	vst v63  }
0x2f: {  	p0 =	sne.s32 s21, $0x18E00;
	_ =	swait.ge [sflag:s16], $0x800  }
.Ltmp1:
0x30: {  	[sflag:s16] =	ssyncset.done $0x0;
	(pc) =	sbr.rel @p0 .LBB2_4-.Ltmp1, $4  }
0x31: {  	s21 =	sadd.s32 $0x6400, s22;
	[sflag:s16] =	ssyncadd.s32 $0xFFFFF800  }
0x32: {  	[spmem:s2] =	stream.indirect.scatter.add.f32 [tilespmem:s15], [sflag:$0x2], $0x10, s21, s14, $0xb8;
	[tilespmem:$0x1A000] =	vst v63  }
0x33: {  	_ =	swait.ge [sflag:s12], $0x800  }
0x34: {  	s21 =	smov.u32 s23;
	[sflag:s12] =	ssyncset.done $0x0  }
0x35: {  	s20 =	sshra.s32 s20, $0x2;
	[sflag:s12] =	ssyncadd.s32 $0xFFFFF800  }
0x36: {  	[tilespmem:s15], [sflag:$0x1] =	stream.indirect.gather [hbm4b:s4+s14], $0x10, s20, s14, $0xb8;
	[tilespmem:$0x1A000] =	vst v63  }
0x37: {  	_ =	swait.ge [sflag:s16], $0x800  }
0x38: {  	[sflag:s16] =	ssyncset.done $0x0  }
0x39: {  	s20 =	sadd.s32 $0x6400, s20;
	[sflag:s16] =	ssyncadd.s32 $0xFFFFF800  }
0x3a: {  	[spmem:s2] =	stream.indirect.scatter.add.f32 [tilespmem:s15], [sflag:$0x2], $0x10, s20, s14, $0xb8;
	[tilespmem:$0x1A000] =	vst v63  }
0x3b: {  	_ =	swait.ge [sflag:s12], $0x800  }
0x3c: {  	s19 =	sadd.s32 $0x1, s19;
	[sflag:s12] =	ssyncset.done $0x0  }
0x3d: {  	p0 =	sne.s32 s19, s10;
	[sflag:s12] =	ssyncadd.s32 $0xFFFFF800  }
.Ltmp2:
0x3e: {  	[bflag:$0x0] =	sbarrier.arrive $0xFFFF;
	(pc) =	sbr.rel @p0 .LBB2_1-.Ltmp2, $4  }
0x3f: {  	[hbm:s9], [sflag:s17] =	dma.local [spmem:s18], $0x1900  }
0x40: {  	_ =	swait.ge [sflag:s12], $0x1900  }
0x41: {  	[sflag:s12] =	ssyncset.done $0x0  }
0x42: {  	[sflag:s12] =	ssyncadd.s32 $0xFFFFE700  }
0x43: {  	_ =	sfence.sel $0x180000  }
0x44: {  	[bflag:$0x0] =	sbarrier.arrive $0xFFFF  }
0x45: {  	p0 =	sne.s32 s0, $0x0;
	_ =	strace $0x9000004A  }
0x46: {  	s0 =	sadd.s32 @!p0 $0x100000, s1;
	[bflag:$0x2] =	sbarrier.arrive $0xFFFF  }
0x47: {  	[sflag:s0] =	ssyncadd.tile.s32 @!p0 $0x1;
	_ =	shalt  }
.Lfunc_end2:
_tile_overlayer_lowered:
.L_overlay_start_2:
0x48: {  	(tag) =	ssettag $0x2  }
0x49: {  	s0 =	rddreg [dreg:$0x0];
	s2 =	stileid.u32  }
0x4a: {  	s1 =	rddreg [dreg:$0x1];
	p0 =	sne.s32 s2, $0x0  }
0x4b: {  	s3 =	rddreg [dreg:$0x2];
	[bflag:$0x3] =	sbarrier.arrive $0xFFFF;
	s2 =	simm.s32 @!p0 $0x1C02  }
0x4c: {  	[timem:s3], [sflag:s2] =	dma.local @!p0 [hbm:s0], s1  }
0x4d: {  	s0 =	simm.s32 @!p0 $0x2  }
0x4e: {  	_ =	swait.ge @!p0 [sflag:s0], s1  }
0x4f: {  	s1 =	ssub.s32 @!p0 $0x0, s1;
	[sflag:s0] =	ssyncset.done @!p0 $0x0  }
0x50: {  	[sflag:s0] =	ssyncadd.s32 @!p0 s1  }
0x51: {  	[bflag:$0x3] =	sbarrier.arrive $0xFFFF  }
0x52: {  	_ =	shalt  }

// kernel: kernel.19.cloned.1.call-start
scs
__scs_entry_jumppad:
0x0: {  	(pc) =	sbr.rel $0x88, $3  }
0x1: {  	(tag) =	ssettag $0x0;
	lr =	simm.s32 $0x1  }
0x2: {  	[smem:$0x3F8C] =	sst lr;
	_ =	strace $0xD0000000  }
0x3: {  	_ = 	snop  }
0x4: {  	_ = 	snop  }
0x5: {  	_ = 	snop  }
0x6: {  	_ = 	snop  }
0x7: {  	_ = 	snop  }
__scs_overlays_trampoline_lowered:
0x8: {  	[smem:$0x3F9B] =	sst s0  }
0x9: {  	[smem:$0x3F9C] =	sst s1  }
0xa: {  	[smem:$0x3F9D] =	sst s2  }
0xb: {  	[smem:$0x3F9E] =	sst s3  }
0xc: {  	[smem:$0x3F9F] =	sst s4  }
0xd: {  	[smem:$0x3FA0] =	sst s5  }
0xe: {  	[smem:$0x3FA1] =	sst s6  }
0xf: {  	[smem:$0x3FA2] =	sst s7  }
0x10: {  	[smem:$0x3FA3] =	sst s8  }
0x11: {  	[smem:$0x3FA4] =	sst s9;
	s0 =	simm.s32 @!p0 $0x0  }
0x12: {  	s1 =	sld [smem:$0x3F8A];
	s0 =	simm.s32 @p0 $0x1  }
0x13: {  	[smem:$0x3FA5] =	sst s0;
	s0 =	simm.s32 @!p1 $0x0  }
0x14: {  	s2 =	sld [smem:$0x3F89];
	s0 =	simm.s32 @p1 $0x1  }
0x15: {  	[smem:$0x3FA6] =	sst s0;
	s0 =	simm.s32 @!p2 $0x0  }
0x16: {  	s3 =	sld [smem:$0x3FDB];
	s0 =	simm.s32 @p2 $0x1  }
0x17: {  	s4 =	simm.s32 $0x1BF5;
	[smem:$0x3FA8] =	sst s0  }
0x18: {  	s0 =	sld [smem:$0x3F8B];
	_ =	swait.ge [sflag:s4], $0x0  }
0x19: {  	s7 =	sld [smem:$0x3F8C]  }
0x1a: {  	s8 =	sadd.s32 $0xFFFFE003, lr  }
0x1b: {  	s9 =	sadd.s32 $0xFFFFFEF7, lr;
	s5 =	simm.s32 $0xFFFFFFFF;
	p2 =	slt.u32 s8, $0xFFFFF086  }
0x1c: {  	p1 =	slt.u32 s9, $0xF7A;
	s5 =	simm.s32 @!p2 $0x0  }
0x1d: {  	s5 =	simm.s32 @p1 $0x1;
	p0 =	seq.s32 s7, s2  }
0x1e: {  	s7 =	smul.u32 @!p0 $0xF7A, s2;
	p2 =	seq.s32 @!p0 s5, $0x0  }
0x1f: {  	s9 =	smul.u32 $0xF7A, s1;
	s8 =	simm.s32 @!p0 $0x1BF5;
	p2 =	por !p2, p0  }
0x20: {  	[sflag:s8] =	ssyncset.s32 @!p0 $0xFFFFF086;
	s6 =	sadd.s32 @!p0 s3, s7;
	s7 =	simm.s32 @!p0 $0x108  }
0x21: {  	s3 =	sadd.s32 s3, s9;
	s6 =	sadd.s32 @!p0 $0x88, s6;
	s7 =	simm.s32 @p2 $0x1082  }
0x22: {  	[simem:s7], [sflag:s8] =	dma.local @!p0 [hbm:s6], $0xF7A  }
0x23: {  	s9 =	sor.u32 $0xD0000000, s2;
	s6 =	simm.s32 $0x108;
	_ =	swait.ge @!p0 [sflag:s8], $0x0  }
0x24: {  	s3 =	sadd.s32 $0x88, s3;
	s6 =	simm.s32 @!p1 $0x1082;
	[sflag:s4] =	ssyncset.s32 $0xFFFFF086  }
0x25: {  	[simem:s6], [sflag:s4] =	dma.local [hbm:s3], $0xF7A  }
0x26: {  	[smem:$0x3F8C] =	sst s1;
	(tag) =	ssettag s2;
	_ =	strace s9  }
0x27: {  	s1 =	sld [smem:$0x3F9C]  }
0x28: {  	s2 =	sld [smem:$0x3F9D]  }
0x29: {  	s4 =	sld [smem:$0x3F9F]  }
0x2a: {  	p0 =	seq.s32 s5, $0x0;
	s5 =	sld [smem:$0x3FA0]  }
0x2b: {  	s6 =	sld [smem:$0x3FA1]  }
0x2c: {  	s7 =	sld [smem:$0x3FA2]  }
0x2d: {  	s3 =	simm.s32 $0x108;
	s8 =	sld [smem:$0x3FA3]  }
0x2e: {  	s3 =	simm.s32 @!p0 $0x1082;
	s9 =	sld [smem:$0x3FA4]  }
0x2f: {  	lr =	sadd.s32 s0, s3;
	s0 =	sld [smem:$0x3F9B]  }
0x30: {  	s3 =	sld [smem:$0x3F9E]  }
0x31: {  	[smem:$0x3FA7] =	sst s10  }
0x32: {  	s10 =	sld [smem:$0x3FA5];
	_ =	sdelay $0x3  }
0x33: {  	p0 =	seq.s32 s10, $0x1;
	s10 =	sld [smem:$0x3FA7];
	_ =	sdelay $0x3  }
0x34: {  	[smem:$0x3FA7] =	sst s10  }
0x35: {  	s10 =	sld [smem:$0x3FA6];
	_ =	sdelay $0x3  }
0x36: {  	p1 =	seq.s32 s10, $0x1;
	s10 =	sld [smem:$0x3FA7];
	_ =	sdelay $0x3  }
0x37: {  	[smem:$0x3FA7] =	sst s10  }
0x38: {  	s10 =	sld [smem:$0x3FA8]  }
0x39: {  	_ = 	snop;
	(pc) =	sbr.ind lr, $3  }
0x3a: {  	_ = 	snop  }
0x3b: {  	_ = 	snop  }
0x3c: {  	p2 =	seq.s32 s10, $0x1;
	s10 =	sld [smem:$0x3FA7]  }
0x3d: {  	_ =	shalt  }
0x3e: {  	_ =	shalt  }
0x3f: {  	_ =	shalt  }
0x40: {  	_ =	shalt  }
0x41: {  	_ =	shalt  }
0x42: {  	_ =	shalt  }
0x43: {  	_ =	shalt  }
0x44: {  	_ =	shalt  }
0x45: {  	_ =	shalt  }
0x46: {  	_ =	shalt  }
0x47: {  	_ =	shalt  }
0x48: {  	_ =	shalt  }
0x49: {  	_ =	shalt  }
0x4a: {  	_ =	shalt  }
0x4b: {  	_ =	shalt  }
0x4c: {  	_ =	shalt  }
0x4d: {  	_ =	shalt  }
0x4e: {  	_ =	shalt  }
0x4f: {  	_ =	shalt  }
0x50: {  	_ =	shalt  }
0x51: {  	_ =	shalt  }
0x52: {  	_ =	shalt  }
0x53: {  	_ =	shalt  }
0x54: {  	_ =	shalt  }
0x55: {  	_ =	shalt  }
0x56: {  	_ =	shalt  }
0x57: {  	_ =	shalt  }
0x58: {  	_ =	shalt  }
0x59: {  	_ =	shalt  }
0x5a: {  	_ =	shalt  }
0x5b: {  	_ =	shalt  }
0x5c: {  	_ =	shalt  }
0x5d: {  	_ =	shalt  }
0x5e: {  	_ =	shalt  }
0x5f: {  	_ =	shalt  }
0x60: {  	_ =	shalt  }
0x61: {  	_ =	shalt  }
0x62: {  	_ =	shalt  }
0x63: {  	_ =	shalt  }
0x64: {  	_ =	shalt  }
0x65: {  	_ =	shalt  }
0x66: {  	_ =	shalt  }
0x67: {  	_ =	shalt  }
0x68: {  	_ =	shalt  }
0x69: {  	_ =	shalt  }
0x6a: {  	_ =	shalt  }
0x6b: {  	_ =	shalt  }
0x6c: {  	_ =	shalt  }
0x6d: {  	_ =	shalt  }
0x6e: {  	_ =	shalt  }
0x6f: {  	_ =	shalt  }
0x70: {  	_ =	shalt  }
0x71: {  	_ =	shalt  }
0x72: {  	_ =	shalt  }
0x73: {  	_ =	shalt  }
0x74: {  	_ =	shalt  }
0x75: {  	_ =	shalt  }
0x76: {  	_ =	shalt  }
0x77: {  	_ =	shalt  }
0x78: {  	_ =	shalt  }
0x79: {  	_ =	shalt  }
0x7a: {  	_ =	shalt  }
0x7b: {  	_ =	shalt  }
0x7c: {  	_ =	shalt  }
0x7d: {  	_ =	shalt  }
0x7e: {  	_ =	shalt  }
0x7f: {  	_ =	shalt  }
0x80: {  	_ =	shalt  }
0x81: {  	_ =	shalt  }
0x82: {  	_ =	shalt  }
0x83: {  	_ =	shalt  }
0x84: {  	_ =	shalt  }
0x85: {  	_ =	shalt  }
0x86: {  	_ =	shalt  }
0x87: {  	_ =	shalt  }
.Lfunc_end0:
.L_simem_size_0:
called_computation.2_lowered:
.L_overlay_start_0:
0x88: {  	s2 =	sld [smem:$0x3FD9]  }
0x89: {  	s3 =	sld [smem:$0x3FFE];
	_ =	sdelay $0x1  }
0x8a: {  	s1 =	srdreg.scid  }
0x8b: {  	s0 =	sand.u32 $0x1, s1  }
0x8c: {  	s17 =	sshll.u32 s0, $0xA;
	s2 =	sadd.s32 s3, s2  }
0x8d: {  	s2 =	sadd.s32 s2, s17  }
0x8e: {  	[smem:$0x3FB3] =	sst s2  }
0x8f: {  	_ = 	snop  }
0x90: {  	(tm) =	ssettm $0x1  }
0x91: {  	s18 =	sld [smem:$0x3FFB];
	_ =	sdelay $0x3  }
0x92: {  	_ =	strace s18  }
0x93: {  	s2 =	sld [smem:$0x3FFC];
	_ =	sdelay $0x3  }
0x94: {  	_ =	strace s2  }
0x95: {  	s2 =	sld [smem:$0x3FFD];
	_ =	sdelay $0x3  }
0x96: {  	_ =	strace s2  }
0x97: {  	_ =	strace $0x8FFFFFFF  }
0x98: {  	s19 =	sld [smem:$0x3FDB];
	_ =	sdelay $0x1  }
0x99: {  	s20 =	simm.s32 $_scs_section_size  }
0x9a: {  	s4 =	simm.s32 $_size__tile_overlayer_lowered;
	s5 =	simm.s32 $_tile_overlayer_lowered  }
0x9b: {  	s6 =	simm.s32 $0x1BFF;
	s21 =	sshll.u32 s5, $0x1;
	s3 =	sadd.s32 s20, s19  }
0x9c: {  	s22 =	simm.s32 $0x0;
	s4 =	sshll.u32 s4, $0x1;
	s5 =	sadd.s32 s21, s3  }
0x9d: {  	[timem:s22], [sflag:s6] =	dma.local [hbm:s5], s4  }
0x9e: {  	_ =	swait.ge [sflag:s6], s4  }
0x9f: {  	s4 =	ssub.s32 $0x0, s4;
	[sflag:s6] =	ssyncset.done $0x0  }
0xa0: {  	[sflag:s6] =	ssyncadd.s32 s4;
	_ =	sdelay $0x1  }
0xa1: {  	s23 =	simm.s32 $0x1B8B  }
0xa2: {  	_ =	swait.ge [sflag:s23], $0x1  }
0xa3: {  	[sflag:s23] =	ssyncset.done $0x0  }
0xa4: {  	[sflag:s23] =	ssyncadd.s32 $0xFFFFFFFF  }
0xa5: {  	s4 =	sld [smem:$0x0]  }
0xa6: {  	s5 =	sand.u32 $0xFFFFFFFE, s1  }
0xa7: {  	p0 =	sne.s32 s1, s5  }
0xa8: {  	s5 =	sshll.u32 @p0 s5, $0xE  }
0xa9: {  	s5 =	sadd.s32 @p0 $0x11B8D, s5;
	s6 =	sshll.u32 @p0 s4, $0x11  }
0xaa: {  	s5 =	sor.u32 @p0 s6, s5  }
0xab: {  	[sflag:s5] =	ssyncadd.remote.s32 @p0 $0x1;
	_ =	sdelay $0x1  }
0xac: {  	s5 =	simm.s32 @p0 $0x1B8D  }
0xad: {  	_ =	swait.eq @p0 [sflag:s5], $0x1  }
0xae: {  	[sflag:s5] =	ssyncadd.s32 @p0 $0xFFFFFFFF  }
0xaf: {  	s6 =	sshll.u32 @!p0 s1, $0xE  }
0xb0: {  	s6 =	sor.u32 @!p0 $0x4000, s6;
	s5 =	simm.s32 @!p0 $0x1B8D  }
0xb1: {  	s4 =	sshll.u32 @!p0 s4, $0x11;
	s6 =	sadd.s32 @!p0 $0x11B8D, s6;
	_ =	swait.eq @!p0 [sflag:s5], $0x1  }
0xb2: {  	s4 =	sor.u32 @!p0 s4, s6;
	[sflag:s5] =	ssyncadd.s32 @!p0 $0xFFFFFFFF  }
0xb3: {  	s25 =	simm.s32 $0x1B8E;
	s24 =	sld [smem:$0x3FFE];
	[sflag:s4] =	ssyncadd.remote.s32 @!p0 $0x1  }
0xb4: {  	s26 =	simm.s32 $execute0_lowered;
	[smem:$0x3FD2] =	sst s25  }
0xb5: {  	s5 =	sshll.u32 s26, $0x1;
	_ =	strace $0x80000055;
	[dreg:$0x1] =	wrdreg $0xFFFFFFFF  }
0xb6: {  	s28 =	simm.s32 $_size_execute0_lowered;
	s3 =	sadd.s32 s3, s5;
	[dreg:$0x0] =	wrdreg $0x0  }
0xb7: {  	s5 =	sshll.u32 s28, $0x1;
	[dreg:$0x2] =	wrdreg s3  }
0xb8: {  	[dreg:$0x3] =	wrdreg s5  }
0xb9: {  	[dreg:$0x4] =	wrdreg $0xC0  }
0xba: {  	_ =	task [dreg:s22], $0x5FFFF  }
0xbb: {  	[dreg:$0x1] =	wrdreg $0xFFFFFFFF  }
0xbc: {  	[dreg:$0x0] =	wrdreg $0x60  }
0xbd: {  	[dreg:$0x2] =	wrdreg s24  }
0xbe: {  	[dreg:$0x3] =	wrdreg $0xD8000  }
0xbf: {  	[dreg:$0x4] =	wrdreg $0x9  }
0xc0: {  	_ =	task.clear_ibuf [dreg:s22], $0x5FFFF;
	_ =	strace $0x90000055  }
0xc1: {  	s29 =	simm.s32 $0x9;
	_ =	strace $0x80000057  }
0xc2: {  	_ =	swait.ge [sflag:s29], $0x1  }
0xc3: {  	[sflag:s29] =	ssyncadd.s32 $0xFFFFFFFF  }
0xc4: {  	_ =	strace $0x90000057  }
0xc5: {  	_ =	sfence  }
0xc6: {  	s30 =	sld [smem:$0x0];
	_ =	sdelay $0x2  }
0xc7: {  	s31 =	sshll.u32 s1, $0xD;
	s1 =	sshrl.u32 s1, $0x2  }
0xc8: {  	s4 =	sand.u32 $0x4000, s31;
	s1 =	sadd.s32 s1, s30  }
0xc9: {  	s0 =	sor.u32 s4, s0;
	s1 =	sshll.u32 s1, $0x11  }
0xca: {  	s0 =	sor.u32 s1, s0  }
0xcb: {  	s0 =	sadd.s32 $0x8F2B, s0  }
0xcc: {  	[sflag:s0] =	ssyncadd.remote.s32 $0x1  }
0xcd: {  	_ =	sfence.sel $0xFFFF  }
0xce: {  	[dreg:$0x0] =	wrdreg $0xFFFFFFFF;
	(pc) =	sbr.abs _section_cstart, $3  }
0xcf: {  	[dreg:$0x1] =	wrdreg $0xFFFFFFFF  }
0xd0: {  	_ =	task.clear_ibuf [dreg:s22], $0x2FFFF;
	_ =	strace $0x9FFFFFFF  }
0xd1: {  	(tm) =	ssettm $0x7FFFFFFF  }
tec
execute0_lowered:
.L_overlay_start_1:
0x0: {  	(tag) =	ssettag $0x1  }
0x1: {  	s0 =	srdreg.scid;
	s7 =	rddreg [dreg:$0x0]  }
0x2: {  	s2 =	rddreg [dreg:$0x1];
	s3 =	simm.s32 $0x0;
	s14 =	simm.s32 $0x80  }
0x3: {  	s15 =	simm.s32 $0xC800;
	s16 =	simm.s32 $0x1;
	s6 =	sand.u32 $0x1, s0  }
0x4: {  	s19 =	simm.s32 $0x0;
	s0 =	stileid.u32;
	s8 =	smul.u32 $0xC8000, s6  }
0x5: {  	[smem:$0x7FF] =	sst s3;
	s5 =	sadd.s32 $0x3B600, s7;
	s10 =	smul.u32 $0xC800, s0  }
0x6: {  	s1 =	sshll.u32 s6, $0x4;
	s11 =	smul.u32 $0x32000, s0;
	s6 =	ssub.s32 $0x2, s6  }
0x7: {  	s17 =	sshll.u32 s0, $0x6;
	s4 =	sor.u32 s0, s1;
	s1 =	rddreg [dreg:$0x2]  }
0x8: {  	_ =	strace $0x80000056;
	s12 =	sshrl.u32 s6, $0x1;
	s17 =	sor.u32 $0x1C02, s17  }
0x9: {  	s4 =	smul.u32 $0xC80, s4;
	s8 =	sadd.s32 s10, s8;
	s11 =	sshrl.u32 s11, $0x2  }
0xa: {  	s12 =	ssub.s32 s6, s12;
	s18 =	sadd.s32 s10, s2;
	s8 =	sshrl.u32 s8, $0x3  }
0xb: {  	s6 =	sadd.s32 s11, s2;
	s10 =	smax.u32 s12, $0x1;
	s11 =	simm.s32 $0xD000  }
0xc: {  	s12 =	simm.s32 $0x2;
	s18 =	sshrl.u32 s18, $0x3;
	s9 =	sadd.s32 s4, s7  }
0xd: {  	s4 =	sadd.s32 $0xD1800, s7;
	s13 =	sadd.s32 s8, s7;
	s7 =	sadd.s32 $0xEDA00, s9  }
0xe: {  	s8 =	sadd.s32 $0x9600, s9;
	s9 =	sadd.s32 $0x138A00, s13;
	s13 =	simm.s32 $0x6400  }
.LBB2_1:
0xf: {  	[tilespmem:s11], [sflag:$0x2] =	stream.linear.gather [hbm4b:s5+s3], $0x800, $0x38;
	[tilespmem:$0x1A000] =	vst v63  }
0x10: {  	_ =	swait.ge [sflag:s12], $0x800  }
0x11: {  	[sflag:s12] =	ssyncset.done $0x0  }
0x12: {  	s20 =	sadd.s32 $0x0, s6;
	[sflag:s12] =	ssyncadd.s32 $0xFFFFF800  }
0x13: {  	[spmem:s20] =	stream.linear.scatter [tilespmem:s11], [sflag:$0x2], $0x800, $0x38;
	[tilespmem:$0x1A000] =	vst v63  }
0x14: {  	s20 =	simm.s32 $0x2000;
	_ =	swait.ge [sflag:s12], $0x800  }
.LBB2_2:
0x15: {  	s21 =	sshra.s32 s20, $0x2;
	[sflag:s12] =	ssyncset.done $0x0;
	p0 =	sne.s32 s20, $0x30000  }
.Ltmp0:
0x16: {  	s21 =	sadd.s32 s21, s6;
	[sflag:s12] =	ssyncadd.s32 $0xFFFFF800;
	(pc) =	sbr.rel @p0 .LBB2_2-.Ltmp0, $3  }
0x17: {  	[spmem:s21] =	stream.linear.scatter [tilespmem:s11], [sflag:$0x2], $0x800, $0x38;
	[tilespmem:$0x1A000] =	vst v63  }
0x18: {  	s20 =	sadd.s32 $0x2000, s20;
	_ =	sdelay $0x1  }
0x19: {  	_ =	swait.ge [sflag:s12], $0x800  }
0x1a: {  	[sflag:s12] =	ssyncset.done $0x0  }
0x1b: {  	s20 =	simm.s32 $0x0;
	[sflag:s12] =	ssyncadd.s32 $0xFFFFF800  }
0x1c: {  	[tilespmem:s20], [sflag:$0x2] =	stream.linear.gather [hbm4b:s7+s20], $0x6400, $0x38;
	[tilespmem:$0x1A000] =	vst v63  }
0x1d: {  	_ =	swait.ge [sflag:s12], $0x6400  }
0x1e: {  	[sflag:s12] =	ssyncset.done $0x0  }
0x1f: {  	[sflag:s12] =	ssyncadd.s32 $0xFFFF9C00  }
0x20: {  	[tilespmem:s13], [sflag:$0x2] =	stream.linear.gather [hbm4b:s8+s20], $0x6400, $0x38;
	[tilespmem:$0x1A000] =	vst v63  }
0x21: {  	_ =	swait.ge [sflag:s12], $0x6400  }
0x22: {  	[sflag:s12] =	ssyncset.done $0x0  }
0x23: {  	[sflag:s12] =	ssyncadd.s32 $0xFFFF9C00  }
0x24: {  	s30 =	simm.s32 $0x0;
	[bflag:$0x0] =	sbarrier.arrive $0xFFFF  }
0x25: {  	[tilespmem:s15], [sflag:$0x1] =	stream.indirect.gather [hbm4b:s4+s14], $0x10, s30, s14, $0xb8;
	[tilespmem:$0x1A000] =	vst v63  }
0x26: {  	_ =	swait.ge [sflag:s16], $0x800  }
0x27: {  	[sflag:s16] =	ssyncset.done $0x0  }
0x28: {  	s31 =	simm.s32 $0x6400;
	[sflag:s16] =	ssyncadd.s32 $0xFFFFF800  }
0x29: {  	[spmem:s2] =	stream.indirect.scatter.add.f32 [tilespmem:s15], [sflag:$0x2], $0x10, s31, s14, $0xb8;
	[tilespmem:$0x1A000] =	vst v63  }
0x2a: {  	_ =	swait.ge [sflag:s12], $0x800  }
0x2b: {  	s21 =	simm.s32 $0x400;
	s20 =	simm.s32 $0x200;
	[sflag:s12] =	ssyncset.done $0x0  }
.LBB2_4:
0x2c: {  	s22 =	sshra.s32 s20, $0x2  }
0x2d: {  	[sflag:s12] =	ssyncadd.s32 $0xFFFFF800;
	s20 =	smov.u32 s21;
	s23 =	sadd.s32 $0x200, s21  }
0x2e: {  	[tilespmem:s15], [sflag:$0x1] =	stream.indirect.gather [hbm4b:s4+s14], $0x10, s22, s14, $0xb8;
	[tilespmem:$0x1A000] =	vst v63  }
0x2f: {  	p0 =	sne.s32 s21, $0x18E00;
	_ =	swait.ge [sflag:s16], $0x800  }
.Ltmp1:
0x30: {  	[sflag:s16] =	ssyncset.done $0x0;
	(pc) =	sbr.rel @p0 .LBB2_4-.Ltmp1, $4  }
0x31: {  	s21 =	sadd.s32 $0x6400, s22;
	[sflag:s16] =	ssyncadd.s32 $0xFFFFF800  }
0x32: {  	[spmem:s2] =	stream.indirect.scatter.add.f32 [tilespmem:s15], [sflag:$0x2], $0x10, s21, s14, $0xb8;
	[tilespmem:$0x1A000] =	vst v63  }
0x33: {  	_ =	swait.ge [sflag:s12], $0x800  }
0x34: {  	s21 =	smov.u32 s23;
	[sflag:s12] =	ssyncset.done $0x0  }
0x35: {  	s20 =	sshra.s32 s20, $0x2;
	[sflag:s12] =	ssyncadd.s32 $0xFFFFF800  }
0x36: {  	[tilespmem:s15], [sflag:$0x1] =	stream.indirect.gather [hbm4b:s4+s14], $0x10, s20, s14, $0xb8;
	[tilespmem:$0x1A000] =	vst v63  }
0x37: {  	_ =	swait.ge [sflag:s16], $0x800  }
0x38: {  	[sflag:s16] =	ssyncset.done $0x0  }
0x39: {  	s20 =	sadd.s32 $0x6400, s20;
	[sflag:s16] =	ssyncadd.s32 $0xFFFFF800  }
0x3a: {  	[spmem:s2] =	stream.indirect.scatter.add.f32 [tilespmem:s15], [sflag:$0x2], $0x10, s20, s14, $0xb8;
	[tilespmem:$0x1A000] =	vst v63  }
0x3b: {  	_ =	swait.ge [sflag:s12], $0x800  }
0x3c: {  	s19 =	sadd.s32 $0x1, s19;
	[sflag:s12] =	ssyncset.done $0x0  }
0x3d: {  	p0 =	sne.s32 s19, s10;
	[sflag:s12] =	ssyncadd.s32 $0xFFFFF800  }
.Ltmp2:
0x3e: {  	[bflag:$0x0] =	sbarrier.arrive $0xFFFF;
	(pc) =	sbr.rel @p0 .LBB2_1-.Ltmp2, $4  }
0x3f: {  	[hbm:s9], [sflag:s17] =	dma.local [spmem:s18], $0x1900  }
0x40: {  	_ =	swait.ge [sflag:s12], $0x1900  }
0x41: {  	[sflag:s12] =	ssyncset.done $0x0  }
0x42: {  	[sflag:s12] =	ssyncadd.s32 $0xFFFFE700  }
0x43: {  	_ =	sfence.sel $0x180000  }
0x44: {  	[bflag:$0x0] =	sbarrier.arrive $0xFFFF  }
0x45: {  	p0 =	sne.s32 s0, $0x0;
	_ =	strace $0x90000056  }
0x46: {  	s0 =	sadd.s32 @!p0 $0x100000, s1;
	[bflag:$0x2] =	sbarrier.arrive $0xFFFF  }
0x47: {  	[sflag:s0] =	ssyncadd.tile.s32 @!p0 $0x1;
	_ =	shalt  }
.Lfunc_end2:
_tile_overlayer_lowered:
.L_overlay_start_2:
0x48: {  	(tag) =	ssettag $0x2  }
0x49: {  	s0 =	rddreg [dreg:$0x0];
	s2 =	stileid.u32  }
0x4a: {  	s1 =	rddreg [dreg:$0x1];
	p0 =	sne.s32 s2, $0x0  }
0x4b: {  	s3 =	rddreg [dreg:$0x2];
	[bflag:$0x3] =	sbarrier.arrive $0xFFFF;
	s2 =	simm.s32 @!p0 $0x1C02  }
0x4c: {  	[timem:s3], [sflag:s2] =	dma.local @!p0 [hbm:s0], s1  }
0x4d: {  	s0 =	simm.s32 @!p0 $0x2  }
0x4e: {  	_ =	swait.ge @!p0 [sflag:s0], s1  }
0x4f: {  	s1 =	ssub.s32 @!p0 $0x0, s1;
	[sflag:s0] =	ssyncset.done @!p0 $0x0  }
0x50: {  	[sflag:s0] =	ssyncadd.s32 @!p0 s1  }
0x51: {  	[bflag:$0x3] =	sbarrier.arrive $0xFFFF  }
0x52: {  	_ =	shalt  }

// kernel: kernel.22.cloned.1.call-start
scs
__scs_entry_jumppad:
0x0: {  	(pc) =	sbr.rel $0x88, $3  }
0x1: {  	(tag) =	ssettag $0x0;
	lr =	simm.s32 $0x1  }
0x2: {  	[smem:$0x3F8C] =	sst lr;
	_ =	strace $0xD0000000  }
0x3: {  	_ = 	snop  }
0x4: {  	_ = 	snop  }
0x5: {  	_ = 	snop  }
0x6: {  	_ = 	snop  }
0x7: {  	_ = 	snop  }
__scs_overlays_trampoline_lowered:
0x8: {  	[smem:$0x3F9B] =	sst s0  }
0x9: {  	[smem:$0x3F9C] =	sst s1  }
0xa: {  	[smem:$0x3F9D] =	sst s2  }
0xb: {  	[smem:$0x3F9E] =	sst s3  }
0xc: {  	[smem:$0x3F9F] =	sst s4  }
0xd: {  	[smem:$0x3FA0] =	sst s5  }
0xe: {  	[smem:$0x3FA1] =	sst s6  }
0xf: {  	[smem:$0x3FA2] =	sst s7  }
0x10: {  	[smem:$0x3FA3] =	sst s8  }
0x11: {  	[smem:$0x3FA4] =	sst s9;
	s0 =	simm.s32 @!p0 $0x0  }
0x12: {  	s1 =	sld [smem:$0x3F8A];
	s0 =	simm.s32 @p0 $0x1  }
0x13: {  	[smem:$0x3FA5] =	sst s0;
	s0 =	simm.s32 @!p1 $0x0  }
0x14: {  	s2 =	sld [smem:$0x3F89];
	s0 =	simm.s32 @p1 $0x1  }
0x15: {  	[smem:$0x3FA6] =	sst s0;
	s0 =	simm.s32 @!p2 $0x0  }
0x16: {  	s3 =	sld [smem:$0x3FDB];
	s0 =	simm.s32 @p2 $0x1  }
0x17: {  	s4 =	simm.s32 $0x1BF5;
	[smem:$0x3FA8] =	sst s0  }
0x18: {  	s0 =	sld [smem:$0x3F8B];
	_ =	swait.ge [sflag:s4], $0x0  }
0x19: {  	s7 =	sld [smem:$0x3F8C]  }
0x1a: {  	s8 =	sadd.s32 $0xFFFFE003, lr  }
0x1b: {  	s9 =	sadd.s32 $0xFFFFFEF7, lr;
	s5 =	simm.s32 $0xFFFFFFFF;
	p2 =	slt.u32 s8, $0xFFFFF086  }
0x1c: {  	p1 =	slt.u32 s9, $0xF7A;
	s5 =	simm.s32 @!p2 $0x0  }
0x1d: {  	s5 =	simm.s32 @p1 $0x1;
	p0 =	seq.s32 s7, s2  }
0x1e: {  	s7 =	smul.u32 @!p0 $0xF7A, s2;
	p2 =	seq.s32 @!p0 s5, $0x0  }
0x1f: {  	s9 =	smul.u32 $0xF7A, s1;
	s8 =	simm.s32 @!p0 $0x1BF5;
	p2 =	por !p2, p0  }
0x20: {  	[sflag:s8] =	ssyncset.s32 @!p0 $0xFFFFF086;
	s6 =	sadd.s32 @!p0 s3, s7;
	s7 =	simm.s32 @!p0 $0x108  }
0x21: {  	s3 =	sadd.s32 s3, s9;
	s6 =	sadd.s32 @!p0 $0x88, s6;
	s7 =	simm.s32 @p2 $0x1082  }
0x22: {  	[simem:s7], [sflag:s8] =	dma.local @!p0 [hbm:s6], $0xF7A  }
0x23: {  	s9 =	sor.u32 $0xD0000000, s2;
	s6 =	simm.s32 $0x108;
	_ =	swait.ge @!p0 [sflag:s8], $0x0  }
0x24: {  	s3 =	sadd.s32 $0x88, s3;
	s6 =	simm.s32 @!p1 $0x1082;
	[sflag:s4] =	ssyncset.s32 $0xFFFFF086  }
0x25: {  	[simem:s6], [sflag:s4] =	dma.local [hbm:s3], $0xF7A  }
0x26: {  	[smem:$0x3F8C] =	sst s1;
	(tag) =	ssettag s2;
	_ =	strace s9  }
0x27: {  	s1 =	sld [smem:$0x3F9C]  }
0x28: {  	s2 =	sld [smem:$0x3F9D]  }
0x29: {  	s4 =	sld [smem:$0x3F9F]  }
0x2a: {  	p0 =	seq.s32 s5, $0x0;
	s5 =	sld [smem:$0x3FA0]  }
0x2b: {  	s6 =	sld [smem:$0x3FA1]  }
0x2c: {  	s7 =	sld [smem:$0x3FA2]  }
0x2d: {  	s3 =	simm.s32 $0x108;
	s8 =	sld [smem:$0x3FA3]  }
0x2e: {  	s3 =	simm.s32 @!p0 $0x1082;
	s9 =	sld [smem:$0x3FA4]  }
0x2f: {  	lr =	sadd.s32 s0, s3;
	s0 =	sld [smem:$0x3F9B]  }
0x30: {  	s3 =	sld [smem:$0x3F9E]  }
0x31: {  	[smem:$0x3FA7] =	sst s10  }
0x32: {  	s10 =	sld [smem:$0x3FA5];
	_ =	sdelay $0x3  }
0x33: {  	p0 =	seq.s32 s10, $0x1;
	s10 =	sld [smem:$0x3FA7];
	_ =	sdelay $0x3  }
0x34: {  	[smem:$0x3FA7] =	sst s10  }
0x35: {  	s10 =	sld [smem:$0x3FA6];
	_ =	sdelay $0x3  }
0x36: {  	p1 =	seq.s32 s10, $0x1;
	s10 =	sld [smem:$0x3FA7];
	_ =	sdelay $0x3  }
0x37: {  	[smem:$0x3FA7] =	sst s10  }
0x38: {  	s10 =	sld [smem:$0x3FA8]  }
0x39: {  	_ = 	snop;
	(pc) =	sbr.ind lr, $3  }
0x3a: {  	_ = 	snop  }
0x3b: {  	_ = 	snop  }
0x3c: {  	p2 =	seq.s32 s10, $0x1;
	s10 =	sld [smem:$0x3FA7]  }
0x3d: {  	_ =	shalt  }
0x3e: {  	_ =	shalt  }
0x3f: {  	_ =	shalt  }
0x40: {  	_ =	shalt  }
0x41: {  	_ =	shalt  }
0x42: {  	_ =	shalt  }
0x43: {  	_ =	shalt  }
0x44: {  	_ =	shalt  }
0x45: {  	_ =	shalt  }
0x46: {  	_ =	shalt  }
0x47: {  	_ =	shalt  }
0x48: {  	_ =	shalt  }
0x49: {  	_ =	shalt  }
0x4a: {  	_ =	shalt  }
0x4b: {  	_ =	shalt  }
0x4c: {  	_ =	shalt  }
0x4d: {  	_ =	shalt  }
0x4e: {  	_ =	shalt  }
0x4f: {  	_ =	shalt  }
0x50: {  	_ =	shalt  }
0x51: {  	_ =	shalt  }
0x52: {  	_ =	shalt  }
0x53: {  	_ =	shalt  }
0x54: {  	_ =	shalt  }
0x55: {  	_ =	shalt  }
0x56: {  	_ =	shalt  }
0x57: {  	_ =	shalt  }
0x58: {  	_ =	shalt  }
0x59: {  	_ =	shalt  }
0x5a: {  	_ =	shalt  }
0x5b: {  	_ =	shalt  }
0x5c: {  	_ =	shalt  }
0x5d: {  	_ =	shalt  }
0x5e: {  	_ =	shalt  }
0x5f: {  	_ =	shalt  }
0x60: {  	_ =	shalt  }
0x61: {  	_ =	shalt  }
0x62: {  	_ =	shalt  }
0x63: {  	_ =	shalt  }
0x64: {  	_ =	shalt  }
0x65: {  	_ =	shalt  }
0x66: {  	_ =	shalt  }
0x67: {  	_ =	shalt  }
0x68: {  	_ =	shalt  }
0x69: {  	_ =	shalt  }
0x6a: {  	_ =	shalt  }
0x6b: {  	_ =	shalt  }
0x6c: {  	_ =	shalt  }
0x6d: {  	_ =	shalt  }
0x6e: {  	_ =	shalt  }
0x6f: {  	_ =	shalt  }
0x70: {  	_ =	shalt  }
0x71: {  	_ =	shalt  }
0x72: {  	_ =	shalt  }
0x73: {  	_ =	shalt  }
0x74: {  	_ =	shalt  }
0x75: {  	_ =	shalt  }
0x76: {  	_ =	shalt  }
0x77: {  	_ =	shalt  }
0x78: {  	_ =	shalt  }
0x79: {  	_ =	shalt  }
0x7a: {  	_ =	shalt  }
0x7b: {  	_ =	shalt  }
0x7c: {  	_ =	shalt  }
0x7d: {  	_ =	shalt  }
0x7e: {  	_ =	shalt  }
0x7f: {  	_ =	shalt  }
0x80: {  	_ =	shalt  }
0x81: {  	_ =	shalt  }
0x82: {  	_ =	shalt  }
0x83: {  	_ =	shalt  }
0x84: {  	_ =	shalt  }
0x85: {  	_ =	shalt  }
0x86: {  	_ =	shalt  }
0x87: {  	_ =	shalt  }
.Lfunc_end0:
.L_simem_size_0:
called_computation.3_lowered:
.L_overlay_start_0:
0x88: {  	s2 =	sld [smem:$0x3FD9]  }
0x89: {  	s3 =	sld [smem:$0x3FFE];
	_ =	sdelay $0x1  }
0x8a: {  	s1 =	srdreg.scid  }
0x8b: {  	s0 =	sand.u32 $0x1, s1  }
0x8c: {  	s17 =	sshll.u32 s0, $0xA;
	s2 =	sadd.s32 s3, s2  }
0x8d: {  	s2 =	sadd.s32 s2, s17  }
0x8e: {  	[smem:$0x3FB3] =	sst s2  }
0x8f: {  	_ = 	snop  }
0x90: {  	(tm) =	ssettm $0x1  }
0x91: {  	s18 =	sld [smem:$0x3FFB];
	_ =	sdelay $0x3  }
0x92: {  	_ =	strace s18  }
0x93: {  	s2 =	sld [smem:$0x3FFC];
	_ =	sdelay $0x3  }
0x94: {  	_ =	strace s2  }
0x95: {  	s2 =	sld [smem:$0x3FFD];
	_ =	sdelay $0x3  }
0x96: {  	_ =	strace s2  }
0x97: {  	_ =	strace $0x8FFFFFFF  }
0x98: {  	s19 =	sld [smem:$0x3FDB];
	_ =	sdelay $0x1  }
0x99: {  	s20 =	simm.s32 $_scs_section_size  }
0x9a: {  	s4 =	simm.s32 $_size__tile_overlayer_lowered;
	s5 =	simm.s32 $_tile_overlayer_lowered  }
0x9b: {  	s6 =	simm.s32 $0x1BFF;
	s21 =	sshll.u32 s5, $0x1;
	s3 =	sadd.s32 s20, s19  }
0x9c: {  	s22 =	simm.s32 $0x0;
	s4 =	sshll.u32 s4, $0x1;
	s5 =	sadd.s32 s21, s3  }
0x9d: {  	[timem:s22], [sflag:s6] =	dma.local [hbm:s5], s4  }
0x9e: {  	_ =	swait.ge [sflag:s6], s4  }
0x9f: {  	s4 =	ssub.s32 $0x0, s4;
	[sflag:s6] =	ssyncset.done $0x0  }
0xa0: {  	[sflag:s6] =	ssyncadd.s32 s4;
	_ =	sdelay $0x1  }
0xa1: {  	s23 =	simm.s32 $0x1B8B  }
0xa2: {  	_ =	swait.ge [sflag:s23], $0x1  }
0xa3: {  	[sflag:s23] =	ssyncset.done $0x0  }
0xa4: {  	[sflag:s23] =	ssyncadd.s32 $0xFFFFFFFF  }
0xa5: {  	s4 =	sld [smem:$0x0]  }
0xa6: {  	s5 =	sand.u32 $0xFFFFFFFE, s1  }
0xa7: {  	p0 =	sne.s32 s1, s5  }
0xa8: {  	s5 =	sshll.u32 @p0 s5, $0xE  }
0xa9: {  	s5 =	sadd.s32 @p0 $0x11B8D, s5;
	s6 =	sshll.u32 @p0 s4, $0x11  }
0xaa: {  	s5 =	sor.u32 @p0 s6, s5  }
0xab: {  	[sflag:s5] =	ssyncadd.remote.s32 @p0 $0x1;
	_ =	sdelay $0x1  }
0xac: {  	s5 =	simm.s32 @p0 $0x1B8D  }
0xad: {  	_ =	swait.eq @p0 [sflag:s5], $0x1  }
0xae: {  	[sflag:s5] =	ssyncadd.s32 @p0 $0xFFFFFFFF  }
0xaf: {  	s6 =	sshll.u32 @!p0 s1, $0xE  }
0xb0: {  	s6 =	sor.u32 @!p0 $0x4000, s6;
	s5 =	simm.s32 @!p0 $0x1B8D  }
0xb1: {  	s4 =	sshll.u32 @!p0 s4, $0x11;
	s6 =	sadd.s32 @!p0 $0x11B8D, s6;
	_ =	swait.eq @!p0 [sflag:s5], $0x1  }
0xb2: {  	s4 =	sor.u32 @!p0 s4, s6;
	[sflag:s5] =	ssyncadd.s32 @!p0 $0xFFFFFFFF  }
0xb3: {  	s25 =	simm.s32 $0x1B8E;
	s24 =	sld [smem:$0x3FFE];
	[sflag:s4] =	ssyncadd.remote.s32 @!p0 $0x1  }
0xb4: {  	s26 =	simm.s32 $execute0_lowered;
	[smem:$0x3FD2] =	sst s25  }
0xb5: {  	s5 =	sshll.u32 s26, $0x1;
	_ =	strace $0x8000004F;
	[dreg:$0x1] =	wrdreg $0xFFFFFFFF  }
0xb6: {  	s28 =	simm.s32 $_size_execute0_lowered;
	s3 =	sadd.s32 s3, s5;
	[dreg:$0x0] =	wrdreg $0x0  }
0xb7: {  	s5 =	sshll.u32 s28, $0x1;
	[dreg:$0x2] =	wrdreg s3  }
0xb8: {  	[dreg:$0x3] =	wrdreg s5  }
0xb9: {  	[dreg:$0x4] =	wrdreg $0xC0  }
0xba: {  	_ =	task [dreg:s22], $0x5FFFF  }
0xbb: {  	[dreg:$0x1] =	wrdreg $0xFFFFFFFF  }
0xbc: {  	[dreg:$0x0] =	wrdreg $0x60  }
0xbd: {  	[dreg:$0x2] =	wrdreg s24  }
0xbe: {  	[dreg:$0x3] =	wrdreg $0xD8000  }
0xbf: {  	[dreg:$0x4] =	wrdreg $0xA  }
0xc0: {  	_ =	task.clear_ibuf [dreg:s22], $0x5FFFF;
	_ =	strace $0x9000004F  }
0xc1: {  	s29 =	simm.s32 $0xA;
	_ =	strace $0x80000051  }
0xc2: {  	_ =	swait.ge [sflag:s29], $0x1  }
0xc3: {  	[sflag:s29] =	ssyncadd.s32 $0xFFFFFFFF  }
0xc4: {  	_ =	strace $0x90000051  }
0xc5: {  	_ =	sfence  }
0xc6: {  	s30 =	sld [smem:$0x0];
	_ =	sdelay $0x2  }
0xc7: {  	s31 =	sshll.u32 s1, $0xD;
	s1 =	sshrl.u32 s1, $0x2  }
0xc8: {  	s4 =	sand.u32 $0x4000, s31;
	s1 =	sadd.s32 s1, s30  }
0xc9: {  	s0 =	sor.u32 s4, s0;
	s1 =	sshll.u32 s1, $0x11  }
0xca: {  	s0 =	sor.u32 s1, s0  }
0xcb: {  	s0 =	sadd.s32 $0x8F2B, s0  }
0xcc: {  	[sflag:s0] =	ssyncadd.remote.s32 $0x1  }
0xcd: {  	_ =	sfence.sel $0xFFFF  }
0xce: {  	[dreg:$0x0] =	wrdreg $0xFFFFFFFF;
	(pc) =	sbr.abs _section_cstart, $3  }
0xcf: {  	[dreg:$0x1] =	wrdreg $0xFFFFFFFF  }
0xd0: {  	_ =	task.clear_ibuf [dreg:s22], $0x2FFFF;
	_ =	strace $0x9FFFFFFF  }
0xd1: {  	(tm) =	ssettm $0x7FFFFFFF  }
tec
execute0_lowered:
.L_overlay_start_1:
0x0: {  	(tag) =	ssettag $0x1  }
0x1: {  	s0 =	srdreg.scid;
	s7 =	rddreg [dreg:$0x0]  }
0x2: {  	s2 =	rddreg [dreg:$0x1];
	s3 =	simm.s32 $0x0;
	s14 =	simm.s32 $0x80  }
0x3: {  	s15 =	simm.s32 $0xC800;
	s16 =	simm.s32 $0x1;
	s6 =	sand.u32 $0x1, s0  }
0x4: {  	s19 =	simm.s32 $0x0;
	s0 =	stileid.u32;
	s8 =	smul.u32 $0xC8000, s6  }
0x5: {  	[smem:$0x7FF] =	sst s3;
	s5 =	sadd.s32 $0x3B600, s7;
	s10 =	smul.u32 $0xC800, s0  }
0x6: {  	s1 =	sshll.u32 s6, $0x4;
	s11 =	smul.u32 $0x32000, s0;
	s6 =	ssub.s32 $0x2, s6  }
0x7: {  	s17 =	sshll.u32 s0, $0x6;
	s4 =	sor.u32 s0, s1;
	s1 =	rddreg [dreg:$0x2]  }
0x8: {  	_ =	strace $0x80000050;
	s12 =	sshrl.u32 s6, $0x1;
	s17 =	sor.u32 $0x1C02, s17  }
0x9: {  	s4 =	smul.u32 $0xC80, s4;
	s8 =	sadd.s32 s10, s8;
	s11 =	sshrl.u32 s11, $0x2  }
0xa: {  	s12 =	ssub.s32 s6, s12;
	s18 =	sadd.s32 s10, s2;
	s8 =	sshrl.u32 s8, $0x3  }
0xb: {  	s6 =	sadd.s32 s11, s2;
	s10 =	smax.u32 s12, $0x1;
	s11 =	simm.s32 $0xD000  }
0xc: {  	s12 =	simm.s32 $0x2;
	s18 =	sshrl.u32 s18, $0x3;
	s9 =	sadd.s32 s4, s7  }
0xd: {  	s4 =	sadd.s32 $0x6D800, s7;
	s13 =	sadd.s32 s8, s7;
	s7 =	sadd.s32 $0xEDA00, s9  }
0xe: {  	s8 =	sadd.s32 $0x9600, s9;
	s9 =	sadd.s32 $0x86800, s13;
	s13 =	simm.s32 $0x6400  }
.LBB2_1:
0xf: {  	[tilespmem:s11], [sflag:$0x2] =	stream.linear.gather [hbm4b:s5+s3], $0x800, $0x38;
	[tilespmem:$0x1A000] =	vst v63  }
0x10: {  	_ =	swait.ge [sflag:s12], $0x800  }
0x11: {  	[sflag:s12] =	ssyncset.done $0x0  }
0x12: {  	s20 =	sadd.s32 $0x0, s6;
	[sflag:s12] =	ssyncadd.s32 $0xFFFFF800  }
0x13: {  	[spmem:s20] =	stream.linear.scatter [tilespmem:s11], [sflag:$0x2], $0x800, $0x38;
	[tilespmem:$0x1A000] =	vst v63  }
0x14: {  	s20 =	simm.s32 $0x2000;
	_ =	swait.ge [sflag:s12], $0x800  }
.LBB2_2:
0x15: {  	s21 =	sshra.s32 s20, $0x2;
	[sflag:s12] =	ssyncset.done $0x0;
	p0 =	sne.s32 s20, $0x30000  }
.Ltmp0:
0x16: {  	s21 =	sadd.s32 s21, s6;
	[sflag:s12] =	ssyncadd.s32 $0xFFFFF800;
	(pc) =	sbr.rel @p0 .LBB2_2-.Ltmp0, $3  }
0x17: {  	[spmem:s21] =	stream.linear.scatter [tilespmem:s11], [sflag:$0x2], $0x800, $0x38;
	[tilespmem:$0x1A000] =	vst v63  }
0x18: {  	s20 =	sadd.s32 $0x2000, s20;
	_ =	sdelay $0x1  }
0x19: {  	_ =	swait.ge [sflag:s12], $0x800  }
0x1a: {  	[sflag:s12] =	ssyncset.done $0x0  }
0x1b: {  	s20 =	simm.s32 $0x0;
	[sflag:s12] =	ssyncadd.s32 $0xFFFFF800  }
0x1c: {  	[tilespmem:s20], [sflag:$0x2] =	stream.linear.gather [hbm4b:s7+s20], $0x6400, $0x38;
	[tilespmem:$0x1A000] =	vst v63  }
0x1d: {  	_ =	swait.ge [sflag:s12], $0x6400  }
0x1e: {  	[sflag:s12] =	ssyncset.done $0x0  }
0x1f: {  	[sflag:s12] =	ssyncadd.s32 $0xFFFF9C00  }
0x20: {  	[tilespmem:s13], [sflag:$0x2] =	stream.linear.gather [hbm4b:s8+s20], $0x6400, $0x38;
	[tilespmem:$0x1A000] =	vst v63  }
0x21: {  	_ =	swait.ge [sflag:s12], $0x6400  }
0x22: {  	[sflag:s12] =	ssyncset.done $0x0  }
0x23: {  	[sflag:s12] =	ssyncadd.s32 $0xFFFF9C00  }
0x24: {  	s30 =	simm.s32 $0x0;
	[bflag:$0x0] =	sbarrier.arrive $0xFFFF  }
0x25: {  	[tilespmem:s15], [sflag:$0x1] =	stream.indirect.gather [hbm4b:s4+s14], $0x10, s30, s14, $0xb8;
	[tilespmem:$0x1A000] =	vst v63  }
0x26: {  	_ =	swait.ge [sflag:s16], $0x800  }
0x27: {  	[sflag:s16] =	ssyncset.done $0x0  }
0x28: {  	s31 =	simm.s32 $0x6400;
	[sflag:s16] =	ssyncadd.s32 $0xFFFFF800  }
0x29: {  	[spmem:s2] =	stream.indirect.scatter.add.f32 [tilespmem:s15], [sflag:$0x2], $0x10, s31, s14, $0xb8;
	[tilespmem:$0x1A000] =	vst v63  }
0x2a: {  	_ =	swait.ge [sflag:s12], $0x800  }
0x2b: {  	s21 =	simm.s32 $0x400;
	s20 =	simm.s32 $0x200;
	[sflag:s12] =	ssyncset.done $0x0  }
.LBB2_4:
0x2c: {  	s22 =	sshra.s32 s20, $0x2  }
0x2d: {  	[sflag:s12] =	ssyncadd.s32 $0xFFFFF800;
	s20 =	smov.u32 s21;
	s23 =	sadd.s32 $0x200, s21  }
0x2e: {  	[tilespmem:s15], [sflag:$0x1] =	stream.indirect.gather [hbm4b:s4+s14], $0x10, s22, s14, $0xb8;
	[tilespmem:$0x1A000] =	vst v63  }
0x2f: {  	p0 =	sne.s32 s21, $0x18E00;
	_ =	swait.ge [sflag:s16], $0x800  }
.Ltmp1:
0x30: {  	[sflag:s16] =	ssyncset.done $0x0;
	(pc) =	sbr.rel @p0 .LBB2_4-.Ltmp1, $4  }
0x31: {  	s21 =	sadd.s32 $0x6400, s22;
	[sflag:s16] =	ssyncadd.s32 $0xFFFFF800  }
0x32: {  	[spmem:s2] =	stream.indirect.scatter.add.f32 [tilespmem:s15], [sflag:$0x2], $0x10, s21, s14, $0xb8;
	[tilespmem:$0x1A000] =	vst v63  }
0x33: {  	_ =	swait.ge [sflag:s12], $0x800  }
0x34: {  	s21 =	smov.u32 s23;
	[sflag:s12] =	ssyncset.done $0x0  }
0x35: {  	s20 =	sshra.s32 s20, $0x2;
	[sflag:s12] =	ssyncadd.s32 $0xFFFFF800  }
0x36: {  	[tilespmem:s15], [sflag:$0x1] =	stream.indirect.gather [hbm4b:s4+s14], $0x10, s20, s14, $0xb8;
	[tilespmem:$0x1A000] =	vst v63  }
0x37: {  	_ =	swait.ge [sflag:s16], $0x800  }
0x38: {  	[sflag:s16] =	ssyncset.done $0x0  }
0x39: {  	s20 =	sadd.s32 $0x6400, s20;
	[sflag:s16] =	ssyncadd.s32 $0xFFFFF800  }
0x3a: {  	[spmem:s2] =	stream.indirect.scatter.add.f32 [tilespmem:s15], [sflag:$0x2], $0x10, s20, s14, $0xb8;
	[tilespmem:$0x1A000] =	vst v63  }
0x3b: {  	_ =	swait.ge [sflag:s12], $0x800  }
0x3c: {  	s19 =	sadd.s32 $0x1, s19;
	[sflag:s12] =	ssyncset.done $0x0  }
0x3d: {  	p0 =	sne.s32 s19, s10;
	[sflag:s12] =	ssyncadd.s32 $0xFFFFF800  }
.Ltmp2:
0x3e: {  	[bflag:$0x0] =	sbarrier.arrive $0xFFFF;
	(pc) =	sbr.rel @p0 .LBB2_1-.Ltmp2, $4  }
0x3f: {  	[hbm:s9], [sflag:s17] =	dma.local [spmem:s18], $0x1900  }
0x40: {  	_ =	swait.ge [sflag:s12], $0x1900  }
0x41: {  	[sflag:s12] =	ssyncset.done $0x0  }
0x42: {  	[sflag:s12] =	ssyncadd.s32 $0xFFFFE700  }
0x43: {  	_ =	sfence.sel $0x180000  }
0x44: {  	[bflag:$0x0] =	sbarrier.arrive $0xFFFF  }
0x45: {  	p0 =	sne.s32 s0, $0x0;
	_ =	strace $0x90000050  }
0x46: {  	s0 =	sadd.s32 @!p0 $0x100000, s1;
	[bflag:$0x2] =	sbarrier.arrive $0xFFFF  }
0x47: {  	[sflag:s0] =	ssyncadd.tile.s32 @!p0 $0x1;
	_ =	shalt  }
.Lfunc_end2:
_tile_overlayer_lowered:
.L_overlay_start_2:
0x48: {  	(tag) =	ssettag $0x2  }
0x49: {  	s0 =	rddreg [dreg:$0x0];
	s2 =	stileid.u32  }
0x4a: {  	s1 =	rddreg [dreg:$0x1];
	p0 =	sne.s32 s2, $0x0  }
0x4b: {  	s3 =	rddreg [dreg:$0x2];
	[bflag:$0x3] =	sbarrier.arrive $0xFFFF;
	s2 =	simm.s32 @!p0 $0x1C02  }
0x4c: {  	[timem:s3], [sflag:s2] =	dma.local @!p0 [hbm:s0], s1  }
0x4d: {  	s0 =	simm.s32 @!p0 $0x2  }
0x4e: {  	_ =	swait.ge @!p0 [sflag:s0], s1  }
0x4f: {  	s1 =	ssub.s32 @!p0 $0x0, s1;
	[sflag:s0] =	ssyncset.done @!p0 $0x0  }
0x50: {  	[sflag:s0] =	ssyncadd.s32 @!p0 s1  }
0x51: {  	[bflag:$0x3] =	sbarrier.arrive $0xFFFF  }
0x52: {  	_ =	shalt  }

// kernel: kernel.25.cloned.1.call-start
scs
__scs_entry_jumppad:
0x0: {  	(pc) =	sbr.rel $0x88, $3  }
0x1: {  	(tag) =	ssettag $0x0;
	lr =	simm.s32 $0x1  }
0x2: {  	[smem:$0x3F8C] =	sst lr;
	_ =	strace $0xD0000000  }
0x3: {  	_ = 	snop  }
0x4: {  	_ = 	snop  }
0x5: {  	_ = 	snop  }
0x6: {  	_ = 	snop  }
0x7: {  	_ = 	snop  }
__scs_overlays_trampoline_lowered:
0x8: {  	[smem:$0x3F9B] =	sst s0  }
0x9: {  	[smem:$0x3F9C] =	sst s1  }
0xa: {  	[smem:$0x3F9D] =	sst s2  }
0xb: {  	[smem:$0x3F9E] =	sst s3  }
0xc: {  	[smem:$0x3F9F] =	sst s4  }
0xd: {  	[smem:$0x3FA0] =	sst s5  }
0xe: {  	[smem:$0x3FA1] =	sst s6  }
0xf: {  	[smem:$0x3FA2] =	sst s7  }
0x10: {  	[smem:$0x3FA3] =	sst s8  }
0x11: {  	[smem:$0x3FA4] =	sst s9;
	s0 =	simm.s32 @!p0 $0x0  }
0x12: {  	s1 =	sld [smem:$0x3F8A];
	s0 =	simm.s32 @p0 $0x1  }
0x13: {  	[smem:$0x3FA5] =	sst s0;
	s0 =	simm.s32 @!p1 $0x0  }
0x14: {  	s2 =	sld [smem:$0x3F89];
	s0 =	simm.s32 @p1 $0x1  }
0x15: {  	[smem:$0x3FA6] =	sst s0;
	s0 =	simm.s32 @!p2 $0x0  }
0x16: {  	s3 =	sld [smem:$0x3FDB];
	s0 =	simm.s32 @p2 $0x1  }
0x17: {  	s4 =	simm.s32 $0x1BF5;
	[smem:$0x3FA8] =	sst s0  }
0x18: {  	s0 =	sld [smem:$0x3F8B];
	_ =	swait.ge [sflag:s4], $0x0  }
0x19: {  	s7 =	sld [smem:$0x3F8C]  }
0x1a: {  	s8 =	sadd.s32 $0xFFFFE003, lr  }
0x1b: {  	s9 =	sadd.s32 $0xFFFFFEF7, lr;
	s5 =	simm.s32 $0xFFFFFFFF;
	p2 =	slt.u32 s8, $0xFFFFF086  }
0x1c: {  	p1 =	slt.u32 s9, $0xF7A;
	s5 =	simm.s32 @!p2 $0x0  }
0x1d: {  	s5 =	simm.s32 @p1 $0x1;
	p0 =	seq.s32 s7, s2  }
0x1e: {  	s7 =	smul.u32 @!p0 $0xF7A, s2;
	p2 =	seq.s32 @!p0 s5, $0x0  }
0x1f: {  	s9 =	smul.u32 $0xF7A, s1;
	s8 =	simm.s32 @!p0 $0x1BF5;
	p2 =	por !p2, p0  }
0x20: {  	[sflag:s8] =	ssyncset.s32 @!p0 $0xFFFFF086;
	s6 =	sadd.s32 @!p0 s3, s7;
	s7 =	simm.s32 @!p0 $0x108  }
0x21: {  	s3 =	sadd.s32 s3, s9;
	s6 =	sadd.s32 @!p0 $0x88, s6;
	s7 =	simm.s32 @p2 $0x1082  }
0x22: {  	[simem:s7], [sflag:s8] =	dma.local @!p0 [hbm:s6], $0xF7A  }
0x23: {  	s9 =	sor.u32 $0xD0000000, s2;
	s6 =	simm.s32 $0x108;
	_ =	swait.ge @!p0 [sflag:s8], $0x0  }
0x24: {  	s3 =	sadd.s32 $0x88, s3;
	s6 =	simm.s32 @!p1 $0x1082;
	[sflag:s4] =	ssyncset.s32 $0xFFFFF086  }
0x25: {  	[simem:s6], [sflag:s4] =	dma.local [hbm:s3], $0xF7A  }
0x26: {  	[smem:$0x3F8C] =	sst s1;
	(tag) =	ssettag s2;
	_ =	strace s9  }
0x27: {  	s1 =	sld [smem:$0x3F9C]  }
0x28: {  	s2 =	sld [smem:$0x3F9D]  }
0x29: {  	s4 =	sld [smem:$0x3F9F]  }
0x2a: {  	p0 =	seq.s32 s5, $0x0;
	s5 =	sld [smem:$0x3FA0]  }
0x2b: {  	s6 =	sld [smem:$0x3FA1]  }
0x2c: {  	s7 =	sld [smem:$0x3FA2]  }
0x2d: {  	s3 =	simm.s32 $0x108;
	s8 =	sld [smem:$0x3FA3]  }
0x2e: {  	s3 =	simm.s32 @!p0 $0x1082;
	s9 =	sld [smem:$0x3FA4]  }
0x2f: {  	lr =	sadd.s32 s0, s3;
	s0 =	sld [smem:$0x3F9B]  }
0x30: {  	s3 =	sld [smem:$0x3F9E]  }
0x31: {  	[smem:$0x3FA7] =	sst s10  }
0x32: {  	s10 =	sld [smem:$0x3FA5];
	_ =	sdelay $0x3  }
0x33: {  	p0 =	seq.s32 s10, $0x1;
	s10 =	sld [smem:$0x3FA7];
	_ =	sdelay $0x3  }
0x34: {  	[smem:$0x3FA7] =	sst s10  }
0x35: {  	s10 =	sld [smem:$0x3FA6];
	_ =	sdelay $0x3  }
0x36: {  	p1 =	seq.s32 s10, $0x1;
	s10 =	sld [smem:$0x3FA7];
	_ =	sdelay $0x3  }
0x37: {  	[smem:$0x3FA7] =	sst s10  }
0x38: {  	s10 =	sld [smem:$0x3FA8]  }
0x39: {  	_ = 	snop;
	(pc) =	sbr.ind lr, $3  }
0x3a: {  	_ = 	snop  }
0x3b: {  	_ = 	snop  }
0x3c: {  	p2 =	seq.s32 s10, $0x1;
	s10 =	sld [smem:$0x3FA7]  }
0x3d: {  	_ =	shalt  }
0x3e: {  	_ =	shalt  }
0x3f: {  	_ =	shalt  }
0x40: {  	_ =	shalt  }
0x41: {  	_ =	shalt  }
0x42: {  	_ =	shalt  }
0x43: {  	_ =	shalt  }
0x44: {  	_ =	shalt  }
0x45: {  	_ =	shalt  }
0x46: {  	_ =	shalt  }
0x47: {  	_ =	shalt  }
0x48: {  	_ =	shalt  }
0x49: {  	_ =	shalt  }
0x4a: {  	_ =	shalt  }
0x4b: {  	_ =	shalt  }
0x4c: {  	_ =	shalt  }
0x4d: {  	_ =	shalt  }
0x4e: {  	_ =	shalt  }
0x4f: {  	_ =	shalt  }
0x50: {  	_ =	shalt  }
0x51: {  	_ =	shalt  }
0x52: {  	_ =	shalt  }
0x53: {  	_ =	shalt  }
0x54: {  	_ =	shalt  }
0x55: {  	_ =	shalt  }
0x56: {  	_ =	shalt  }
0x57: {  	_ =	shalt  }
0x58: {  	_ =	shalt  }
0x59: {  	_ =	shalt  }
0x5a: {  	_ =	shalt  }
0x5b: {  	_ =	shalt  }
0x5c: {  	_ =	shalt  }
0x5d: {  	_ =	shalt  }
0x5e: {  	_ =	shalt  }
0x5f: {  	_ =	shalt  }
0x60: {  	_ =	shalt  }
0x61: {  	_ =	shalt  }
0x62: {  	_ =	shalt  }
0x63: {  	_ =	shalt  }
0x64: {  	_ =	shalt  }
0x65: {  	_ =	shalt  }
0x66: {  	_ =	shalt  }
0x67: {  	_ =	shalt  }
0x68: {  	_ =	shalt  }
0x69: {  	_ =	shalt  }
0x6a: {  	_ =	shalt  }
0x6b: {  	_ =	shalt  }
0x6c: {  	_ =	shalt  }
0x6d: {  	_ =	shalt  }
0x6e: {  	_ =	shalt  }
0x6f: {  	_ =	shalt  }
0x70: {  	_ =	shalt  }
0x71: {  	_ =	shalt  }
0x72: {  	_ =	shalt  }
0x73: {  	_ =	shalt  }
0x74: {  	_ =	shalt  }
0x75: {  	_ =	shalt  }
0x76: {  	_ =	shalt  }
0x77: {  	_ =	shalt  }
0x78: {  	_ =	shalt  }
0x79: {  	_ =	shalt  }
0x7a: {  	_ =	shalt  }
0x7b: {  	_ =	shalt  }
0x7c: {  	_ =	shalt  }
0x7d: {  	_ =	shalt  }
0x7e: {  	_ =	shalt  }
0x7f: {  	_ =	shalt  }
0x80: {  	_ =	shalt  }
0x81: {  	_ =	shalt  }
0x82: {  	_ =	shalt  }
0x83: {  	_ =	shalt  }
0x84: {  	_ =	shalt  }
0x85: {  	_ =	shalt  }
0x86: {  	_ =	shalt  }
0x87: {  	_ =	shalt  }
.Lfunc_end0:
.L_simem_size_0:
called_computation.4_lowered:
.L_overlay_start_0:
0x88: {  	s2 =	sld [smem:$0x3FD9]  }
0x89: {  	s3 =	sld [smem:$0x3FFE];
	_ =	sdelay $0x1  }
0x8a: {  	s1 =	srdreg.scid  }
0x8b: {  	s0 =	sand.u32 $0x1, s1  }
0x8c: {  	s17 =	sshll.u32 s0, $0xA;
	s2 =	sadd.s32 s3, s2  }
0x8d: {  	s2 =	sadd.s32 s2, s17  }
0x8e: {  	[smem:$0x3FB3] =	sst s2  }
0x8f: {  	_ = 	snop  }
0x90: {  	(tm) =	ssettm $0x1  }
0x91: {  	s18 =	sld [smem:$0x3FFB];
	_ =	sdelay $0x3  }
0x92: {  	_ =	strace s18  }
0x93: {  	s2 =	sld [smem:$0x3FFC];
	_ =	sdelay $0x3  }
0x94: {  	_ =	strace s2  }
0x95: {  	s2 =	sld [smem:$0x3FFD];
	_ =	sdelay $0x3  }
0x96: {  	_ =	strace s2  }
0x97: {  	_ =	strace $0x8FFFFFFF  }
0x98: {  	s19 =	sld [smem:$0x3FDB];
	_ =	sdelay $0x1  }
0x99: {  	s20 =	simm.s32 $_scs_section_size  }
0x9a: {  	s4 =	simm.s32 $_size__tile_overlayer_lowered;
	s5 =	simm.s32 $_tile_overlayer_lowered  }
0x9b: {  	s6 =	simm.s32 $0x1BFF;
	s21 =	sshll.u32 s5, $0x1;
	s3 =	sadd.s32 s20, s19  }
0x9c: {  	s22 =	simm.s32 $0x0;
	s4 =	sshll.u32 s4, $0x1;
	s5 =	sadd.s32 s21, s3  }
0x9d: {  	[timem:s22], [sflag:s6] =	dma.local [hbm:s5], s4  }
0x9e: {  	_ =	swait.ge [sflag:s6], s4  }
0x9f: {  	s4 =	ssub.s32 $0x0, s4;
	[sflag:s6] =	ssyncset.done $0x0  }
0xa0: {  	[sflag:s6] =	ssyncadd.s32 s4;
	_ =	sdelay $0x1  }
0xa1: {  	s23 =	simm.s32 $0x1B8B  }
0xa2: {  	_ =	swait.ge [sflag:s23], $0x1  }
0xa3: {  	[sflag:s23] =	ssyncset.done $0x0  }
0xa4: {  	[sflag:s23] =	ssyncadd.s32 $0xFFFFFFFF  }
0xa5: {  	s4 =	sld [smem:$0x0]  }
0xa6: {  	s5 =	sand.u32 $0xFFFFFFFE, s1  }
0xa7: {  	p0 =	sne.s32 s1, s5  }
0xa8: {  	s5 =	sshll.u32 @p0 s5, $0xE  }
0xa9: {  	s5 =	sadd.s32 @p0 $0x11B8D, s5;
	s6 =	sshll.u32 @p0 s4, $0x11  }
0xaa: {  	s5 =	sor.u32 @p0 s6, s5  }
0xab: {  	[sflag:s5] =	ssyncadd.remote.s32 @p0 $0x1;
	_ =	sdelay $0x1  }
0xac: {  	s5 =	simm.s32 @p0 $0x1B8D  }
0xad: {  	_ =	swait.eq @p0 [sflag:s5], $0x1  }
0xae: {  	[sflag:s5] =	ssyncadd.s32 @p0 $0xFFFFFFFF  }
0xaf: {  	s6 =	sshll.u32 @!p0 s1, $0xE  }
0xb0: {  	s6 =	sor.u32 @!p0 $0x4000, s6;
	s5 =	simm.s32 @!p0 $0x1B8D  }
0xb1: {  	s4 =	sshll.u32 @!p0 s4, $0x11;
	s6 =	sadd.s32 @!p0 $0x11B8D, s6;
	_ =	swait.eq @!p0 [sflag:s5], $0x1  }
0xb2: {  	s4 =	sor.u32 @!p0 s4, s6;
	[sflag:s5] =	ssyncadd.s32 @!p0 $0xFFFFFFFF  }
0xb3: {  	s25 =	simm.s32 $0x1B8E;
	s24 =	sld [smem:$0x3FFE];
	[sflag:s4] =	ssyncadd.remote.s32 @!p0 $0x1  }
0xb4: {  	s26 =	simm.s32 $execute0_lowered;
	[smem:$0x3FD2] =	sst s25  }
0xb5: {  	s5 =	sshll.u32 s26, $0x1;
	_ =	strace $0x80000052;
	[dreg:$0x1] =	wrdreg $0xFFFFFFFF  }
0xb6: {  	s28 =	simm.s32 $_size_execute0_lowered;
	s3 =	sadd.s32 s3, s5;
	[dreg:$0x0] =	wrdreg $0x0  }
0xb7: {  	s5 =	sshll.u32 s28, $0x1;
	[dreg:$0x2] =	wrdreg s3  }
0xb8: {  	[dreg:$0x3] =	wrdreg s5  }
0xb9: {  	[dreg:$0x4] =	wrdreg $0xC0  }
0xba: {  	_ =	task [dreg:s22], $0x5FFFF  }
0xbb: {  	[dreg:$0x1] =	wrdreg $0xFFFFFFFF  }
0xbc: {  	[dreg:$0x0] =	wrdreg $0x60  }
0xbd: {  	[dreg:$0x2] =	wrdreg s24  }
0xbe: {  	[dreg:$0x3] =	wrdreg $0xD8000  }
0xbf: {  	[dreg:$0x4] =	wrdreg $0xB  }
0xc0: {  	_ =	task.clear_ibuf [dreg:s22], $0x5FFFF;
	_ =	strace $0x90000052  }
0xc1: {  	s29 =	simm.s32 $0xB;
	_ =	strace $0x80000054  }
0xc2: {  	_ =	swait.ge [sflag:s29], $0x1  }
0xc3: {  	[sflag:s29] =	ssyncadd.s32 $0xFFFFFFFF  }
0xc4: {  	_ =	strace $0x90000054  }
0xc5: {  	_ =	sfence  }
0xc6: {  	s30 =	sld [smem:$0x0];
	_ =	sdelay $0x2  }
0xc7: {  	s31 =	sshll.u32 s1, $0xD;
	s1 =	sshrl.u32 s1, $0x2  }
0xc8: {  	s4 =	sand.u32 $0x4000, s31;
	s1 =	sadd.s32 s1, s30  }
0xc9: {  	s0 =	sor.u32 s4, s0;
	s1 =	sshll.u32 s1, $0x11  }
0xca: {  	s0 =	sor.u32 s1, s0  }
0xcb: {  	s0 =	sadd.s32 $0x8F2B, s0  }
0xcc: {  	[sflag:s0] =	ssyncadd.remote.s32 $0x1  }
0xcd: {  	_ =	sfence.sel $0xFFFF  }
0xce: {  	[dreg:$0x0] =	wrdreg $0xFFFFFFFF;
	(pc) =	sbr.abs _section_cstart, $3  }
0xcf: {  	[dreg:$0x1] =	wrdreg $0xFFFFFFFF  }
0xd0: {  	_ =	task.clear_ibuf [dreg:s22], $0x2FFFF;
	_ =	strace $0x9FFFFFFF  }
0xd1: {  	(tm) =	ssettm $0x7FFFFFFF  }
tec
execute0_lowered:
.L_overlay_start_1:
0x0: {  	(tag) =	ssettag $0x1  }
0x1: {  	s0 =	srdreg.scid;
	s7 =	rddreg [dreg:$0x0]  }
0x2: {  	s2 =	rddreg [dreg:$0x1];
	s3 =	simm.s32 $0x0;
	s14 =	simm.s32 $0x80  }
0x3: {  	s15 =	simm.s32 $0xC800;
	s16 =	simm.s32 $0x1;
	s6 =	sand.u32 $0x1, s0  }
0x4: {  	s19 =	simm.s32 $0x0;
	s0 =	stileid.u32;
	s8 =	smul.u32 $0xC8000, s6  }
0x5: {  	[smem:$0x7FF] =	sst s3;
	s5 =	sadd.s32 $0x3B600, s7;
	s10 =	smul.u32 $0xC800, s0  }
0x6: {  	s1 =	sshll.u32 s6, $0x4;
	s11 =	smul.u32 $0x32000, s0;
	s6 =	ssub.s32 $0x2, s6  }
0x7: {  	s17 =	sshll.u32 s0, $0x6;
	s4 =	sor.u32 s0, s1;
	s1 =	rddreg [dreg:$0x2]  }
0x8: {  	_ =	strace $0x80000053;
	s12 =	sshrl.u32 s6, $0x1;
	s17 =	sor.u32 $0x1C02, s17  }
0x9: {  	s4 =	smul.u32 $0xC80, s4;
	s8 =	sadd.s32 s10, s8;
	s11 =	sshrl.u32 s11, $0x2  }
0xa: {  	s12 =	ssub.s32 s6, s12;
	s18 =	sadd.s32 s10, s2;
	s8 =	sshrl.u32 s8, $0x3  }
0xb: {  	s6 =	sadd.s32 s11, s2;
	s10 =	smax.u32 s12, $0x1;
	s11 =	simm.s32 $0xD000  }
0xc: {  	s12 =	simm.s32 $0x2;
	s18 =	sshrl.u32 s18, $0x3;
	s9 =	sadd.s32 s4, s7  }
0xd: {  	s4 =	sadd.s32 $0xB8800, s7;
	s13 =	sadd.s32 s8, s7;
	s7 =	sadd.s32 $0xEDA00, s9  }
0xe: {  	s8 =	sadd.s32 $0x9600, s9;
	s9 =	sadd.s32 $0x106A00, s13;
	s13 =	simm.s32 $0x6400  }
.LBB2_1:
0xf: {  	[tilespmem:s11], [sflag:$0x2] =	stream.linear.gather [hbm4b:s5+s3], $0x800, $0x38;
	[tilespmem:$0x1A000] =	vst v63  }
0x10: {  	_ =	swait.ge [sflag:s12], $0x800  }
0x11: {  	[sflag:s12] =	ssyncset.done $0x0  }
0x12: {  	s20 =	sadd.s32 $0x0, s6;
	[sflag:s12] =	ssyncadd.s32 $0xFFFFF800  }
0x13: {  	[spmem:s20] =	stream.linear.scatter [tilespmem:s11], [sflag:$0x2], $0x800, $0x38;
	[tilespmem:$0x1A000] =	vst v63  }
0x14: {  	s20 =	simm.s32 $0x2000;
	_ =	swait.ge [sflag:s12], $0x800  }
.LBB2_2:
0x15: {  	s21 =	sshra.s32 s20, $0x2;
	[sflag:s12] =	ssyncset.done $0x0;
	p0 =	sne.s32 s20, $0x30000  }
.Ltmp0:
0x16: {  	s21 =	sadd.s32 s21, s6;
	[sflag:s12] =	ssyncadd.s32 $0xFFFFF800;
	(pc) =	sbr.rel @p0 .LBB2_2-.Ltmp0, $3  }
0x17: {  	[spmem:s21] =	stream.linear.scatter [tilespmem:s11], [sflag:$0x2], $0x800, $0x38;
	[tilespmem:$0x1A000] =	vst v63  }
0x18: {  	s20 =	sadd.s32 $0x2000, s20;
	_ =	sdelay $0x1  }
0x19: {  	_ =	swait.ge [sflag:s12], $0x800  }
0x1a: {  	[sflag:s12] =	ssyncset.done $0x0  }
0x1b: {  	s20 =	simm.s32 $0x0;
	[sflag:s12] =	ssyncadd.s32 $0xFFFFF800  }
0x1c: {  	[tilespmem:s20], [sflag:$0x2] =	stream.linear.gather [hbm4b:s7+s20], $0x6400, $0x38;
	[tilespmem:$0x1A000] =	vst v63  }
0x1d: {  	_ =	swait.ge [sflag:s12], $0x6400  }
0x1e: {  	[sflag:s12] =	ssyncset.done $0x0  }
0x1f: {  	[sflag:s12] =	ssyncadd.s32 $0xFFFF9C00  }
0x20: {  	[tilespmem:s13], [sflag:$0x2] =	stream.linear.gather [hbm4b:s8+s20], $0x6400, $0x38;
	[tilespmem:$0x1A000] =	vst v63  }
0x21: {  	_ =	swait.ge [sflag:s12], $0x6400  }
0x22: {  	[sflag:s12] =	ssyncset.done $0x0  }
0x23: {  	[sflag:s12] =	ssyncadd.s32 $0xFFFF9C00  }
0x24: {  	s30 =	simm.s32 $0x0;
	[bflag:$0x0] =	sbarrier.arrive $0xFFFF  }
0x25: {  	[tilespmem:s15], [sflag:$0x1] =	stream.indirect.gather [hbm4b:s4+s14], $0x10, s30, s14, $0xb8;
	[tilespmem:$0x1A000] =	vst v63  }
0x26: {  	_ =	swait.ge [sflag:s16], $0x800  }
0x27: {  	[sflag:s16] =	ssyncset.done $0x0  }
0x28: {  	s31 =	simm.s32 $0x6400;
	[sflag:s16] =	ssyncadd.s32 $0xFFFFF800  }
0x29: {  	[spmem:s2] =	stream.indirect.scatter.add.f32 [tilespmem:s15], [sflag:$0x2], $0x10, s31, s14, $0xb8;
	[tilespmem:$0x1A000] =	vst v63  }
0x2a: {  	_ =	swait.ge [sflag:s12], $0x800  }
0x2b: {  	s21 =	simm.s32 $0x400;
	s20 =	simm.s32 $0x200;
	[sflag:s12] =	ssyncset.done $0x0  }
.LBB2_4:
0x2c: {  	s22 =	sshra.s32 s20, $0x2  }
0x2d: {  	[sflag:s12] =	ssyncadd.s32 $0xFFFFF800;
	s20 =	smov.u32 s21;
	s23 =	sadd.s32 $0x200, s21  }
0x2e: {  	[tilespmem:s15], [sflag:$0x1] =	stream.indirect.gather [hbm4b:s4+s14], $0x10, s22, s14, $0xb8;
	[tilespmem:$0x1A000] =	vst v63  }
0x2f: {  	p0 =	sne.s32 s21, $0x18E00;
	_ =	swait.ge [sflag:s16], $0x800  }
.Ltmp1:
0x30: {  	[sflag:s16] =	ssyncset.done $0x0;
	(pc) =	sbr.rel @p0 .LBB2_4-.Ltmp1, $4  }
0x31: {  	s21 =	sadd.s32 $0x6400, s22;
	[sflag:s16] =	ssyncadd.s32 $0xFFFFF800  }
0x32: {  	[spmem:s2] =	stream.indirect.scatter.add.f32 [tilespmem:s15], [sflag:$0x2], $0x10, s21, s14, $0xb8;
	[tilespmem:$0x1A000] =	vst v63  }
0x33: {  	_ =	swait.ge [sflag:s12], $0x800  }
0x34: {  	s21 =	smov.u32 s23;
	[sflag:s12] =	ssyncset.done $0x0  }
0x35: {  	s20 =	sshra.s32 s20, $0x2;
	[sflag:s12] =	ssyncadd.s32 $0xFFFFF800  }
0x36: {  	[tilespmem:s15], [sflag:$0x1] =	stream.indirect.gather [hbm4b:s4+s14], $0x10, s20, s14, $0xb8;
	[tilespmem:$0x1A000] =	vst v63  }
0x37: {  	_ =	swait.ge [sflag:s16], $0x800  }
0x38: {  	[sflag:s16] =	ssyncset.done $0x0  }
0x39: {  	s20 =	sadd.s32 $0x6400, s20;
	[sflag:s16] =	ssyncadd.s32 $0xFFFFF800  }
0x3a: {  	[spmem:s2] =	stream.indirect.scatter.add.f32 [tilespmem:s15], [sflag:$0x2], $0x10, s20, s14, $0xb8;
	[tilespmem:$0x1A000] =	vst v63  }
0x3b: {  	_ =	swait.ge [sflag:s12], $0x800  }
0x3c: {  	s19 =	sadd.s32 $0x1, s19;
	[sflag:s12] =	ssyncset.done $0x0  }
0x3d: {  	p0 =	sne.s32 s19, s10;
	[sflag:s12] =	ssyncadd.s32 $0xFFFFF800  }
.Ltmp2:
0x3e: {  	[bflag:$0x0] =	sbarrier.arrive $0xFFFF;
	(pc) =	sbr.rel @p0 .LBB2_1-.Ltmp2, $4  }
0x3f: {  	[hbm:s9], [sflag:s17] =	dma.local [spmem:s18], $0x1900  }
0x40: {  	_ =	swait.ge [sflag:s12], $0x1900  }
0x41: {  	[sflag:s12] =	ssyncset.done $0x0  }
0x42: {  	[sflag:s12] =	ssyncadd.s32 $0xFFFFE700  }
0x43: {  	_ =	sfence.sel $0x180000  }
0x44: {  	[bflag:$0x0] =	sbarrier.arrive $0xFFFF  }
0x45: {  	p0 =	sne.s32 s0, $0x0;
	_ =	strace $0x90000053  }
0x46: {  	s0 =	sadd.s32 @!p0 $0x100000, s1;
	[bflag:$0x2] =	sbarrier.arrive $0xFFFF  }
0x47: {  	[sflag:s0] =	ssyncadd.tile.s32 @!p0 $0x1;
	_ =	shalt  }
.Lfunc_end2:
_tile_overlayer_lowered:
.L_overlay_start_2:
0x48: {  	(tag) =	ssettag $0x2  }
0x49: {  	s0 =	rddreg [dreg:$0x0];
	s2 =	stileid.u32  }
0x4a: {  	s1 =	rddreg [dreg:$0x1];
	p0 =	sne.s32 s2, $0x0  }
0x4b: {  	s3 =	rddreg [dreg:$0x2];
	[bflag:$0x3] =	sbarrier.arrive $0xFFFF;
	s2 =	simm.s32 @!p0 $0x1C02  }
0x4c: {  	[timem:s3], [sflag:s2] =	dma.local @!p0 [hbm:s0], s1  }
0x4d: {  	s0 =	simm.s32 @!p0 $0x2  }
0x4e: {  	_ =	swait.ge @!p0 [sflag:s0], s1  }
0x4f: {  	s1 =	ssub.s32 @!p0 $0x0, s1;
	[sflag:s0] =	ssyncset.done @!p0 $0x0  }
0x50: {  	[sflag:s0] =	ssyncadd.s32 @!p0 s1  }
0x51: {  	[bflag:$0x3] =	sbarrier.arrive $0xFFFF  }
0x52: {  	_ =	shalt  }

// kernel: kernel.28.cloned.1.call-start
scs
__scs_entry_jumppad:
0x0: {  	(pc) =	sbr.rel $0x88, $3  }
0x1: {  	(tag) =	ssettag $0x0;
	lr =	simm.s32 $0x1  }
0x2: {  	[smem:$0x3F8C] =	sst lr;
	_ =	strace $0xD0000000  }
0x3: {  	_ = 	snop  }
0x4: {  	_ = 	snop  }
0x5: {  	_ = 	snop  }
0x6: {  	_ = 	snop  }
0x7: {  	_ = 	snop  }
__scs_overlays_trampoline_lowered:
0x8: {  	[smem:$0x3F9B] =	sst s0  }
0x9: {  	[smem:$0x3F9C] =	sst s1  }
0xa: {  	[smem:$0x3F9D] =	sst s2  }
0xb: {  	[smem:$0x3F9E] =	sst s3  }
0xc: {  	[smem:$0x3F9F] =	sst s4  }
0xd: {  	[smem:$0x3FA0] =	sst s5  }
0xe: {  	[smem:$0x3FA1] =	sst s6  }
0xf: {  	[smem:$0x3FA2] =	sst s7  }
0x10: {  	[smem:$0x3FA3] =	sst s8  }
0x11: {  	[smem:$0x3FA4] =	sst s9;
	s0 =	simm.s32 @!p0 $0x0  }
0x12: {  	s1 =	sld [smem:$0x3F8A];
	s0 =	simm.s32 @p0 $0x1  }
0x13: {  	[smem:$0x3FA5] =	sst s0;
	s0 =	simm.s32 @!p1 $0x0  }
0x14: {  	s2 =	sld [smem:$0x3F89];
	s0 =	simm.s32 @p1 $0x1  }
0x15: {  	[smem:$0x3FA6] =	sst s0;
	s0 =	simm.s32 @!p2 $0x0  }
0x16: {  	s3 =	sld [smem:$0x3FDB];
	s0 =	simm.s32 @p2 $0x1  }
0x17: {  	s4 =	simm.s32 $0x1BF5;
	[smem:$0x3FA8] =	sst s0  }
0x18: {  	s0 =	sld [smem:$0x3F8B];
	_ =	swait.ge [sflag:s4], $0x0  }
0x19: {  	s7 =	sld [smem:$0x3F8C]  }
0x1a: {  	s8 =	sadd.s32 $0xFFFFE003, lr  }
0x1b: {  	s9 =	sadd.s32 $0xFFFFFEF7, lr;
	s5 =	simm.s32 $0xFFFFFFFF;
	p2 =	slt.u32 s8, $0xFFFFF086  }
0x1c: {  	p1 =	slt.u32 s9, $0xF7A;
	s5 =	simm.s32 @!p2 $0x0  }
0x1d: {  	s5 =	simm.s32 @p1 $0x1;
	p0 =	seq.s32 s7, s2  }
0x1e: {  	s7 =	smul.u32 @!p0 $0xF7A, s2;
	p2 =	seq.s32 @!p0 s5, $0x0  }
0x1f: {  	s9 =	smul.u32 $0xF7A, s1;
	s8 =	simm.s32 @!p0 $0x1BF5;
	p2 =	por !p2, p0  }
0x20: {  	[sflag:s8] =	ssyncset.s32 @!p0 $0xFFFFF086;
	s6 =	sadd.s32 @!p0 s3, s7;
	s7 =	simm.s32 @!p0 $0x108  }
0x21: {  	s3 =	sadd.s32 s3, s9;
	s6 =	sadd.s32 @!p0 $0x88, s6;
	s7 =	simm.s32 @p2 $0x1082  }
0x22: {  	[simem:s7], [sflag:s8] =	dma.local @!p0 [hbm:s6], $0xF7A  }
0x23: {  	s9 =	sor.u32 $0xD0000000, s2;
	s6 =	simm.s32 $0x108;
	_ =	swait.ge @!p0 [sflag:s8], $0x0  }
0x24: {  	s3 =	sadd.s32 $0x88, s3;
	s6 =	simm.s32 @!p1 $0x1082;
	[sflag:s4] =	ssyncset.s32 $0xFFFFF086  }
0x25: {  	[simem:s6], [sflag:s4] =	dma.local [hbm:s3], $0xF7A  }
0x26: {  	[smem:$0x3F8C] =	sst s1;
	(tag) =	ssettag s2;
	_ =	strace s9  }
0x27: {  	s1 =	sld [smem:$0x3F9C]  }
0x28: {  	s2 =	sld [smem:$0x3F9D]  }
0x29: {  	s4 =	sld [smem:$0x3F9F]  }
0x2a: {  	p0 =	seq.s32 s5, $0x0;
	s5 =	sld [smem:$0x3FA0]  }
0x2b: {  	s6 =	sld [smem:$0x3FA1]  }
0x2c: {  	s7 =	sld [smem:$0x3FA2]  }
0x2d: {  	s3 =	simm.s32 $0x108;
	s8 =	sld [smem:$0x3FA3]  }
0x2e: {  	s3 =	simm.s32 @!p0 $0x1082;
	s9 =	sld [smem:$0x3FA4]  }
0x2f: {  	lr =	sadd.s32 s0, s3;
	s0 =	sld [smem:$0x3F9B]  }
0x30: {  	s3 =	sld [smem:$0x3F9E]  }
0x31: {  	[smem:$0x3FA7] =	sst s10  }
0x32: {  	s10 =	sld [smem:$0x3FA5];
	_ =	sdelay $0x3  }
0x33: {  	p0 =	seq.s32 s10, $0x1;
	s10 =	sld [smem:$0x3FA7];
	_ =	sdelay $0x3  }
0x34: {  	[smem:$0x3FA7] =	sst s10  }
0x35: {  	s10 =	sld [smem:$0x3FA6];
	_ =	sdelay $0x3  }
0x36: {  	p1 =	seq.s32 s10, $0x1;
	s10 =	sld [smem:$0x3FA7];
	_ =	sdelay $0x3  }
0x37: {  	[smem:$0x3FA7] =	sst s10  }
0x38: {  	s10 =	sld [smem:$0x3FA8]  }
0x39: {  	_ = 	snop;
	(pc) =	sbr.ind lr, $3  }
0x3a: {  	_ = 	snop  }
0x3b: {  	_ = 	snop  }
0x3c: {  	p2 =	seq.s32 s10, $0x1;
	s10 =	sld [smem:$0x3FA7]  }
0x3d: {  	_ =	shalt  }
0x3e: {  	_ =	shalt  }
0x3f: {  	_ =	shalt  }
0x40: {  	_ =	shalt  }
0x41: {  	_ =	shalt  }
0x42: {  	_ =	shalt  }
0x43: {  	_ =	shalt  }
0x44: {  	_ =	shalt  }
0x45: {  	_ =	shalt  }
0x46: {  	_ =	shalt  }
0x47: {  	_ =	shalt  }
0x48: {  	_ =	shalt  }
0x49: {  	_ =	shalt  }
0x4a: {  	_ =	shalt  }
0x4b: {  	_ =	shalt  }
0x4c: {  	_ =	shalt  }
0x4d: {  	_ =	shalt  }
0x4e: {  	_ =	shalt  }
0x4f: {  	_ =	shalt  }
0x50: {  	_ =	shalt  }
0x51: {  	_ =	shalt  }
0x52: {  	_ =	shalt  }
0x53: {  	_ =	shalt  }
0x54: {  	_ =	shalt  }
0x55: {  	_ =	shalt  }
0x56: {  	_ =	shalt  }
0x57: {  	_ =	shalt  }
0x58: {  	_ =	shalt  }
0x59: {  	_ =	shalt  }
0x5a: {  	_ =	shalt  }
0x5b: {  	_ =	shalt  }
0x5c: {  	_ =	shalt  }
0x5d: {  	_ =	shalt  }
0x5e: {  	_ =	shalt  }
0x5f: {  	_ =	shalt  }
0x60: {  	_ =	shalt  }
0x61: {  	_ =	shalt  }
0x62: {  	_ =	shalt  }
0x63: {  	_ =	shalt  }
0x64: {  	_ =	shalt  }
0x65: {  	_ =	shalt  }
0x66: {  	_ =	shalt  }
0x67: {  	_ =	shalt  }
0x68: {  	_ =	shalt  }
0x69: {  	_ =	shalt  }
0x6a: {  	_ =	shalt  }
0x6b: {  	_ =	shalt  }
0x6c: {  	_ =	shalt  }
0x6d: {  	_ =	shalt  }
0x6e: {  	_ =	shalt  }
0x6f: {  	_ =	shalt  }
0x70: {  	_ =	shalt  }
0x71: {  	_ =	shalt  }
0x72: {  	_ =	shalt  }
0x73: {  	_ =	shalt  }
0x74: {  	_ =	shalt  }
0x75: {  	_ =	shalt  }
0x76: {  	_ =	shalt  }
0x77: {  	_ =	shalt  }
0x78: {  	_ =	shalt  }
0x79: {  	_ =	shalt  }
0x7a: {  	_ =	shalt  }
0x7b: {  	_ =	shalt  }
0x7c: {  	_ =	shalt  }
0x7d: {  	_ =	shalt  }
0x7e: {  	_ =	shalt  }
0x7f: {  	_ =	shalt  }
0x80: {  	_ =	shalt  }
0x81: {  	_ =	shalt  }
0x82: {  	_ =	shalt  }
0x83: {  	_ =	shalt  }
0x84: {  	_ =	shalt  }
0x85: {  	_ =	shalt  }
0x86: {  	_ =	shalt  }
0x87: {  	_ =	shalt  }
.Lfunc_end0:
.L_simem_size_0:
called_computation.5_lowered:
.L_overlay_start_0:
0x88: {  	s2 =	sld [smem:$0x3FD9]  }
0x89: {  	s3 =	sld [smem:$0x3FFE];
	_ =	sdelay $0x1  }
0x8a: {  	s1 =	srdreg.scid  }
0x8b: {  	s0 =	sand.u32 $0x1, s1  }
0x8c: {  	s16 =	sshll.u32 s0, $0xA;
	s2 =	sadd.s32 s3, s2  }
0x8d: {  	s2 =	sadd.s32 s2, s16  }
0x8e: {  	[smem:$0x3FB3] =	sst s2  }
0x8f: {  	_ = 	snop  }
0x90: {  	(tm) =	ssettm $0x1  }
0x91: {  	s17 =	sld [smem:$0x3FFB];
	_ =	sdelay $0x3  }
0x92: {  	_ =	strace s17  }
0x93: {  	s2 =	sld [smem:$0x3FFC];
	_ =	sdelay $0x3  }
0x94: {  	_ =	strace s2  }
0x95: {  	s2 =	sld [smem:$0x3FFD];
	_ =	sdelay $0x3  }
0x96: {  	_ =	strace s2  }
0x97: {  	_ =	strace $0x8FFFFFFF  }
0x98: {  	s18 =	sld [smem:$0x3FDB];
	_ =	sdelay $0x1  }
0x99: {  	s19 =	simm.s32 $_scs_section_size  }
0x9a: {  	s4 =	simm.s32 $_size__tile_overlayer_lowered;
	s5 =	simm.s32 $_tile_overlayer_lowered  }
0x9b: {  	s22 =	simm.s32 $0x1BFF;
	s21 =	sshll.u32 s5, $0x1;
	s2 =	sadd.s32 s19, s18  }
0x9c: {  	s6 =	simm.s32 $0x0;
	s20 =	sshll.u32 s4, $0x1;
	s4 =	sadd.s32 s21, s2  }
0x9d: {  	[timem:s6], [sflag:s22] =	dma.local [hbm:s4], s20  }
0x9e: {  	_ =	swait.ge [sflag:s22], s20  }
0x9f: {  	s3 =	ssub.s32 $0x0, s20;
	[sflag:s22] =	ssyncset.done $0x0  }
0xa0: {  	[sflag:s22] =	ssyncadd.s32 s3;
	_ =	sdelay $0x1  }
0xa1: {  	s23 =	simm.s32 $0x1B8B  }
0xa2: {  	_ =	swait.ge [sflag:s23], $0x1  }
0xa3: {  	[sflag:s23] =	ssyncset.done $0x0  }
0xa4: {  	s25 =	simm.s32 $0x1B8E;
	s24 =	sld [smem:$0x3FFE];
	[sflag:s23] =	ssyncadd.s32 $0xFFFFFFFF  }
0xa5: {  	s26 =	simm.s32 $execute0_lowered;
	[smem:$0x3FD2] =	sst s25  }
0xa6: {  	s4 =	sshll.u32 s26, $0x1;
	_ =	strace $0x8000004C;
	[dreg:$0x1] =	wrdreg $0xFFFFFFFF  }
0xa7: {  	s28 =	simm.s32 $_size_execute0_lowered;
	s2 =	sadd.s32 s2, s4;
	[dreg:$0x0] =	wrdreg $0x0  }
0xa8: {  	s4 =	sshll.u32 s28, $0x1;
	[dreg:$0x2] =	wrdreg s2  }
0xa9: {  	[dreg:$0x3] =	wrdreg s4  }
0xaa: {  	[dreg:$0x4] =	wrdreg $0xC0  }
0xab: {  	_ =	task [dreg:s6], $0x5FFFF  }
0xac: {  	[dreg:$0x1] =	wrdreg $0xFFFFFFFF  }
0xad: {  	[dreg:$0x0] =	wrdreg $0x60  }
0xae: {  	[dreg:$0x2] =	wrdreg s24  }
0xaf: {  	[dreg:$0x3] =	wrdreg $0xD8000  }
0xb0: {  	[dreg:$0x4] =	wrdreg $0xC  }
0xb1: {  	_ =	task.clear_ibuf [dreg:s6], $0x5FFFF;
	_ =	strace $0x9000004C  }
0xb2: {  	s29 =	simm.s32 $0xC;
	_ =	strace $0x8000004E  }
0xb3: {  	_ =	swait.ge [sflag:s29], $0x1  }
0xb4: {  	[sflag:s29] =	ssyncadd.s32 $0xFFFFFFFF  }
0xb5: {  	_ =	strace $0x9000004E  }
0xb6: {  	_ =	sfence  }
0xb7: {  	s30 =	sld [smem:$0x0];
	_ =	sdelay $0x2  }
0xb8: {  	s31 =	sshll.u32 s1, $0xD;
	s1 =	sshrl.u32 s1, $0x2  }
0xb9: {  	s3 =	sand.u32 $0x4000, s31;
	s1 =	sadd.s32 s1, s30  }
0xba: {  	s0 =	sor.u32 s3, s0;
	s1 =	sshll.u32 s1, $0x11  }
0xbb: {  	s0 =	sor.u32 s1, s0  }
0xbc: {  	s0 =	sadd.s32 $0x8F2B, s0  }
0xbd: {  	[sflag:s0] =	ssyncadd.remote.s32 $0x1  }
0xbe: {  	_ =	sfence.sel $0xFFFF  }
0xbf: {  	[dreg:$0x0] =	wrdreg $0xFFFFFFFF;
	(pc) =	sbr.abs _section_cstart, $3  }
0xc0: {  	[dreg:$0x1] =	wrdreg $0xFFFFFFFF  }
0xc1: {  	_ =	task.clear_ibuf [dreg:s6], $0x2FFFF;
	_ =	strace $0x9FFFFFFF  }
0xc2: {  	(tm) =	ssettm $0x7FFFFFFF  }
0xc3: {  	_ =	shalt  }
tec
execute0_lowered:
.L_overlay_start_1:
0x0: {  	(tag) =	ssettag $0x1  }
0x1: {  	s0 =	srdreg.scid;
	s7 =	rddreg [dreg:$0x0]  }
0x2: {  	s2 =	rddreg [dreg:$0x1];
	s3 =	simm.s32 $0x0;
	s14 =	simm.s32 $0x80  }
0x3: {  	s15 =	simm.s32 $0xC800;
	s16 =	simm.s32 $0x1;
	s6 =	sand.u32 $0x1, s0  }
0x4: {  	s19 =	simm.s32 $0x0;
	s0 =	stileid.u32;
	s8 =	smul.u32 $0xC8000, s6  }
0x5: {  	[smem:$0x7FF] =	sst s3;
	s5 =	sadd.s32 $0x3B600, s7;
	s10 =	smul.u32 $0xC800, s0  }
0x6: {  	s1 =	sshll.u32 s6, $0x4;
	s11 =	smul.u32 $0x32000, s0;
	s6 =	ssub.s32 $0x2, s6  }
0x7: {  	s17 =	sshll.u32 s0, $0x6;
	s4 =	sor.u32 s0, s1;
	s1 =	rddreg [dreg:$0x2]  }
0x8: {  	_ =	strace $0x8000004D;
	s12 =	sshrl.u32 s6, $0x1;
	s17 =	sor.u32 $0x1C02, s17  }
0x9: {  	s4 =	smul.u32 $0xC80, s4;
	s8 =	sadd.s32 s10, s8;
	s11 =	sshrl.u32 s11, $0x2  }
0xa: {  	s12 =	ssub.s32 s6, s12;
	s18 =	sadd.s32 s10, s2;
	s8 =	sshrl.u32 s8, $0x3  }
0xb: {  	s6 =	sadd.s32 s11, s2;
	s10 =	smax.u32 s12, $0x1;
	s11 =	simm.s32 $0xD000  }
0xc: {  	s12 =	simm.s32 $0x2;
	s18 =	sshrl.u32 s18, $0x3;
	s9 =	sadd.s32 s4, s7  }
0xd: {  	s4 =	sadd.s32 $0x22600, s7;
	s13 =	sadd.s32 s8, s7;
	s7 =	sadd.s32 $0xEDA00, s9  }
0xe: {  	s8 =	sadd.s32 $0x9600, s9;
	s9 =	sadd.s32 $0x3B800, s13;
	s13 =	simm.s32 $0x6400  }
.LBB2_1:
0xf: {  	[tilespmem:s11], [sflag:$0x2] =	stream.linear.gather [hbm4b:s5+s3], $0x800, $0x38;
	[tilespmem:$0x1A000] =	vst v63  }
0x10: {  	_ =	swait.ge [sflag:s12], $0x800  }
0x11: {  	[sflag:s12] =	ssyncset.done $0x0  }
0x12: {  	s20 =	sadd.s32 $0x0, s6;
	[sflag:s12] =	ssyncadd.s32 $0xFFFFF800  }
0x13: {  	[spmem:s20] =	stream.linear.scatter [tilespmem:s11], [sflag:$0x2], $0x800, $0x38;
	[tilespmem:$0x1A000] =	vst v63  }
0x14: {  	s20 =	simm.s32 $0x2000;
	_ =	swait.ge [sflag:s12], $0x800  }
.LBB2_2:
0x15: {  	s21 =	sshra.s32 s20, $0x2;
	[sflag:s12] =	ssyncset.done $0x0;
	p0 =	sne.s32 s20, $0x30000  }
.Ltmp0:
0x16: {  	s21 =	sadd.s32 s21, s6;
	[sflag:s12] =	ssyncadd.s32 $0xFFFFF800;
	(pc) =	sbr.rel @p0 .LBB2_2-.Ltmp0, $3  }
0x17: {  	[spmem:s21] =	stream.linear.scatter [tilespmem:s11], [sflag:$0x2], $0x800, $0x38;
	[tilespmem:$0x1A000] =	vst v63  }
0x18: {  	s20 =	sadd.s32 $0x2000, s20;
	_ =	sdelay $0x1  }
0x19: {  	_ =	swait.ge [sflag:s12], $0x800  }
0x1a: {  	[sflag:s12] =	ssyncset.done $0x0  }
0x1b: {  	s20 =	simm.s32 $0x0;
	[sflag:s12] =	ssyncadd.s32 $0xFFFFF800  }
0x1c: {  	[tilespmem:s20], [sflag:$0x2] =	stream.linear.gather [hbm4b:s7+s20], $0x6400, $0x38;
	[tilespmem:$0x1A000] =	vst v63  }
0x1d: {  	_ =	swait.ge [sflag:s12], $0x6400  }
0x1e: {  	[sflag:s12] =	ssyncset.done $0x0  }
0x1f: {  	[sflag:s12] =	ssyncadd.s32 $0xFFFF9C00  }
0x20: {  	[tilespmem:s13], [sflag:$0x2] =	stream.linear.gather [hbm4b:s8+s20], $0x6400, $0x38;
	[tilespmem:$0x1A000] =	vst v63  }
0x21: {  	_ =	swait.ge [sflag:s12], $0x6400  }
0x22: {  	[sflag:s12] =	ssyncset.done $0x0  }
0x23: {  	[sflag:s12] =	ssyncadd.s32 $0xFFFF9C00  }
0x24: {  	s30 =	simm.s32 $0x0;
	[bflag:$0x0] =	sbarrier.arrive $0xFFFF  }
0x25: {  	[tilespmem:s15], [sflag:$0x1] =	stream.indirect.gather [hbm4b:s4+s14], $0x10, s30, s14, $0xb8;
	[tilespmem:$0x1A000] =	vst v63  }
0x26: {  	_ =	swait.ge [sflag:s16], $0x800  }
0x27: {  	[sflag:s16] =	ssyncset.done $0x0  }
0x28: {  	s31 =	simm.s32 $0x6400;
	[sflag:s16] =	ssyncadd.s32 $0xFFFFF800  }
0x29: {  	[spmem:s2] =	stream.indirect.scatter.add.f32 [tilespmem:s15], [sflag:$0x2], $0x10, s31, s14, $0xb8;
	[tilespmem:$0x1A000] =	vst v63  }
0x2a: {  	_ =	swait.ge [sflag:s12], $0x800  }
0x2b: {  	s21 =	simm.s32 $0x400;
	s20 =	simm.s32 $0x200;
	[sflag:s12] =	ssyncset.done $0x0  }
.LBB2_4:
0x2c: {  	s22 =	sshra.s32 s20, $0x2  }
0x2d: {  	[sflag:s12] =	ssyncadd.s32 $0xFFFFF800;
	s20 =	smov.u32 s21;
	s23 =	sadd.s32 $0x200, s21  }
0x2e: {  	[tilespmem:s15], [sflag:$0x1] =	stream.indirect.gather [hbm4b:s4+s14], $0x10, s22, s14, $0xb8;
	[tilespmem:$0x1A000] =	vst v63  }
0x2f: {  	p0 =	sne.s32 s21, $0x18E00;
	_ =	swait.ge [sflag:s16], $0x800  }
.Ltmp1:
0x30: {  	[sflag:s16] =	ssyncset.done $0x0;
	(pc) =	sbr.rel @p0 .LBB2_4-.Ltmp1, $4  }
0x31: {  	s21 =	sadd.s32 $0x6400, s22;
	[sflag:s16] =	ssyncadd.s32 $0xFFFFF800  }
0x32: {  	[spmem:s2] =	stream.indirect.scatter.add.f32 [tilespmem:s15], [sflag:$0x2], $0x10, s21, s14, $0xb8;
	[tilespmem:$0x1A000] =	vst v63  }
0x33: {  	_ =	swait.ge [sflag:s12], $0x800  }
0x34: {  	s21 =	smov.u32 s23;
	[sflag:s12] =	ssyncset.done $0x0  }
0x35: {  	s20 =	sshra.s32 s20, $0x2;
	[sflag:s12] =	ssyncadd.s32 $0xFFFFF800  }
0x36: {  	[tilespmem:s15], [sflag:$0x1] =	stream.indirect.gather [hbm4b:s4+s14], $0x10, s20, s14, $0xb8;
	[tilespmem:$0x1A000] =	vst v63  }
0x37: {  	_ =	swait.ge [sflag:s16], $0x800  }
0x38: {  	[sflag:s16] =	ssyncset.done $0x0  }
0x39: {  	s20 =	sadd.s32 $0x6400, s20;
	[sflag:s16] =	ssyncadd.s32 $0xFFFFF800  }
0x3a: {  	[spmem:s2] =	stream.indirect.scatter.add.f32 [tilespmem:s15], [sflag:$0x2], $0x10, s20, s14, $0xb8;
	[tilespmem:$0x1A000] =	vst v63  }
0x3b: {  	_ =	swait.ge [sflag:s12], $0x800  }
0x3c: {  	s19 =	sadd.s32 $0x1, s19;
	[sflag:s12] =	ssyncset.done $0x0  }
0x3d: {  	p0 =	sne.s32 s19, s10;
	[sflag:s12] =	ssyncadd.s32 $0xFFFFF800  }
.Ltmp2:
0x3e: {  	[bflag:$0x0] =	sbarrier.arrive $0xFFFF;
	(pc) =	sbr.rel @p0 .LBB2_1-.Ltmp2, $4  }
0x3f: {  	[hbm:s9], [sflag:s17] =	dma.local [spmem:s18], $0x1900  }
0x40: {  	_ =	swait.ge [sflag:s12], $0x1900  }
0x41: {  	[sflag:s12] =	ssyncset.done $0x0  }
0x42: {  	[sflag:s12] =	ssyncadd.s32 $0xFFFFE700  }
0x43: {  	_ =	sfence.sel $0x180000  }
0x44: {  	[bflag:$0x0] =	sbarrier.arrive $0xFFFF  }
0x45: {  	p0 =	sne.s32 s0, $0x0;
	_ =	strace $0x9000004D  }
0x46: {  	s0 =	sadd.s32 @!p0 $0x100000, s1;
	[bflag:$0x2] =	sbarrier.arrive $0xFFFF  }
0x47: {  	[sflag:s0] =	ssyncadd.tile.s32 @!p0 $0x1;
	_ =	shalt  }
.Lfunc_end2:
_tile_overlayer_lowered:
.L_overlay_start_2:
0x48: {  	(tag) =	ssettag $0x2  }
0x49: {  	s0 =	rddreg [dreg:$0x0];
	s2 =	stileid.u32  }
0x4a: {  	s1 =	rddreg [dreg:$0x1];
	p0 =	sne.s32 s2, $0x0  }
0x4b: {  	s3 =	rddreg [dreg:$0x2];
	[bflag:$0x3] =	sbarrier.arrive $0xFFFF;
	s2 =	simm.s32 @!p0 $0x1C02  }
0x4c: {  	[timem:s3], [sflag:s2] =	dma.local @!p0 [hbm:s0], s1  }
0x4d: {  	s0 =	simm.s32 @!p0 $0x2  }
0x4e: {  	_ =	swait.ge @!p0 [sflag:s0], s1  }
0x4f: {  	s1 =	ssub.s32 @!p0 $0x0, s1;
	[sflag:s0] =	ssyncset.done @!p0 $0x0  }
0x50: {  	[sflag:s0] =	ssyncadd.s32 @!p0 s1  }
0x51: {  	[bflag:$0x3] =	sbarrier.arrive $0xFFFF  }
0x52: {  	_ =	shalt  }

</sc_bundles>
